<compile_context>
chip_gen: v7x
topology: tpu7x:2x2x1
jax: 0.10.2.dev20260603
libtpu: 0.0.44.dev20260713+nightly
codegen_flags: <defaults>
</compile_context>

<pallas_src>
import jax
import jax.numpy as jnp
from jax import lax
from jax.experimental import pallas as pl
from jax.experimental.pallas import tpu as pltpu
from jax.experimental.pallas import tpu_sc as plsc

N = 10000
D = 128
NPAD = 10240
NW = 32
CH = 128
CHUNKS = 80
EPAD = NW * CHUNKS * CH
RPT = NPAD // 16
IH = 2
HC = CHUNKS // IH
EC = NW * CHUNKS
ECR = 2500
LASTR = ECR - (NW - 1) * CHUNKS

_MESH = plsc.VectorSubcoreMesh(core_axis_name="c", subcore_axis_name="s")


def _deg_body(e_hbm, degp_hbm, idx_d, buf, acc, sem_d):
    cid = lax.axis_index("c")
    sid = lax.axis_index("s")
    wid = cid * 16 + sid
    zeros = jnp.zeros((16,), jnp.float32)
    ones = jnp.full((16,), 1.0, jnp.float32)
    for j in range(8):
        buf[0, pl.ds(j * 16, 16)] = zeros
        buf[1, pl.ds(j * 16, 16)] = ones
    for k in range(RPT // CH):
        pltpu.sync_copy(buf.at[0], acc.at[pl.ds(sid * RPT + k * CH, CH)])
    plsc.subcore_barrier()
    nc = jnp.where(wid == NW - 1, LASTR, CHUNKS)

    @pl.when(wid != NW - 1)
    def _():
        pltpu.sync_copy(e_hbm.at[pl.ds(wid * CHUNKS, CHUNKS)], idx_d)

    @pl.when(wid == NW - 1)
    def _():
        pltpu.sync_copy(e_hbm.at[pl.ds(ECR - LASTR, LASTR)],
                        idx_d.at[pl.ds(0, LASTR)])

    def body(c, carry):
        pltpu.async_copy(buf.at[1], acc.at[idx_d.at[c, 1]], sem_d, add=True)
        return carry

    lax.fori_loop(0, nc, body, 0)

    def dbody(c, carry):
        pltpu.make_async_copy(buf.at[1], acc.at[idx_d.at[c, 1]], sem_d).wait()
        return carry

    lax.fori_loop(0, nc, dbody, 0)
    plsc.subcore_barrier()
    pltpu.sync_copy(acc.at[pl.ds(sid * RPT, RPT)],
                    degp_hbm.at[cid, pl.ds(sid * RPT, RPT)])


_deg_call = pl.kernel(
    _deg_body,
    out_type=jax.ShapeDtypeStruct((2, NPAD), jnp.float32),
    mesh=_MESH,
    scratch_types=[
        pltpu.VMEM((CHUNKS, 2, CH), jnp.int32),
        pltpu.VMEM((2, CH), jnp.float32),
        pltpu.VMEM_SHARED((NPAD,), jnp.float32),
        pltpu.SemaphoreType.DMA,
    ],
)


def _agg_body(y_hbm, e_hbm, ap_hbm, idx, rows_a, rows_b, acc, sem_a, sem_b):
    cid = lax.axis_index("c")
    sid = lax.axis_index("s")
    wid = cid * 16 + sid
    zeros = jnp.zeros((16,), jnp.float32)

    def zbody(i, carry):
        for j in range(8):
            rows_a[i, pl.ds(j * 16, 16)] = zeros
        return carry

    lax.fori_loop(0, CH, zbody, 0)
    for k in range(RPT // CH):
        pltpu.sync_copy(rows_a, acc.at[pl.ds(sid * RPT + k * CH, CH)])
    plsc.subcore_barrier()

    for h in range(IH):
        hcw = jnp.where(wid == NW - 1, LASTR if h == 0 else 0, HC)

        @pl.when(wid != NW - 1)
        def _():
            pltpu.sync_copy(e_hbm.at[pl.ds(wid * CHUNKS + h * HC, HC)], idx)

        if h == 0:
            @pl.when(wid == NW - 1)
            def _():
                pltpu.sync_copy(e_hbm.at[pl.ds(ECR - LASTR, LASTR)],
                                idx.at[pl.ds(0, LASTR)])

        @pl.when(hcw > 0)
        def _():
            pltpu.async_copy(y_hbm.at[idx.at[0, 0]], rows_a, sem_a)
            pltpu.async_copy(y_hbm.at[idx.at[1, 0]], rows_b, sem_b)

        def body(i, carry):
            c = i * 2
            pltpu.make_async_copy(y_hbm.at[idx.at[c, 0]], rows_a, sem_a).wait()
            pltpu.sync_copy(rows_a, acc.at[idx.at[c, 1]], add=True)

            @pl.when(c + 2 < hcw)
            def _():
                pltpu.async_copy(y_hbm.at[idx.at[c + 2, 0]], rows_a, sem_a)

            pltpu.make_async_copy(y_hbm.at[idx.at[c + 1, 0]], rows_b, sem_b).wait()
            pltpu.sync_copy(rows_b, acc.at[idx.at[c + 1, 1]], add=True)

            @pl.when(c + 3 < hcw)
            def _():
                pltpu.async_copy(y_hbm.at[idx.at[c + 3, 0]], rows_b, sem_b)

            return carry

        lax.fori_loop(0, hcw // 2, body, 0)
    plsc.subcore_barrier()
    pltpu.sync_copy(acc.at[pl.ds(sid * RPT, RPT)],
                    ap_hbm.at[cid, pl.ds(sid * RPT, RPT)])


_agg_call = pl.kernel(
    _agg_body,
    out_type=jax.ShapeDtypeStruct((2, NPAD, D), jnp.float32),
    mesh=_MESH,
    scratch_types=[
        pltpu.VMEM((HC, 2, CH), jnp.int32),
        pltpu.VMEM((CH, D), jnp.float32),
        pltpu.VMEM((CH, D), jnp.float32),
        pltpu.VMEM_SHARED((NPAD, D), jnp.float32),
        pltpu.SemaphoreType.DMA,
        pltpu.SemaphoreType.DMA,
    ],
)


def _dinv_of(degt_ref):
    deg = degt_ref[:, 0:1] + degt_ref[:, 1:2] + 1.0
    return lax.rsqrt(deg)


def _tc1_body(x_ref, w_ref, degt_ref, y_ref):
    xs = x_ref[...] * _dinv_of(degt_ref)
    y_ref[...] = jnp.dot(xs, w_ref[...], preferred_element_type=jnp.float32)


def _tc2_body(ap_ref, degt_ref, y1_ref, w2_ref, b1_ref, y2_ref):
    dinv = _dinv_of(degt_ref)
    h = jnp.maximum(dinv * (ap_ref[0] + ap_ref[1] + y1_ref[...]) + b1_ref[...],
                    0.0)
    y2_ref[...] = jnp.dot(h * dinv, w2_ref[...],
                          preferred_element_type=jnp.float32)


def _tc3_body(ap_ref, degt_ref, y2_ref, b2_ref, out_ref):
    dinv = _dinv_of(degt_ref)
    out_ref[...] = dinv * (ap_ref[0] + ap_ref[1] + y2_ref[...]) + b2_ref[...]


_BLK = 2000
_GRID = (N // _BLK,)
_f32 = jnp.float32


def _tc1(x, W1, degt):
    return pl.pallas_call(
        _tc1_body,
        grid=_GRID,
        in_specs=[
            pl.BlockSpec((_BLK, D), lambda i: (i, 0)),
            pl.BlockSpec((D, D), lambda i: (0, 0)),
            pl.BlockSpec((_BLK, 2), lambda i: (i, 0)),
        ],
        out_specs=pl.BlockSpec((_BLK, D), lambda i: (i, 0)),
        out_shape=jax.ShapeDtypeStruct((NPAD, D), _f32),
    )(x, W1, degt)


def _tc2(ap1, degt, y1, W2, b1):
    return pl.pallas_call(
        _tc2_body,
        grid=_GRID,
        in_specs=[
            pl.BlockSpec((2, _BLK, D), lambda i: (0, i, 0)),
            pl.BlockSpec((_BLK, 2), lambda i: (i, 0)),
            pl.BlockSpec((_BLK, D), lambda i: (i, 0)),
            pl.BlockSpec((D, D), lambda i: (0, 0)),
            pl.BlockSpec((1, D), lambda i: (0, 0)),
        ],
        out_specs=pl.BlockSpec((_BLK, D), lambda i: (i, 0)),
        out_shape=jax.ShapeDtypeStruct((NPAD, D), _f32),
    )(ap1, degt, y1, W2, b1)


def _tc3(ap2, degt, y2, b2):
    return pl.pallas_call(
        _tc3_body,
        grid=_GRID,
        in_specs=[
            pl.BlockSpec((2, _BLK, D), lambda i: (0, i, 0)),
            pl.BlockSpec((_BLK, 2), lambda i: (i, 0)),
            pl.BlockSpec((_BLK, D), lambda i: (i, 0)),
            pl.BlockSpec((1, D), lambda i: (0, 0)),
        ],
        out_specs=pl.BlockSpec((_BLK, D), lambda i: (i, 0)),
        out_shape=jax.ShapeDtypeStruct((N, D), _f32),
    )(ap2, degt, y2, b2)


def kernel(x, edge_index, W1, b1, W2, b2):
    e3 = jnp.swapaxes(edge_index.reshape(2, ECR, CH), 0, 1)

    degp = _deg_call(e3)
    degt = degp.T
    y1 = _tc1(x, W1, degt)
    ap1 = _agg_call(y1, e3)
    y2 = _tc2(ap1, degt, y1, W2, b1.reshape(1, D))
    ap2 = _agg_call(y2, e3)
    return _tc3(ap2, degt, y2, b2.reshape(1, D))

# --- scband reference (transcript-rebuilt; emitter-appended) ---
"""Pipeline reference for scband-gcn-2-layers-10376640987637 (READ-ONLY COPY).

The authoritative reference and input builder live on the scoring server;
editing this copy changes nothing except your own understanding.
"""

import jax, jax.numpy as jnp
import numpy as np

N = 10000
E = 320000
D_IN = 128
D_HID = 128
D_OUT = 128


def setup_inputs(seed: int = 0) -> dict:
    key = jax.random.key(seed)
    k1, k2, k3, k4 = jax.random.split(key, 4)
    x = jax.random.normal(k1, (N, D_IN), dtype=jnp.float32)
    edge_index = jax.random.randint(k2, (2, E), 0, N, dtype=jnp.int32)
    W1 = jax.random.normal(k3, (D_IN, D_HID), dtype=jnp.float32) / np.sqrt(D_IN)
    b1 = jnp.zeros((D_HID,), dtype=jnp.float32)
    W2 = jax.random.normal(k4, (D_HID, D_OUT), dtype=jnp.float32) / np.sqrt(D_HID)
    b2 = jnp.zeros((D_OUT,), dtype=jnp.float32)
    return {"x": x, "edge_index": edge_index, "W1": W1, "b1": b1, "W2": W2, "b2": b2}


def gcn_conv(x, edge_index, W, b):
    # Faithful PyG GCNConv: add self-loops, symmetric degree normalization,
    # linear transform, scatter-add aggregation at target nodes, bias.
    n = x.shape[0]
    loop = jnp.arange(n, dtype=edge_index.dtype)
    src = jnp.concatenate([edge_index[0], loop])
    dst = jnp.concatenate([edge_index[1], loop])
    xw = x @ W
    deg = jnp.zeros((n,), dtype=xw.dtype).at[dst].add(1.0)
    dinv = jnp.where(deg > 0, jax.lax.rsqrt(deg), 0.0)
    norm = dinv[src] * dinv[dst]
    msg = xw[src] * norm[:, None]
    out = jnp.zeros((n, xw.shape[1]), dtype=xw.dtype).at[dst].add(msg)
    return out + b


def reference(x, edge_index, W1, b1, W2, b2):
    h = gcn_conv(x, edge_index, W1, b1)
    h = jax.nn.relu(h)
    h = gcn_conv(h, edge_index, W2, b2)
    return h

if __name__ == "__main__":
    import jax
    _d = setup_inputs()
    print(jax.jit(kernel)(*tuple(_d.values())))

</pallas_src>

<mosaic_0001>
#map = affine_map<(d0, d1) -> (0, 0)>
#map1 = affine_map<(d0, d1) -> (0, 0, 0)>
module attributes {stable_mosaic.version = 14 : i64} {
  func.func @_agg_body(%arg0: i32, %arg1: i32, %arg2: memref<10240x128xf32, #tpu.memory_space<hbm>>, %arg3: memref<2500x2x128xi32, #tpu.memory_space<hbm>>, %arg4: memref<2x10240x128xf32, #tpu.memory_space<hbm>>, %arg5: memref<40x2x128xi32, #tpu.memory_space<vmem>>, %arg6: memref<128x128xf32, #tpu.memory_space<vmem>>, %arg7: memref<128x128xf32, #tpu.memory_space<vmem>>, %arg8: memref<10240x128xf32, #tpu.memory_space<vmem_shared>>, %arg9: memref<!tpu.dma_semaphore, #tpu.memory_space<semaphore_mem>>, %arg10: memref<!tpu.dma_semaphore, #tpu.memory_space<semaphore_mem>>) attributes {dimension_semantics = [#tpu.dimension_semantics<core_parallel>, #tpu.dimension_semantics<subcore_parallel>], iteration_bounds = array<i64: 2, 16>, scalar_prefetch = 0 : i64, scratch_operands = 6 : i64, tpu.core_type = #tpu.core_type<sc_vector_subcore>, window_params = [{transform_indices = #map}, {transform_indices = #map1}, {transform_indices = #map1}]} {
    %mul3A = arith.constant 16 : i32
    %mul3A_0 = arith.muli %arg0, %mul3A : i32
    %add3A = arith.addi %mul3A_0, %arg1 : i32
    %broadcast_in_dim3A = arith.constant 0.000000e+00 : f32
    %broadcast_in_dim3A_1 = vector.broadcast %broadcast_in_dim3A : f32 to vector<16xf32>
    %scan3A = arith.constant 0 : i32
    %scan3A_2 = arith.constant 0 : i32
    %scan3A_3 = arith.constant 128 : i32
    %scan3A_4 = arith.addi %scan3A_2, %scan3A_3 : i32
    %scan3A_5 = arith.constant 1 : i32
    scf.for %scan3A_122 = %scan3A_2 to %scan3A_4 step %scan3A_5  : i32 {
      %swap3A = arith.index_cast %scan3A_122 : i32 to index
      %swap3A_123 = arith.constant 0 : index
      %swap3A_124 = tpu.vector_load %arg6[%swap3A, %swap3A_123] {strides = array<i32>} : memref<128x128xf32, #tpu.memory_space<vmem>>, vector<1x16xf32>,
      %swap3A_125 = vector.shape_cast %swap3A_124 : vector<1x16xf32> to vector<16xf32>
      %swap3A_126 = vector.shape_cast %broadcast_in_dim3A_1 : vector<16xf32> to vector<1x16xf32>
      tpu.vector_store %arg6[%swap3A, %swap3A_123], %swap3A_126 {strides = array<i32>} : memref<128x128xf32, #tpu.memory_space<vmem>>, vector<1x16xf32>,
      %swap3A_127 = arith.index_cast %scan3A_122 : i32 to index
      %swap3A_128 = arith.constant 16 : index
      %swap3A_129 = tpu.vector_load %arg6[%swap3A_127, %swap3A_128] {strides = array<i32>} : memref<128x128xf32, #tpu.memory_space<vmem>>, vector<1x16xf32>,
      %swap3A_130 = vector.shape_cast %swap3A_129 : vector<1x16xf32> to vector<16xf32>
      %swap3A_131 = vector.shape_cast %broadcast_in_dim3A_1 : vector<16xf32> to vector<1x16xf32>
      tpu.vector_store %arg6[%swap3A_127, %swap3A_128], %swap3A_131 {strides = array<i32>} : memref<128x128xf32, #tpu.memory_space<vmem>>, vector<1x16xf32>,
      %swap3A_132 = arith.index_cast %scan3A_122 : i32 to index
      %swap3A_133 = arith.constant 32 : index
      %swap3A_134 = tpu.vector_load %arg6[%swap3A_132, %swap3A_133] {strides = array<i32>} : memref<128x128xf32, #tpu.memory_space<vmem>>, vector<1x16xf32>,
      %swap3A_135 = vector.shape_cast %swap3A_134 : vector<1x16xf32> to vector<16xf32>
      %swap3A_136 = vector.shape_cast %broadcast_in_dim3A_1 : vector<16xf32> to vector<1x16xf32>
      tpu.vector_store %arg6[%swap3A_132, %swap3A_133], %swap3A_136 {strides = array<i32>} : memref<128x128xf32, #tpu.memory_space<vmem>>, vector<1x16xf32>,
      %swap3A_137 = arith.index_cast %scan3A_122 : i32 to index
      %swap3A_138 = arith.constant 48 : index
      %swap3A_139 = tpu.vector_load %arg6[%swap3A_137, %swap3A_138] {strides = array<i32>} : memref<128x128xf32, #tpu.memory_space<vmem>>, vector<1x16xf32>,
      %swap3A_140 = vector.shape_cast %swap3A_139 : vector<1x16xf32> to vector<16xf32>
      %swap3A_141 = vector.shape_cast %broadcast_in_dim3A_1 : vector<16xf32> to vector<1x16xf32>
      tpu.vector_store %arg6[%swap3A_137, %swap3A_138], %swap3A_141 {strides = array<i32>} : memref<128x128xf32, #tpu.memory_space<vmem>>, vector<1x16xf32>,
      %swap3A_142 = arith.index_cast %scan3A_122 : i32 to index
      %swap3A_143 = arith.constant 64 : index
      %swap3A_144 = tpu.vector_load %arg6[%swap3A_142, %swap3A_143] {strides = array<i32>} : memref<128x128xf32, #tpu.memory_space<vmem>>, vector<1x16xf32>,
      %swap3A_145 = vector.shape_cast %swap3A_144 : vector<1x16xf32> to vector<16xf32>
      %swap3A_146 = vector.shape_cast %broadcast_in_dim3A_1 : vector<16xf32> to vector<1x16xf32>
      tpu.vector_store %arg6[%swap3A_142, %swap3A_143], %swap3A_146 {strides = array<i32>} : memref<128x128xf32, #tpu.memory_space<vmem>>, vector<1x16xf32>,
      %swap3A_147 = arith.index_cast %scan3A_122 : i32 to index
      %swap3A_148 = arith.constant 80 : index
      %swap3A_149 = tpu.vector_load %arg6[%swap3A_147, %swap3A_148] {strides = array<i32>} : memref<128x128xf32, #tpu.memory_space<vmem>>, vector<1x16xf32>,
      %swap3A_150 = vector.shape_cast %swap3A_149 : vector<1x16xf32> to vector<16xf32>
      %swap3A_151 = vector.shape_cast %broadcast_in_dim3A_1 : vector<16xf32> to vector<1x16xf32>
      tpu.vector_store %arg6[%swap3A_147, %swap3A_148], %swap3A_151 {strides = array<i32>} : memref<128x128xf32, #tpu.memory_space<vmem>>, vector<1x16xf32>,
      %swap3A_152 = arith.index_cast %scan3A_122 : i32 to index
      %swap3A_153 = arith.constant 96 : index
      %swap3A_154 = tpu.vector_load %arg6[%swap3A_152, %swap3A_153] {strides = array<i32>} : memref<128x128xf32, #tpu.memory_space<vmem>>, vector<1x16xf32>,
      %swap3A_155 = vector.shape_cast %swap3A_154 : vector<1x16xf32> to vector<16xf32>
      %swap3A_156 = vector.shape_cast %broadcast_in_dim3A_1 : vector<16xf32> to vector<1x16xf32>
      tpu.vector_store %arg6[%swap3A_152, %swap3A_153], %swap3A_156 {strides = array<i32>} : memref<128x128xf32, #tpu.memory_space<vmem>>, vector<1x16xf32>,
      %swap3A_157 = arith.index_cast %scan3A_122 : i32 to index
      %swap3A_158 = arith.constant 112 : index
      %swap3A_159 = tpu.vector_load %arg6[%swap3A_157, %swap3A_158] {strides = array<i32>} : memref<128x128xf32, #tpu.memory_space<vmem>>, vector<1x16xf32>,
      %swap3A_160 = vector.shape_cast %swap3A_159 : vector<1x16xf32> to vector<16xf32>
      %swap3A_161 = vector.shape_cast %broadcast_in_dim3A_1 : vector<16xf32> to vector<1x16xf32>
      tpu.vector_store %arg6[%swap3A_157, %swap3A_158], %swap3A_161 {strides = array<i32>} : memref<128x128xf32, #tpu.memory_space<vmem>>, vector<1x16xf32>,
    }
    %scan3A_6 = arith.constant 128 : i32
    %mul3A_7 = arith.constant 640 : i32
    %mul3A_8 = arith.muli %arg1, %mul3A_7 : i32
    %add3A_9 = arith.constant 0 : i32
    %add3A_10 = arith.addi %mul3A_8, %add3A_9 : i32
    "tpu.region"() ({
      %run_scoped3A = tpu.sem_alloc : memref<!tpu.dma_semaphore, #tpu.memory_space<semaphore_mem>>
      %dma_start3A = arith.constant 0 : i32
      %dma_start3A_122 = tpu.memref_slice %arg8[%add3A_10, %dma_start3A] : memref<10240x128xf32, #tpu.memory_space<vmem_shared>> -> memref<128x128xf32, #tpu.memory_space<vmem_shared>>
      %dma_start3A_123 = arith.constant 0 : i32
      %dma_start3A_124 = tpu.memref_slice %arg8[%add3A_10, %dma_start3A_123] : memref<10240x128xf32, #tpu.memory_space<vmem_shared>> -> memref<128x128xf32, #tpu.memory_space<vmem_shared>>
      tpu.enqueue_dma source(%arg6 : memref<128x128xf32, #tpu.memory_space<vmem>>) target(%dma_start3A_124 : memref<128x128xf32, #tpu.memory_space<vmem_shared>>) target_semaphore(%run_scoped3A : memref<!tpu.dma_semaphore, #tpu.memory_space<semaphore_mem>>)
      %dma_wait3A = arith.constant 0 : i32
      %dma_wait3A_125 = tpu.memref_slice %arg8[%add3A_10, %dma_wait3A] : memref<10240x128xf32, #tpu.memory_space<vmem_shared>> -> memref<128x128xf32, #tpu.memory_space<vmem_shared>>
      %dma_wait3A_126 = arith.constant 0 : i32
      %dma_wait3A_127 = tpu.memref_slice %arg8[%add3A_10, %dma_wait3A_126] : memref<10240x128xf32, #tpu.memory_space<vmem_shared>> -> memref<128x128xf32, #tpu.memory_space<vmem_shared>>
      tpu.wait_dma2 semaphore(%run_scoped3A : memref<!tpu.dma_semaphore, #tpu.memory_space<semaphore_mem>>) src(%arg6 : memref<128x128xf32, #tpu.memory_space<vmem>>) dst(%dma_wait3A_127 : memref<128x128xf32, #tpu.memory_space<vmem_shared>>)
      tpu.yield
    }) : () -> ()
    %mul3A_11 = arith.constant 640 : i32
    %mul3A_12 = arith.muli %arg1, %mul3A_11 : i32
    %add3A_13 = arith.constant 128 : i32
    %add3A_14 = arith.addi %mul3A_12, %add3A_13 : i32
    "tpu.region"() ({
      %run_scoped3A = tpu.sem_alloc : memref<!tpu.dma_semaphore, #tpu.memory_space<semaphore_mem>>
      %dma_start3A = arith.constant 0 : i32
      %dma_start3A_122 = tpu.memref_slice %arg8[%add3A_14, %dma_start3A] : memref<10240x128xf32, #tpu.memory_space<vmem_shared>> -> memref<128x128xf32, #tpu.memory_space<vmem_shared>>
      %dma_start3A_123 = arith.constant 0 : i32
      %dma_start3A_124 = tpu.memref_slice %arg8[%add3A_14, %dma_start3A_123] : memref<10240x128xf32, #tpu.memory_space<vmem_shared>> -> memref<128x128xf32, #tpu.memory_space<vmem_shared>>
      tpu.enqueue_dma source(%arg6 : memref<128x128xf32, #tpu.memory_space<vmem>>) target(%dma_start3A_124 : memref<128x128xf32, #tpu.memory_space<vmem_shared>>) target_semaphore(%run_scoped3A : memref<!tpu.dma_semaphore, #tpu.memory_space<semaphore_mem>>)
      %dma_wait3A = arith.constant 0 : i32
      %dma_wait3A_125 = tpu.memref_slice %arg8[%add3A_14, %dma_wait3A] : memref<10240x128xf32, #tpu.memory_space<vmem_shared>> -> memref<128x128xf32, #tpu.memory_space<vmem_shared>>
      %dma_wait3A_126 = arith.constant 0 : i32
      %dma_wait3A_127 = tpu.memref_slice %arg8[%add3A_14, %dma_wait3A_126] : memref<10240x128xf32, #tpu.memory_space<vmem_shared>> -> memref<128x128xf32, #tpu.memory_space<vmem_shared>>
      tpu.wait_dma2 semaphore(%run_scoped3A : memref<!tpu.dma_semaphore, #tpu.memory_space<semaphore_mem>>) src(%arg6 : memref<128x128xf32, #tpu.memory_space<vmem>>) dst(%dma_wait3A_127 : memref<128x128xf32, #tpu.memory_space<vmem_shared>>)
      tpu.yield
    }) : () -> ()
    %mul3A_15 = arith.constant 640 : i32
    %mul3A_16 = arith.muli %arg1, %mul3A_15 : i32
    %add3A_17 = arith.constant 256 : i32
    %add3A_18 = arith.addi %mul3A_16, %add3A_17 : i32
    "tpu.region"() ({
      %run_scoped3A = tpu.sem_alloc : memref<!tpu.dma_semaphore, #tpu.memory_space<semaphore_mem>>
      %dma_start3A = arith.constant 0 : i32
      %dma_start3A_122 = tpu.memref_slice %arg8[%add3A_18, %dma_start3A] : memref<10240x128xf32, #tpu.memory_space<vmem_shared>> -> memref<128x128xf32, #tpu.memory_space<vmem_shared>>
      %dma_start3A_123 = arith.constant 0 : i32
      %dma_start3A_124 = tpu.memref_slice %arg8[%add3A_18, %dma_start3A_123] : memref<10240x128xf32, #tpu.memory_space<vmem_shared>> -> memref<128x128xf32, #tpu.memory_space<vmem_shared>>
      tpu.enqueue_dma source(%arg6 : memref<128x128xf32, #tpu.memory_space<vmem>>) target(%dma_start3A_124 : memref<128x128xf32, #tpu.memory_space<vmem_shared>>) target_semaphore(%run_scoped3A : memref<!tpu.dma_semaphore, #tpu.memory_space<semaphore_mem>>)
      %dma_wait3A = arith.constant 0 : i32
      %dma_wait3A_125 = tpu.memref_slice %arg8[%add3A_18, %dma_wait3A] : memref<10240x128xf32, #tpu.memory_space<vmem_shared>> -> memref<128x128xf32, #tpu.memory_space<vmem_shared>>
      %dma_wait3A_126 = arith.constant 0 : i32
      %dma_wait3A_127 = tpu.memref_slice %arg8[%add3A_18, %dma_wait3A_126] : memref<10240x128xf32, #tpu.memory_space<vmem_shared>> -> memref<128x128xf32, #tpu.memory_space<vmem_shared>>
      tpu.wait_dma2 semaphore(%run_scoped3A : memref<!tpu.dma_semaphore, #tpu.memory_space<semaphore_mem>>) src(%arg6 : memref<128x128xf32, #tpu.memory_space<vmem>>) dst(%dma_wait3A_127 : memref<128x128xf32, #tpu.memory_space<vmem_shared>>)
      tpu.yield
    }) : () -> ()
    %mul3A_19 = arith.constant 640 : i32
    %mul3A_20 = arith.muli %arg1, %mul3A_19 : i32
    %add3A_21 = arith.constant 384 : i32
    %add3A_22 = arith.addi %mul3A_20, %add3A_21 : i32
    "tpu.region"() ({
      %run_scoped3A = tpu.sem_alloc : memref<!tpu.dma_semaphore, #tpu.memory_space<semaphore_mem>>
      %dma_start3A = arith.constant 0 : i32
      %dma_start3A_122 = tpu.memref_slice %arg8[%add3A_22, %dma_start3A] : memref<10240x128xf32, #tpu.memory_space<vmem_shared>> -> memref<128x128xf32, #tpu.memory_space<vmem_shared>>
      %dma_start3A_123 = arith.constant 0 : i32
      %dma_start3A_124 = tpu.memref_slice %arg8[%add3A_22, %dma_start3A_123] : memref<10240x128xf32, #tpu.memory_space<vmem_shared>> -> memref<128x128xf32, #tpu.memory_space<vmem_shared>>
      tpu.enqueue_dma source(%arg6 : memref<128x128xf32, #tpu.memory_space<vmem>>) target(%dma_start3A_124 : memref<128x128xf32, #tpu.memory_space<vmem_shared>>) target_semaphore(%run_scoped3A : memref<!tpu.dma_semaphore, #tpu.memory_space<semaphore_mem>>)
      %dma_wait3A = arith.constant 0 : i32
      %dma_wait3A_125 = tpu.memref_slice %arg8[%add3A_22, %dma_wait3A] : memref<10240x128xf32, #tpu.memory_space<vmem_shared>> -> memref<128x128xf32, #tpu.memory_space<vmem_shared>>
      %dma_wait3A_126 = arith.constant 0 : i32
      %dma_wait3A_127 = tpu.memref_slice %arg8[%add3A_22, %dma_wait3A_126] : memref<10240x128xf32, #tpu.memory_space<vmem_shared>> -> memref<128x128xf32, #tpu.memory_space<vmem_shared>>
      tpu.wait_dma2 semaphore(%run_scoped3A : memref<!tpu.dma_semaphore, #tpu.memory_space<semaphore_mem>>) src(%arg6 : memref<128x128xf32, #tpu.memory_space<vmem>>) dst(%dma_wait3A_127 : memref<128x128xf32, #tpu.memory_space<vmem_shared>>)
      tpu.yield
    }) : () -> ()
    %mul3A_23 = arith.constant 640 : i32
    %mul3A_24 = arith.muli %arg1, %mul3A_23 : i32
    %add3A_25 = arith.constant 512 : i32
    %add3A_26 = arith.addi %mul3A_24, %add3A_25 : i32
    "tpu.region"() ({
      %run_scoped3A = tpu.sem_alloc : memref<!tpu.dma_semaphore, #tpu.memory_space<semaphore_mem>>
      %dma_start3A = arith.constant 0 : i32
      %dma_start3A_122 = tpu.memref_slice %arg8[%add3A_26, %dma_start3A] : memref<10240x128xf32, #tpu.memory_space<vmem_shared>> -> memref<128x128xf32, #tpu.memory_space<vmem_shared>>
      %dma_start3A_123 = arith.constant 0 : i32
      %dma_start3A_124 = tpu.memref_slice %arg8[%add3A_26, %dma_start3A_123] : memref<10240x128xf32, #tpu.memory_space<vmem_shared>> -> memref<128x128xf32, #tpu.memory_space<vmem_shared>>
      tpu.enqueue_dma source(%arg6 : memref<128x128xf32, #tpu.memory_space<vmem>>) target(%dma_start3A_124 : memref<128x128xf32, #tpu.memory_space<vmem_shared>>) target_semaphore(%run_scoped3A : memref<!tpu.dma_semaphore, #tpu.memory_space<semaphore_mem>>)
      %dma_wait3A = arith.constant 0 : i32
      %dma_wait3A_125 = tpu.memref_slice %arg8[%add3A_26, %dma_wait3A] : memref<10240x128xf32, #tpu.memory_space<vmem_shared>> -> memref<128x128xf32, #tpu.memory_space<vmem_shared>>
      %dma_wait3A_126 = arith.constant 0 : i32
      %dma_wait3A_127 = tpu.memref_slice %arg8[%add3A_26, %dma_wait3A_126] : memref<10240x128xf32, #tpu.memory_space<vmem_shared>> -> memref<128x128xf32, #tpu.memory_space<vmem_shared>>
      tpu.wait_dma2 semaphore(%run_scoped3A : memref<!tpu.dma_semaphore, #tpu.memory_space<semaphore_mem>>) src(%arg6 : memref<128x128xf32, #tpu.memory_space<vmem>>) dst(%dma_wait3A_127 : memref<128x128xf32, #tpu.memory_space<vmem_shared>>)
      tpu.yield
    }) : () -> ()
    %barrier3A = arith.constant 0 : index
    tpu.barrier barrier_id(%barrier3A)
    %eq3A = arith.constant 31 : i32
    %eq3A_27 = arith.cmpi eq, %add3A, %eq3A : i32
    %jit3A = arith.constant 20 : i32
    %jit3A_28 = arith.constant 40 : i32
    %select_n3A = arith.select %eq3A_27, %jit3A, %jit3A_28 : i32
    %ne3A = arith.constant 31 : i32
    %ne3A_29 = arith.cmpi ne, %add3A, %ne3A : i32
    %convert_element_type3A = arith.extui %ne3A_29 : i1 to i32
    %cond3A = arith.constant 0 : i32
    %cond3A_30 = arith.cmpi ne, %convert_element_type3A, %cond3A : i32
    scf.if %cond3A_30 {
      %mul3A_122 = arith.constant 80 : i32
      %mul3A_123 = arith.muli %add3A, %mul3A_122 : i32
      %add3A_124 = arith.constant 0 : i32
      %add3A_125 = arith.addi %mul3A_123, %add3A_124 : i32
      "tpu.region"() ({
        %run_scoped3A = tpu.sem_alloc : memref<!tpu.dma_semaphore, #tpu.memory_space<semaphore_mem>>
        %dma_start3A = arith.constant 0 : i32
        %dma_start3A_126 = arith.constant 0 : i32
        %dma_start3A_127 = tpu.memref_slice %arg3[%add3A_125, %dma_start3A, %dma_start3A_126] : memref<2500x2x128xi32, #tpu.memory_space<hbm>> -> memref<40x2x128xi32, #tpu.memory_space<hbm>>
        %dma_start3A_128 = arith.constant 0 : i32
        %dma_start3A_129 = arith.constant 0 : i32
        %dma_start3A_130 = tpu.memref_slice %arg3[%add3A_125, %dma_start3A_128, %dma_start3A_129] : memref<2500x2x128xi32, #tpu.memory_space<hbm>> -> memref<40x2x128xi32, #tpu.memory_space<hbm>>
        tpu.enqueue_dma source(%dma_start3A_130 : memref<40x2x128xi32, #tpu.memory_space<hbm>>) target(%arg5 : memref<40x2x128xi32, #tpu.memory_space<vmem>>) target_semaphore(%run_scoped3A : memref<!tpu.dma_semaphore, #tpu.memory_space<semaphore_mem>>)
        %dma_wait3A = arith.constant 0 : i32
        %dma_wait3A_131 = arith.constant 0 : i32
        %dma_wait3A_132 = tpu.memref_slice %arg3[%add3A_125, %dma_wait3A, %dma_wait3A_131] : memref<2500x2x128xi32, #tpu.memory_space<hbm>> -> memref<40x2x128xi32, #tpu.memory_space<hbm>>
        %dma_wait3A_133 = arith.constant 0 : i32
        %dma_wait3A_134 = arith.constant 0 : i32
        %dma_wait3A_135 = tpu.memref_slice %arg3[%add3A_125, %dma_wait3A_133, %dma_wait3A_134] : memref<2500x2x128xi32, #tpu.memory_space<hbm>> -> memref<40x2x128xi32, #tpu.memory_space<hbm>>
        tpu.wait_dma2 semaphore(%run_scoped3A : memref<!tpu.dma_semaphore, #tpu.memory_space<semaphore_mem>>) src(%dma_wait3A_135 : memref<40x2x128xi32, #tpu.memory_space<hbm>>) dst(%arg5 : memref<40x2x128xi32, #tpu.memory_space<vmem>>)
        tpu.yield
      }) : () -> ()
    } else {
    }
    %eq3A_31 = arith.constant 31 : i32
    %eq3A_32 = arith.cmpi eq, %add3A, %eq3A_31 : i32
    %convert_element_type3A_33 = arith.extui %eq3A_32 : i1 to i32
    %cond3A_34 = arith.constant 0 : i32
    %cond3A_35 = arith.cmpi ne, %convert_element_type3A_33, %cond3A_34 : i32
    scf.if %cond3A_35 {
      "tpu.region"() ({
        %run_scoped3A = tpu.sem_alloc : memref<!tpu.dma_semaphore, #tpu.memory_space<semaphore_mem>>
        %dma_start3A = arith.constant 0 : i32
        %dma_start3A_122 = arith.constant 0 : i32
        %dma_start3A_123 = arith.constant 0 : i32
        %dma_start3A_124 = tpu.memref_slice %arg5[%dma_start3A, %dma_start3A_122, %dma_start3A_123] : memref<40x2x128xi32, #tpu.memory_space<vmem>> -> memref<20x2x128xi32, #tpu.memory_space<vmem>>
        %dma_start3A_125 = arith.constant 2480 : i32
        %dma_start3A_126 = arith.constant 0 : i32
        %dma_start3A_127 = arith.constant 0 : i32
        %dma_start3A_128 = tpu.memref_slice %arg3[%dma_start3A_125, %dma_start3A_126, %dma_start3A_127] : memref<2500x2x128xi32, #tpu.memory_space<hbm>> -> memref<20x2x128xi32, #tpu.memory_space<hbm>>
        %dma_start3A_129 = arith.constant 0 : i32
        %dma_start3A_130 = arith.constant 0 : i32
        %dma_start3A_131 = arith.constant 0 : i32
        %dma_start3A_132 = tpu.memref_slice %arg5[%dma_start3A_129, %dma_start3A_130, %dma_start3A_131] : memref<40x2x128xi32, #tpu.memory_space<vmem>> -> memref<20x2x128xi32, #tpu.memory_space<vmem>>
        %dma_start3A_133 = arith.constant 2480 : i32
        %dma_start3A_134 = arith.constant 0 : i32
        %dma_start3A_135 = arith.constant 0 : i32
        %dma_start3A_136 = tpu.memref_slice %arg3[%dma_start3A_133, %dma_start3A_134, %dma_start3A_135] : memref<2500x2x128xi32, #tpu.memory_space<hbm>> -> memref<20x2x128xi32, #tpu.memory_space<hbm>>
        tpu.enqueue_dma source(%dma_start3A_136 : memref<20x2x128xi32, #tpu.memory_space<hbm>>) target(%dma_start3A_132 : memref<20x2x128xi32, #tpu.memory_space<vmem>>) target_semaphore(%run_scoped3A : memref<!tpu.dma_semaphore, #tpu.memory_space<semaphore_mem>>)
        %dma_wait3A = arith.constant 0 : i32
        %dma_wait3A_137 = arith.constant 0 : i32
        %dma_wait3A_138 = arith.constant 0 : i32
        %dma_wait3A_139 = tpu.memref_slice %arg5[%dma_wait3A, %dma_wait3A_137, %dma_wait3A_138] : memref<40x2x128xi32, #tpu.memory_space<vmem>> -> memref<20x2x128xi32, #tpu.memory_space<vmem>>
        %dma_wait3A_140 = arith.constant 2480 : i32
        %dma_wait3A_141 = arith.constant 0 : i32
        %dma_wait3A_142 = arith.constant 0 : i32
        %dma_wait3A_143 = tpu.memref_slice %arg3[%dma_wait3A_140, %dma_wait3A_141, %dma_wait3A_142] : memref<2500x2x128xi32, #tpu.memory_space<hbm>> -> memref<20x2x128xi32, #tpu.memory_space<hbm>>
        %dma_wait3A_144 = arith.constant 0 : i32
        %dma_wait3A_145 = arith.constant 0 : i32
        %dma_wait3A_146 = arith.constant 0 : i32
        %dma_wait3A_147 = tpu.memref_slice %arg5[%dma_wait3A_144, %dma_wait3A_145, %dma_wait3A_146] : memref<40x2x128xi32, #tpu.memory_space<vmem>> -> memref<20x2x128xi32, #tpu.memory_space<vmem>>
        %dma_wait3A_148 = arith.constant 2480 : i32
        %dma_wait3A_149 = arith.constant 0 : i32
        %dma_wait3A_150 = arith.constant 0 : i32
        %dma_wait3A_151 = tpu.memref_slice %arg3[%dma_wait3A_148, %dma_wait3A_149, %dma_wait3A_150] : memref<2500x2x128xi32, #tpu.memory_space<hbm>> -> memref<20x2x128xi32, #tpu.memory_space<hbm>>
        tpu.wait_dma2 semaphore(%run_scoped3A : memref<!tpu.dma_semaphore, #tpu.memory_space<semaphore_mem>>) src(%dma_wait3A_151 : memref<20x2x128xi32, #tpu.memory_space<hbm>>) dst(%dma_wait3A_147 : memref<20x2x128xi32, #tpu.memory_space<vmem>>)
        tpu.yield
      }) : () -> ()
    } else {
    }
    %gt3A = arith.constant 0 : i32
    %gt3A_36 = arith.cmpi sgt, %select_n3A, %gt3A : i32
    %convert_element_type3A_37 = arith.extui %gt3A_36 : i1 to i32
    %cond3A_38 = arith.constant 0 : i32
    %cond3A_39 = arith.cmpi ne, %convert_element_type3A_37, %cond3A_38 : i32
    scf.if %cond3A_39 {
      %dma_start3A = arith.constant 0 : i32
      %dma_start3A_122 = arith.constant 0 : i32
      %dma_start3A_123 = arith.constant 0 : i32
      %dma_start3A_124 = tpu.memref_slice %arg5[%dma_start3A, %dma_start3A_122, %dma_start3A_123] : memref<40x2x128xi32, #tpu.memory_space<vmem>> -> memref<1x1x128xi32, #tpu.memory_space<vmem>>
      %dma_start3A_125 = tpu.memref_squeeze %dma_start3A_124 : memref<1x1x128xi32, #tpu.memory_space<vmem>> -> memref<128xi32, #tpu.memory_space<vmem>>
      %dma_start3A_126 = arith.constant 0 : i32
      %dma_start3A_127 = arith.constant 0 : i32
      %dma_start3A_128 = tpu.memref_slice %arg2[%dma_start3A_126, %dma_start3A_127] : memref<10240x128xf32, #tpu.memory_space<hbm>> -> memref<10240x128xf32, #tpu.memory_space<hbm>>
      tpu.enqueue_indirect_dma source(%dma_start3A_128 : memref<10240x128xf32, #tpu.memory_space<hbm>>) target(%arg6 : memref<128x128xf32, #tpu.memory_space<vmem>>) offsets(%dma_start3A_125 : memref<128xi32, #tpu.memory_space<vmem>>) semaphore(%arg9 : memref<!tpu.dma_semaphore, #tpu.memory_space<semaphore_mem>>)
      %dma_start3A_129 = arith.constant 1 : i32
      %dma_start3A_130 = arith.constant 0 : i32
      %dma_start3A_131 = arith.constant 0 : i32
      %dma_start3A_132 = tpu.memref_slice %arg5[%dma_start3A_129, %dma_start3A_130, %dma_start3A_131] : memref<40x2x128xi32, #tpu.memory_space<vmem>> -> memref<1x1x128xi32, #tpu.memory_space<vmem>>
      %dma_start3A_133 = tpu.memref_squeeze %dma_start3A_132 : memref<1x1x128xi32, #tpu.memory_space<vmem>> -> memref<128xi32, #tpu.memory_space<vmem>>
      %dma_start3A_134 = arith.constant 0 : i32
      %dma_start3A_135 = arith.constant 0 : i32
      %dma_start3A_136 = tpu.memref_slice %arg2[%dma_start3A_134, %dma_start3A_135] : memref<10240x128xf32, #tpu.memory_space<hbm>> -> memref<10240x128xf32, #tpu.memory_space<hbm>>
      tpu.enqueue_indirect_dma source(%dma_start3A_136 : memref<10240x128xf32, #tpu.memory_space<hbm>>) target(%arg7 : memref<128x128xf32, #tpu.memory_space<vmem>>) offsets(%dma_start3A_133 : memref<128xi32, #tpu.memory_space<vmem>>) semaphore(%arg10 : memref<!tpu.dma_semaphore, #tpu.memory_space<semaphore_mem>>)
    } else {
    }
    %jit3A_40 = arith.constant 2 : i32
    %div3A = arith.divsi %select_n3A, %jit3A_40 : i32
    %sign3A = arith.constant 0 : i32
    %sign3A_41 = arith.cmpi sgt, %select_n3A, %sign3A : i32
    %sign3A_42 = arith.extui %sign3A_41 : i1 to i32
    %sign3A_43 = arith.constant 0 : i32
    %sign3A_44 = arith.cmpi slt, %select_n3A, %sign3A_43 : i32
    %sign3A_45 = arith.extui %sign3A_44 : i1 to i32
    %sign3A_46 = arith.subi %sign3A_42, %sign3A_45 : i32
    %sign3A_47 = arith.constant 0 : i32
    %sign3A_48 = arith.cmpi sgt, %jit3A_40, %sign3A_47 : i32
    %sign3A_49 = arith.extui %sign3A_48 : i1 to i32
    %sign3A_50 = arith.constant 0 : i32
    %sign3A_51 = arith.cmpi slt, %jit3A_40, %sign3A_50 : i32
    %sign3A_52 = arith.extui %sign3A_51 : i1 to i32
    %sign3A_53 = arith.subi %sign3A_49, %sign3A_52 : i32
    %ne3A_54 = arith.cmpi ne, %sign3A_46, %sign3A_53 : i32
    %rem3A = arith.remsi %select_n3A, %jit3A_40 : i32
    %ne3A_55 = arith.constant 0 : i32
    %ne3A_56 = arith.cmpi ne, %rem3A, %ne3A_55 : i32
    %and3A = arith.andi %ne3A_54, %ne3A_56 : i1
    %sub3A = arith.constant 1 : i32
    %sub3A_57 = arith.subi %div3A, %sub3A : i32
    %select_n3A_58 = arith.select %and3A, %sub3A_57, %div3A : i32
    %while3A = arith.constant 0 : i32
    %while3A_59 = arith.constant 0 : i32
    %while3A_60 = arith.subi %select_n3A_58, %while3A_59 : i32
    %while3A_61 = arith.addi %while3A_59, %while3A_60 : i32
    %while3A_62 = arith.constant 1 : i32
    %while3A_63 = arith.divsi %while3A_60, %while3A_62 : i32
    %while3A_64 = arith.muli %while3A_63, %while3A_62 : i32
    %while3A_65 = arith.addi %while3A_59, %while3A_64 : i32
    %while3A_66 = arith.constant 1 : i32
    scf.for %while3A_122 = %while3A_59 to %while3A_65 step %while3A_66  : i32 {
      %mul3A_123 = arith.constant 2 : i32
      %mul3A_124 = arith.muli %while3A_122, %mul3A_123 : i32
      %dma_wait3A = arith.constant 0 : i32
      %dma_wait3A_125 = arith.constant 0 : i32
      %dma_wait3A_126 = tpu.memref_slice %arg5[%mul3A_124, %dma_wait3A, %dma_wait3A_125] : memref<40x2x128xi32, #tpu.memory_space<vmem>> -> memref<1x1x128xi32, #tpu.memory_space<vmem>>
      %dma_wait3A_127 = tpu.memref_squeeze %dma_wait3A_126 : memref<1x1x128xi32, #tpu.memory_space<vmem>> -> memref<128xi32, #tpu.memory_space<vmem>>
      %dma_wait3A_128 = arith.constant 0 : i32
      %dma_wait3A_129 = arith.constant 0 : i32
      %dma_wait3A_130 = tpu.memref_slice %arg2[%dma_wait3A_128, %dma_wait3A_129] : memref<10240x128xf32, #tpu.memory_space<hbm>> -> memref<10240x128xf32, #tpu.memory_space<hbm>>
      tpu.wait_indirect_dma semaphore(%arg9 : memref<!tpu.dma_semaphore, #tpu.memory_space<semaphore_mem>>) src(%dma_wait3A_130 : memref<10240x128xf32, #tpu.memory_space<hbm>>) dst(%arg6 : memref<128x128xf32, #tpu.memory_space<vmem>>)
      %run_scoped3A = arith.constant 1 : i32
      "tpu.region"() ({
        %run_scoped3A_154 = tpu.sem_alloc : memref<!tpu.dma_semaphore, #tpu.memory_space<semaphore_mem>>
        %dma_start3A = arith.constant 0 : i32
        %dma_start3A_155 = tpu.memref_slice %arg5[%mul3A_124, %run_scoped3A, %dma_start3A] : memref<40x2x128xi32, #tpu.memory_space<vmem>> -> memref<1x1x128xi32, #tpu.memory_space<vmem>>
        %dma_start3A_156 = tpu.memref_squeeze %dma_start3A_155 : memref<1x1x128xi32, #tpu.memory_space<vmem>> -> memref<128xi32, #tpu.memory_space<vmem>>
        %dma_start3A_157 = arith.constant 0 : i32
        %dma_start3A_158 = arith.constant 0 : i32
        %dma_start3A_159 = tpu.memref_slice %arg8[%dma_start3A_157, %dma_start3A_158] : memref<10240x128xf32, #tpu.memory_space<vmem_shared>> -> memref<10240x128xf32, #tpu.memory_space<vmem_shared>>
        tpu.enqueue_indirect_dma source(%arg6 : memref<128x128xf32, #tpu.memory_space<vmem>>) target(%dma_start3A_159 : memref<10240x128xf32, #tpu.memory_space<vmem_shared>>) offsets(%dma_start3A_156 : memref<128xi32, #tpu.memory_space<vmem>>) semaphore(%run_scoped3A_154 : memref<!tpu.dma_semaphore, #tpu.memory_space<semaphore_mem>>) {add = true}
        %dma_wait3A_160 = arith.constant 0 : i32
        %dma_wait3A_161 = tpu.memref_slice %arg5[%mul3A_124, %run_scoped3A, %dma_wait3A_160] : memref<40x2x128xi32, #tpu.memory_space<vmem>> -> memref<1x1x128xi32, #tpu.memory_space<vmem>>
        %dma_wait3A_162 = tpu.memref_squeeze %dma_wait3A_161 : memref<1x1x128xi32, #tpu.memory_space<vmem>> -> memref<128xi32, #tpu.memory_space<vmem>>
        %dma_wait3A_163 = arith.constant 0 : i32
        %dma_wait3A_164 = arith.constant 0 : i32
        %dma_wait3A_165 = tpu.memref_slice %arg8[%dma_wait3A_163, %dma_wait3A_164] : memref<10240x128xf32, #tpu.memory_space<vmem_shared>> -> memref<10240x128xf32, #tpu.memory_space<vmem_shared>>
        tpu.wait_indirect_dma semaphore(%run_scoped3A_154 : memref<!tpu.dma_semaphore, #tpu.memory_space<semaphore_mem>>) src(%arg6 : memref<128x128xf32, #tpu.memory_space<vmem>>) dst(%dma_wait3A_165 : memref<10240x128xf32, #tpu.memory_space<vmem_shared>>)
        tpu.yield
      }) : () -> ()
      %add3A_131 = arith.constant 2 : i32
      %add3A_132 = arith.addi %mul3A_124, %add3A_131 : i32
      %lt3A = arith.cmpi slt, %add3A_132, %select_n3A : i32
      %convert_element_type3A_133 = arith.extui %lt3A : i1 to i32
      %cond3A_134 = arith.constant 0 : i32
      %cond3A_135 = arith.cmpi ne, %convert_element_type3A_133, %cond3A_134 : i32
      scf.if %cond3A_135 {
        %add3A_154 = arith.constant 2 : i32
        %add3A_155 = arith.addi %mul3A_124, %add3A_154 : i32
        %dma_start3A = arith.constant 0 : i32
        %dma_start3A_156 = arith.constant 0 : i32
        %dma_start3A_157 = tpu.memref_slice %arg5[%add3A_155, %dma_start3A, %dma_start3A_156] : memref<40x2x128xi32, #tpu.memory_space<vmem>> -> memref<1x1x128xi32, #tpu.memory_space<vmem>>
        %dma_start3A_158 = tpu.memref_squeeze %dma_start3A_157 : memref<1x1x128xi32, #tpu.memory_space<vmem>> -> memref<128xi32, #tpu.memory_space<vmem>>
        %dma_start3A_159 = arith.constant 0 : i32
        %dma_start3A_160 = arith.constant 0 : i32
        %dma_start3A_161 = tpu.memref_slice %arg2[%dma_start3A_159, %dma_start3A_160] : memref<10240x128xf32, #tpu.memory_space<hbm>> -> memref<10240x128xf32, #tpu.memory_space<hbm>>
        tpu.enqueue_indirect_dma source(%dma_start3A_161 : memref<10240x128xf32, #tpu.memory_space<hbm>>) target(%arg6 : memref<128x128xf32, #tpu.memory_space<vmem>>) offsets(%dma_start3A_158 : memref<128xi32, #tpu.memory_space<vmem>>) semaphore(%arg9 : memref<!tpu.dma_semaphore, #tpu.memory_space<semaphore_mem>>)
      } else {
      }
      %add3A_136 = arith.constant 1 : i32
      %add3A_137 = arith.addi %mul3A_124, %add3A_136 : i32
      %dma_wait3A_138 = arith.constant 0 : i32
      %dma_wait3A_139 = arith.constant 0 : i32
      %dma_wait3A_140 = tpu.memref_slice %arg5[%add3A_137, %dma_wait3A_138, %dma_wait3A_139] : memref<40x2x128xi32, #tpu.memory_space<vmem>> -> memref<1x1x128xi32, #tpu.memory_space<vmem>>
      %dma_wait3A_141 = tpu.memref_squeeze %dma_wait3A_140 : memref<1x1x128xi32, #tpu.memory_space<vmem>> -> memref<128xi32, #tpu.memory_space<vmem>>
      %dma_wait3A_142 = arith.constant 0 : i32
      %dma_wait3A_143 = arith.constant 0 : i32
      %dma_wait3A_144 = tpu.memref_slice %arg2[%dma_wait3A_142, %dma_wait3A_143] : memref<10240x128xf32, #tpu.memory_space<hbm>> -> memref<10240x128xf32, #tpu.memory_space<hbm>>
      tpu.wait_indirect_dma semaphore(%arg10 : memref<!tpu.dma_semaphore, #tpu.memory_space<semaphore_mem>>) src(%dma_wait3A_144 : memref<10240x128xf32, #tpu.memory_space<hbm>>) dst(%arg7 : memref<128x128xf32, #tpu.memory_space<vmem>>)
      %add3A_145 = arith.constant 1 : i32
      %add3A_146 = arith.addi %mul3A_124, %add3A_145 : i32
      %run_scoped3A_147 = arith.constant 1 : i32
      "tpu.region"() ({
        %run_scoped3A_154 = tpu.sem_alloc : memref<!tpu.dma_semaphore, #tpu.memory_space<semaphore_mem>>
        %dma_start3A = arith.constant 0 : i32
        %dma_start3A_155 = tpu.memref_slice %arg5[%add3A_146, %run_scoped3A_147, %dma_start3A] : memref<40x2x128xi32, #tpu.memory_space<vmem>> -> memref<1x1x128xi32, #tpu.memory_space<vmem>>
        %dma_start3A_156 = tpu.memref_squeeze %dma_start3A_155 : memref<1x1x128xi32, #tpu.memory_space<vmem>> -> memref<128xi32, #tpu.memory_space<vmem>>
        %dma_start3A_157 = arith.constant 0 : i32
        %dma_start3A_158 = arith.constant 0 : i32
        %dma_start3A_159 = tpu.memref_slice %arg8[%dma_start3A_157, %dma_start3A_158] : memref<10240x128xf32, #tpu.memory_space<vmem_shared>> -> memref<10240x128xf32, #tpu.memory_space<vmem_shared>>
        tpu.enqueue_indirect_dma source(%arg7 : memref<128x128xf32, #tpu.memory_space<vmem>>) target(%dma_start3A_159 : memref<10240x128xf32, #tpu.memory_space<vmem_shared>>) offsets(%dma_start3A_156 : memref<128xi32, #tpu.memory_space<vmem>>) semaphore(%run_scoped3A_154 : memref<!tpu.dma_semaphore, #tpu.memory_space<semaphore_mem>>) {add = true}
        %dma_wait3A_160 = arith.constant 0 : i32
        %dma_wait3A_161 = tpu.memref_slice %arg5[%add3A_146, %run_scoped3A_147, %dma_wait3A_160] : memref<40x2x128xi32, #tpu.memory_space<vmem>> -> memref<1x1x128xi32, #tpu.memory_space<vmem>>
        %dma_wait3A_162 = tpu.memref_squeeze %dma_wait3A_161 : memref<1x1x128xi32, #tpu.memory_space<vmem>> -> memref<128xi32, #tpu.memory_space<vmem>>
        %dma_wait3A_163 = arith.constant 0 : i32
        %dma_wait3A_164 = arith.constant 0 : i32
        %dma_wait3A_165 = tpu.memref_slice %arg8[%dma_wait3A_163, %dma_wait3A_164] : memref<10240x128xf32, #tpu.memory_space<vmem_shared>> -> memref<10240x128xf32, #tpu.memory_space<vmem_shared>>
        tpu.wait_indirect_dma semaphore(%run_scoped3A_154 : memref<!tpu.dma_semaphore, #tpu.memory_space<semaphore_mem>>) src(%arg7 : memref<128x128xf32, #tpu.memory_space<vmem>>) dst(%dma_wait3A_165 : memref<10240x128xf32, #tpu.memory_space<vmem_shared>>)
        tpu.yield
      }) : () -> ()
      %add3A_148 = arith.constant 3 : i32
      %add3A_149 = arith.addi %mul3A_124, %add3A_148 : i32
      %lt3A_150 = arith.cmpi slt, %add3A_149, %select_n3A : i32
      %convert_element_type3A_151 = arith.extui %lt3A_150 : i1 to i32
      %cond3A_152 = arith.constant 0 : i32
      %cond3A_153 = arith.cmpi ne, %convert_element_type3A_151, %cond3A_152 : i32
      scf.if %cond3A_153 {
        %add3A_154 = arith.constant 3 : i32
        %add3A_155 = arith.addi %mul3A_124, %add3A_154 : i32
        %dma_start3A = arith.constant 0 : i32
        %dma_start3A_156 = arith.constant 0 : i32
        %dma_start3A_157 = tpu.memref_slice %arg5[%add3A_155, %dma_start3A, %dma_start3A_156] : memref<40x2x128xi32, #tpu.memory_space<vmem>> -> memref<1x1x128xi32, #tpu.memory_space<vmem>>
        %dma_start3A_158 = tpu.memref_squeeze %dma_start3A_157 : memref<1x1x128xi32, #tpu.memory_space<vmem>> -> memref<128xi32, #tpu.memory_space<vmem>>
        %dma_start3A_159 = arith.constant 0 : i32
        %dma_start3A_160 = arith.constant 0 : i32
        %dma_start3A_161 = tpu.memref_slice %arg2[%dma_start3A_159, %dma_start3A_160] : memref<10240x128xf32, #tpu.memory_space<hbm>> -> memref<10240x128xf32, #tpu.memory_space<hbm>>
        tpu.enqueue_indirect_dma source(%dma_start3A_161 : memref<10240x128xf32, #tpu.memory_space<hbm>>) target(%arg7 : memref<128x128xf32, #tpu.memory_space<vmem>>) offsets(%dma_start3A_158 : memref<128xi32, #tpu.memory_space<vmem>>) semaphore(%arg10 : memref<!tpu.dma_semaphore, #tpu.memory_space<semaphore_mem>>)
      } else {
      }
    }
    %while3A_67 = arith.constant 1 : i32
    scf.for %while3A_122 = %while3A_65 to %while3A_61 step %while3A_67  : i32 {
      %mul3A_123 = arith.constant 2 : i32
      %mul3A_124 = arith.muli %while3A_122, %mul3A_123 : i32
      %dma_wait3A = arith.constant 0 : i32
      %dma_wait3A_125 = arith.constant 0 : i32
      %dma_wait3A_126 = tpu.memref_slice %arg5[%mul3A_124, %dma_wait3A, %dma_wait3A_125] : memref<40x2x128xi32, #tpu.memory_space<vmem>> -> memref<1x1x128xi32, #tpu.memory_space<vmem>>
      %dma_wait3A_127 = tpu.memref_squeeze %dma_wait3A_126 : memref<1x1x128xi32, #tpu.memory_space<vmem>> -> memref<128xi32, #tpu.memory_space<vmem>>
      %dma_wait3A_128 = arith.constant 0 : i32
      %dma_wait3A_129 = arith.constant 0 : i32
      %dma_wait3A_130 = tpu.memref_slice %arg2[%dma_wait3A_128, %dma_wait3A_129] : memref<10240x128xf32, #tpu.memory_space<hbm>> -> memref<10240x128xf32, #tpu.memory_space<hbm>>
      tpu.wait_indirect_dma semaphore(%arg9 : memref<!tpu.dma_semaphore, #tpu.memory_space<semaphore_mem>>) src(%dma_wait3A_130 : memref<10240x128xf32, #tpu.memory_space<hbm>>) dst(%arg6 : memref<128x128xf32, #tpu.memory_space<vmem>>)
      %run_scoped3A = arith.constant 1 : i32
      "tpu.region"() ({
        %run_scoped3A_154 = tpu.sem_alloc : memref<!tpu.dma_semaphore, #tpu.memory_space<semaphore_mem>>
        %dma_start3A = arith.constant 0 : i32
        %dma_start3A_155 = tpu.memref_slice %arg5[%mul3A_124, %run_scoped3A, %dma_start3A] : memref<40x2x128xi32, #tpu.memory_space<vmem>> -> memref<1x1x128xi32, #tpu.memory_space<vmem>>
        %dma_start3A_156 = tpu.memref_squeeze %dma_start3A_155 : memref<1x1x128xi32, #tpu.memory_space<vmem>> -> memref<128xi32, #tpu.memory_space<vmem>>
        %dma_start3A_157 = arith.constant 0 : i32
        %dma_start3A_158 = arith.constant 0 : i32
        %dma_start3A_159 = tpu.memref_slice %arg8[%dma_start3A_157, %dma_start3A_158] : memref<10240x128xf32, #tpu.memory_space<vmem_shared>> -> memref<10240x128xf32, #tpu.memory_space<vmem_shared>>
        tpu.enqueue_indirect_dma source(%arg6 : memref<128x128xf32, #tpu.memory_space<vmem>>) target(%dma_start3A_159 : memref<10240x128xf32, #tpu.memory_space<vmem_shared>>) offsets(%dma_start3A_156 : memref<128xi32, #tpu.memory_space<vmem>>) semaphore(%run_scoped3A_154 : memref<!tpu.dma_semaphore, #tpu.memory_space<semaphore_mem>>) {add = true}
        %dma_wait3A_160 = arith.constant 0 : i32
        %dma_wait3A_161 = tpu.memref_slice %arg5[%mul3A_124, %run_scoped3A, %dma_wait3A_160] : memref<40x2x128xi32, #tpu.memory_space<vmem>> -> memref<1x1x128xi32, #tpu.memory_space<vmem>>
        %dma_wait3A_162 = tpu.memref_squeeze %dma_wait3A_161 : memref<1x1x128xi32, #tpu.memory_space<vmem>> -> memref<128xi32, #tpu.memory_space<vmem>>
        %dma_wait3A_163 = arith.constant 0 : i32
        %dma_wait3A_164 = arith.constant 0 : i32
        %dma_wait3A_165 = tpu.memref_slice %arg8[%dma_wait3A_163, %dma_wait3A_164] : memref<10240x128xf32, #tpu.memory_space<vmem_shared>> -> memref<10240x128xf32, #tpu.memory_space<vmem_shared>>
        tpu.wait_indirect_dma semaphore(%run_scoped3A_154 : memref<!tpu.dma_semaphore, #tpu.memory_space<semaphore_mem>>) src(%arg6 : memref<128x128xf32, #tpu.memory_space<vmem>>) dst(%dma_wait3A_165 : memref<10240x128xf32, #tpu.memory_space<vmem_shared>>)
        tpu.yield
      }) : () -> ()
      %add3A_131 = arith.constant 2 : i32
      %add3A_132 = arith.addi %mul3A_124, %add3A_131 : i32
      %lt3A = arith.cmpi slt, %add3A_132, %select_n3A : i32
      %convert_element_type3A_133 = arith.extui %lt3A : i1 to i32
      %cond3A_134 = arith.constant 0 : i32
      %cond3A_135 = arith.cmpi ne, %convert_element_type3A_133, %cond3A_134 : i32
      scf.if %cond3A_135 {
        %add3A_154 = arith.constant 2 : i32
        %add3A_155 = arith.addi %mul3A_124, %add3A_154 : i32
        %dma_start3A = arith.constant 0 : i32
        %dma_start3A_156 = arith.constant 0 : i32
        %dma_start3A_157 = tpu.memref_slice %arg5[%add3A_155, %dma_start3A, %dma_start3A_156] : memref<40x2x128xi32, #tpu.memory_space<vmem>> -> memref<1x1x128xi32, #tpu.memory_space<vmem>>
        %dma_start3A_158 = tpu.memref_squeeze %dma_start3A_157 : memref<1x1x128xi32, #tpu.memory_space<vmem>> -> memref<128xi32, #tpu.memory_space<vmem>>
        %dma_start3A_159 = arith.constant 0 : i32
        %dma_start3A_160 = arith.constant 0 : i32
        %dma_start3A_161 = tpu.memref_slice %arg2[%dma_start3A_159, %dma_start3A_160] : memref<10240x128xf32, #tpu.memory_space<hbm>> -> memref<10240x128xf32, #tpu.memory_space<hbm>>
        tpu.enqueue_indirect_dma source(%dma_start3A_161 : memref<10240x128xf32, #tpu.memory_space<hbm>>) target(%arg6 : memref<128x128xf32, #tpu.memory_space<vmem>>) offsets(%dma_start3A_158 : memref<128xi32, #tpu.memory_space<vmem>>) semaphore(%arg9 : memref<!tpu.dma_semaphore, #tpu.memory_space<semaphore_mem>>)
      } else {
      }
      %add3A_136 = arith.constant 1 : i32
      %add3A_137 = arith.addi %mul3A_124, %add3A_136 : i32
      %dma_wait3A_138 = arith.constant 0 : i32
      %dma_wait3A_139 = arith.constant 0 : i32
      %dma_wait3A_140 = tpu.memref_slice %arg5[%add3A_137, %dma_wait3A_138, %dma_wait3A_139] : memref<40x2x128xi32, #tpu.memory_space<vmem>> -> memref<1x1x128xi32, #tpu.memory_space<vmem>>
      %dma_wait3A_141 = tpu.memref_squeeze %dma_wait3A_140 : memref<1x1x128xi32, #tpu.memory_space<vmem>> -> memref<128xi32, #tpu.memory_space<vmem>>
      %dma_wait3A_142 = arith.constant 0 : i32
      %dma_wait3A_143 = arith.constant 0 : i32
      %dma_wait3A_144 = tpu.memref_slice %arg2[%dma_wait3A_142, %dma_wait3A_143] : memref<10240x128xf32, #tpu.memory_space<hbm>> -> memref<10240x128xf32, #tpu.memory_space<hbm>>
      tpu.wait_indirect_dma semaphore(%arg10 : memref<!tpu.dma_semaphore, #tpu.memory_space<semaphore_mem>>) src(%dma_wait3A_144 : memref<10240x128xf32, #tpu.memory_space<hbm>>) dst(%arg7 : memref<128x128xf32, #tpu.memory_space<vmem>>)
      %add3A_145 = arith.constant 1 : i32
      %add3A_146 = arith.addi %mul3A_124, %add3A_145 : i32
      %run_scoped3A_147 = arith.constant 1 : i32
      "tpu.region"() ({
        %run_scoped3A_154 = tpu.sem_alloc : memref<!tpu.dma_semaphore, #tpu.memory_space<semaphore_mem>>
        %dma_start3A = arith.constant 0 : i32
        %dma_start3A_155 = tpu.memref_slice %arg5[%add3A_146, %run_scoped3A_147, %dma_start3A] : memref<40x2x128xi32, #tpu.memory_space<vmem>> -> memref<1x1x128xi32, #tpu.memory_space<vmem>>
        %dma_start3A_156 = tpu.memref_squeeze %dma_start3A_155 : memref<1x1x128xi32, #tpu.memory_space<vmem>> -> memref<128xi32, #tpu.memory_space<vmem>>
        %dma_start3A_157 = arith.constant 0 : i32
        %dma_start3A_158 = arith.constant 0 : i32
        %dma_start3A_159 = tpu.memref_slice %arg8[%dma_start3A_157, %dma_start3A_158] : memref<10240x128xf32, #tpu.memory_space<vmem_shared>> -> memref<10240x128xf32, #tpu.memory_space<vmem_shared>>
        tpu.enqueue_indirect_dma source(%arg7 : memref<128x128xf32, #tpu.memory_space<vmem>>) target(%dma_start3A_159 : memref<10240x128xf32, #tpu.memory_space<vmem_shared>>) offsets(%dma_start3A_156 : memref<128xi32, #tpu.memory_space<vmem>>) semaphore(%run_scoped3A_154 : memref<!tpu.dma_semaphore, #tpu.memory_space<semaphore_mem>>) {add = true}
        %dma_wait3A_160 = arith.constant 0 : i32
        %dma_wait3A_161 = tpu.memref_slice %arg5[%add3A_146, %run_scoped3A_147, %dma_wait3A_160] : memref<40x2x128xi32, #tpu.memory_space<vmem>> -> memref<1x1x128xi32, #tpu.memory_space<vmem>>
        %dma_wait3A_162 = tpu.memref_squeeze %dma_wait3A_161 : memref<1x1x128xi32, #tpu.memory_space<vmem>> -> memref<128xi32, #tpu.memory_space<vmem>>
        %dma_wait3A_163 = arith.constant 0 : i32
        %dma_wait3A_164 = arith.constant 0 : i32
        %dma_wait3A_165 = tpu.memref_slice %arg8[%dma_wait3A_163, %dma_wait3A_164] : memref<10240x128xf32, #tpu.memory_space<vmem_shared>> -> memref<10240x128xf32, #tpu.memory_space<vmem_shared>>
        tpu.wait_indirect_dma semaphore(%run_scoped3A_154 : memref<!tpu.dma_semaphore, #tpu.memory_space<semaphore_mem>>) src(%arg7 : memref<128x128xf32, #tpu.memory_space<vmem>>) dst(%dma_wait3A_165 : memref<10240x128xf32, #tpu.memory_space<vmem_shared>>)
        tpu.yield
      }) : () -> ()
      %add3A_148 = arith.constant 3 : i32
      %add3A_149 = arith.addi %mul3A_124, %add3A_148 : i32
      %lt3A_150 = arith.cmpi slt, %add3A_149, %select_n3A : i32
      %convert_element_type3A_151 = arith.extui %lt3A_150 : i1 to i32
      %cond3A_152 = arith.constant 0 : i32
      %cond3A_153 = arith.cmpi ne, %convert_element_type3A_151, %cond3A_152 : i32
      scf.if %cond3A_153 {
        %add3A_154 = arith.constant 3 : i32
        %add3A_155 = arith.addi %mul3A_124, %add3A_154 : i32
        %dma_start3A = arith.constant 0 : i32
        %dma_start3A_156 = arith.constant 0 : i32
        %dma_start3A_157 = tpu.memref_slice %arg5[%add3A_155, %dma_start3A, %dma_start3A_156] : memref<40x2x128xi32, #tpu.memory_space<vmem>> -> memref<1x1x128xi32, #tpu.memory_space<vmem>>
        %dma_start3A_158 = tpu.memref_squeeze %dma_start3A_157 : memref<1x1x128xi32, #tpu.memory_space<vmem>> -> memref<128xi32, #tpu.memory_space<vmem>>
        %dma_start3A_159 = arith.constant 0 : i32
        %dma_start3A_160 = arith.constant 0 : i32
        %dma_start3A_161 = tpu.memref_slice %arg2[%dma_start3A_159, %dma_start3A_160] : memref<10240x128xf32, #tpu.memory_space<hbm>> -> memref<10240x128xf32, #tpu.memory_space<hbm>>
        tpu.enqueue_indirect_dma source(%dma_start3A_161 : memref<10240x128xf32, #tpu.memory_space<hbm>>) target(%arg7 : memref<128x128xf32, #tpu.memory_space<vmem>>) offsets(%dma_start3A_158 : memref<128xi32, #tpu.memory_space<vmem>>) semaphore(%arg10 : memref<!tpu.dma_semaphore, #tpu.memory_space<semaphore_mem>>)
      } else {
      }
    }
    %eq3A_68 = arith.constant 31 : i32
    %eq3A_69 = arith.cmpi eq, %add3A, %eq3A_68 : i32
    %jit3A_70 = arith.constant 0 : i32
    %jit3A_71 = arith.constant 40 : i32
    %select_n3A_72 = arith.select %eq3A_69, %jit3A_70, %jit3A_71 : i32
    %ne3A_73 = arith.constant 31 : i32
    %ne3A_74 = arith.cmpi ne, %add3A, %ne3A_73 : i32
    %convert_element_type3A_75 = arith.extui %ne3A_74 : i1 to i32
    %cond3A_76 = arith.constant 0 : i32
    %cond3A_77 = arith.cmpi ne, %convert_element_type3A_75, %cond3A_76 : i32
    scf.if %cond3A_77 {
      %mul3A_122 = arith.constant 80 : i32
      %mul3A_123 = arith.muli %add3A, %mul3A_122 : i32
      %add3A_124 = arith.constant 40 : i32
      %add3A_125 = arith.addi %mul3A_123, %add3A_124 : i32
      "tpu.region"() ({
        %run_scoped3A = tpu.sem_alloc : memref<!tpu.dma_semaphore, #tpu.memory_space<semaphore_mem>>
        %dma_start3A = arith.constant 0 : i32
        %dma_start3A_126 = arith.constant 0 : i32
        %dma_start3A_127 = tpu.memref_slice %arg3[%add3A_125, %dma_start3A, %dma_start3A_126] : memref<2500x2x128xi32, #tpu.memory_space<hbm>> -> memref<40x2x128xi32, #tpu.memory_space<hbm>>
        %dma_start3A_128 = arith.constant 0 : i32
        %dma_start3A_129 = arith.constant 0 : i32
        %dma_start3A_130 = tpu.memref_slice %arg3[%add3A_125, %dma_start3A_128, %dma_start3A_129] : memref<2500x2x128xi32, #tpu.memory_space<hbm>> -> memref<40x2x128xi32, #tpu.memory_space<hbm>>
        tpu.enqueue_dma source(%dma_start3A_130 : memref<40x2x128xi32, #tpu.memory_space<hbm>>) target(%arg5 : memref<40x2x128xi32, #tpu.memory_space<vmem>>) target_semaphore(%run_scoped3A : memref<!tpu.dma_semaphore, #tpu.memory_space<semaphore_mem>>)
        %dma_wait3A = arith.constant 0 : i32
        %dma_wait3A_131 = arith.constant 0 : i32
        %dma_wait3A_132 = tpu.memref_slice %arg3[%add3A_125, %dma_wait3A, %dma_wait3A_131] : memref<2500x2x128xi32, #tpu.memory_space<hbm>> -> memref<40x2x128xi32, #tpu.memory_space<hbm>>
        %dma_wait3A_133 = arith.constant 0 : i32
        %dma_wait3A_134 = arith.constant 0 : i32
        %dma_wait3A_135 = tpu.memref_slice %arg3[%add3A_125, %dma_wait3A_133, %dma_wait3A_134] : memref<2500x2x128xi32, #tpu.memory_space<hbm>> -> memref<40x2x128xi32, #tpu.memory_space<hbm>>
        tpu.wait_dma2 semaphore(%run_scoped3A : memref<!tpu.dma_semaphore, #tpu.memory_space<semaphore_mem>>) src(%dma_wait3A_135 : memref<40x2x128xi32, #tpu.memory_space<hbm>>) dst(%arg5 : memref<40x2x128xi32, #tpu.memory_space<vmem>>)
        tpu.yield
      }) : () -> ()
    } else {
    }
    %gt3A_78 = arith.constant 0 : i32
    %gt3A_79 = arith.cmpi sgt, %select_n3A_72, %gt3A_78 : i32
    %convert_element_type3A_80 = arith.extui %gt3A_79 : i1 to i32
    %cond3A_81 = arith.constant 0 : i32
    %cond3A_82 = arith.cmpi ne, %convert_element_type3A_80, %cond3A_81 : i32
    scf.if %cond3A_82 {
      %dma_start3A = arith.constant 0 : i32
      %dma_start3A_122 = arith.constant 0 : i32
      %dma_start3A_123 = arith.constant 0 : i32
      %dma_start3A_124 = tpu.memref_slice %arg5[%dma_start3A, %dma_start3A_122, %dma_start3A_123] : memref<40x2x128xi32, #tpu.memory_space<vmem>> -> memref<1x1x128xi32, #tpu.memory_space<vmem>>
      %dma_start3A_125 = tpu.memref_squeeze %dma_start3A_124 : memref<1x1x128xi32, #tpu.memory_space<vmem>> -> memref<128xi32, #tpu.memory_space<vmem>>
      %dma_start3A_126 = arith.constant 0 : i32
      %dma_start3A_127 = arith.constant 0 : i32
      %dma_start3A_128 = tpu.memref_slice %arg2[%dma_start3A_126, %dma_start3A_127] : memref<10240x128xf32, #tpu.memory_space<hbm>> -> memref<10240x128xf32, #tpu.memory_space<hbm>>
      tpu.enqueue_indirect_dma source(%dma_start3A_128 : memref<10240x128xf32, #tpu.memory_space<hbm>>) target(%arg6 : memref<128x128xf32, #tpu.memory_space<vmem>>) offsets(%dma_start3A_125 : memref<128xi32, #tpu.memory_space<vmem>>) semaphore(%arg9 : memref<!tpu.dma_semaphore, #tpu.memory_space<semaphore_mem>>)
      %dma_start3A_129 = arith.constant 1 : i32
      %dma_start3A_130 = arith.constant 0 : i32
      %dma_start3A_131 = arith.constant 0 : i32
      %dma_start3A_132 = tpu.memref_slice %arg5[%dma_start3A_129, %dma_start3A_130, %dma_start3A_131] : memref<40x2x128xi32, #tpu.memory_space<vmem>> -> memref<1x1x128xi32, #tpu.memory_space<vmem>>
      %dma_start3A_133 = tpu.memref_squeeze %dma_start3A_132 : memref<1x1x128xi32, #tpu.memory_space<vmem>> -> memref<128xi32, #tpu.memory_space<vmem>>
      %dma_start3A_134 = arith.constant 0 : i32
      %dma_start3A_135 = arith.constant 0 : i32
      %dma_start3A_136 = tpu.memref_slice %arg2[%dma_start3A_134, %dma_start3A_135] : memref<10240x128xf32, #tpu.memory_space<hbm>> -> memref<10240x128xf32, #tpu.memory_space<hbm>>
      tpu.enqueue_indirect_dma source(%dma_start3A_136 : memref<10240x128xf32, #tpu.memory_space<hbm>>) target(%arg7 : memref<128x128xf32, #tpu.memory_space<vmem>>) offsets(%dma_start3A_133 : memref<128xi32, #tpu.memory_space<vmem>>) semaphore(%arg10 : memref<!tpu.dma_semaphore, #tpu.memory_space<semaphore_mem>>)
    } else {
    }
    %jit3A_83 = arith.constant 2 : i32
    %div3A_84 = arith.divsi %select_n3A_72, %jit3A_83 : i32
    %sign3A_85 = arith.constant 0 : i32
    %sign3A_86 = arith.cmpi sgt, %select_n3A_72, %sign3A_85 : i32
    %sign3A_87 = arith.extui %sign3A_86 : i1 to i32
    %sign3A_88 = arith.constant 0 : i32
    %sign3A_89 = arith.cmpi slt, %select_n3A_72, %sign3A_88 : i32
    %sign3A_90 = arith.extui %sign3A_89 : i1 to i32
    %sign3A_91 = arith.subi %sign3A_87, %sign3A_90 : i32
    %sign3A_92 = arith.constant 0 : i32
    %sign3A_93 = arith.cmpi sgt, %jit3A_83, %sign3A_92 : i32
    %sign3A_94 = arith.extui %sign3A_93 : i1 to i32
    %sign3A_95 = arith.constant 0 : i32
    %sign3A_96 = arith.cmpi slt, %jit3A_83, %sign3A_95 : i32
    %sign3A_97 = arith.extui %sign3A_96 : i1 to i32
    %sign3A_98 = arith.subi %sign3A_94, %sign3A_97 : i32
    %ne3A_99 = arith.cmpi ne, %sign3A_91, %sign3A_98 : i32
    %rem3A_100 = arith.remsi %select_n3A_72, %jit3A_83 : i32
    %ne3A_101 = arith.constant 0 : i32
    %ne3A_102 = arith.cmpi ne, %rem3A_100, %ne3A_101 : i32
    %and3A_103 = arith.andi %ne3A_99, %ne3A_102 : i1
    %sub3A_104 = arith.constant 1 : i32
    %sub3A_105 = arith.subi %div3A_84, %sub3A_104 : i32
    %select_n3A_106 = arith.select %and3A_103, %sub3A_105, %div3A_84 : i32
    %while3A_107 = arith.constant 0 : i32
    %while3A_108 = arith.constant 0 : i32
    %while3A_109 = arith.subi %select_n3A_106, %while3A_108 : i32
    %while3A_110 = arith.addi %while3A_108, %while3A_109 : i32
    %while3A_111 = arith.constant 1 : i32
    %while3A_112 = arith.divsi %while3A_109, %while3A_111 : i32
    %while3A_113 = arith.muli %while3A_112, %while3A_111 : i32
    %while3A_114 = arith.addi %while3A_108, %while3A_113 : i32
    %while3A_115 = arith.constant 1 : i32
    scf.for %while3A_122 = %while3A_108 to %while3A_114 step %while3A_115  : i32 {
      %mul3A_123 = arith.constant 2 : i32
      %mul3A_124 = arith.muli %while3A_122, %mul3A_123 : i32
      %dma_wait3A = arith.constant 0 : i32
      %dma_wait3A_125 = arith.constant 0 : i32
      %dma_wait3A_126 = tpu.memref_slice %arg5[%mul3A_124, %dma_wait3A, %dma_wait3A_125] : memref<40x2x128xi32, #tpu.memory_space<vmem>> -> memref<1x1x128xi32, #tpu.memory_space<vmem>>
      %dma_wait3A_127 = tpu.memref_squeeze %dma_wait3A_126 : memref<1x1x128xi32, #tpu.memory_space<vmem>> -> memref<128xi32, #tpu.memory_space<vmem>>
      %dma_wait3A_128 = arith.constant 0 : i32
      %dma_wait3A_129 = arith.constant 0 : i32
      %dma_wait3A_130 = tpu.memref_slice %arg2[%dma_wait3A_128, %dma_wait3A_129] : memref<10240x128xf32, #tpu.memory_space<hbm>> -> memref<10240x128xf32, #tpu.memory_space<hbm>>
      tpu.wait_indirect_dma semaphore(%arg9 : memref<!tpu.dma_semaphore, #tpu.memory_space<semaphore_mem>>) src(%dma_wait3A_130 : memref<10240x128xf32, #tpu.memory_space<hbm>>) dst(%arg6 : memref<128x128xf32, #tpu.memory_space<vmem>>)
      %run_scoped3A = arith.constant 1 : i32
      "tpu.region"() ({
        %run_scoped3A_154 = tpu.sem_alloc : memref<!tpu.dma_semaphore, #tpu.memory_space<semaphore_mem>>
        %dma_start3A = arith.constant 0 : i32
        %dma_start3A_155 = tpu.memref_slice %arg5[%mul3A_124, %run_scoped3A, %dma_start3A] : memref<40x2x128xi32, #tpu.memory_space<vmem>> -> memref<1x1x128xi32, #tpu.memory_space<vmem>>
        %dma_start3A_156 = tpu.memref_squeeze %dma_start3A_155 : memref<1x1x128xi32, #tpu.memory_space<vmem>> -> memref<128xi32, #tpu.memory_space<vmem>>
        %dma_start3A_157 = arith.constant 0 : i32
        %dma_start3A_158 = arith.constant 0 : i32
        %dma_start3A_159 = tpu.memref_slice %arg8[%dma_start3A_157, %dma_start3A_158] : memref<10240x128xf32, #tpu.memory_space<vmem_shared>> -> memref<10240x128xf32, #tpu.memory_space<vmem_shared>>
        tpu.enqueue_indirect_dma source(%arg6 : memref<128x128xf32, #tpu.memory_space<vmem>>) target(%dma_start3A_159 : memref<10240x128xf32, #tpu.memory_space<vmem_shared>>) offsets(%dma_start3A_156 : memref<128xi32, #tpu.memory_space<vmem>>) semaphore(%run_scoped3A_154 : memref<!tpu.dma_semaphore, #tpu.memory_space<semaphore_mem>>) {add = true}
        %dma_wait3A_160 = arith.constant 0 : i32
        %dma_wait3A_161 = tpu.memref_slice %arg5[%mul3A_124, %run_scoped3A, %dma_wait3A_160] : memref<40x2x128xi32, #tpu.memory_space<vmem>> -> memref<1x1x128xi32, #tpu.memory_space<vmem>>
        %dma_wait3A_162 = tpu.memref_squeeze %dma_wait3A_161 : memref<1x1x128xi32, #tpu.memory_space<vmem>> -> memref<128xi32, #tpu.memory_space<vmem>>
        %dma_wait3A_163 = arith.constant 0 : i32
        %dma_wait3A_164 = arith.constant 0 : i32
        %dma_wait3A_165 = tpu.memref_slice %arg8[%dma_wait3A_163, %dma_wait3A_164] : memref<10240x128xf32, #tpu.memory_space<vmem_shared>> -> memref<10240x128xf32, #tpu.memory_space<vmem_shared>>
        tpu.wait_indirect_dma semaphore(%run_scoped3A_154 : memref<!tpu.dma_semaphore, #tpu.memory_space<semaphore_mem>>) src(%arg6 : memref<128x128xf32, #tpu.memory_space<vmem>>) dst(%dma_wait3A_165 : memref<10240x128xf32, #tpu.memory_space<vmem_shared>>)
        tpu.yield
      }) : () -> ()
      %add3A_131 = arith.constant 2 : i32
      %add3A_132 = arith.addi %mul3A_124, %add3A_131 : i32
      %lt3A = arith.cmpi slt, %add3A_132, %select_n3A_72 : i32
      %convert_element_type3A_133 = arith.extui %lt3A : i1 to i32
      %cond3A_134 = arith.constant 0 : i32
      %cond3A_135 = arith.cmpi ne, %convert_element_type3A_133, %cond3A_134 : i32
      scf.if %cond3A_135 {
        %add3A_154 = arith.constant 2 : i32
        %add3A_155 = arith.addi %mul3A_124, %add3A_154 : i32
        %dma_start3A = arith.constant 0 : i32
        %dma_start3A_156 = arith.constant 0 : i32
        %dma_start3A_157 = tpu.memref_slice %arg5[%add3A_155, %dma_start3A, %dma_start3A_156] : memref<40x2x128xi32, #tpu.memory_space<vmem>> -> memref<1x1x128xi32, #tpu.memory_space<vmem>>
        %dma_start3A_158 = tpu.memref_squeeze %dma_start3A_157 : memref<1x1x128xi32, #tpu.memory_space<vmem>> -> memref<128xi32, #tpu.memory_space<vmem>>
        %dma_start3A_159 = arith.constant 0 : i32
        %dma_start3A_160 = arith.constant 0 : i32
        %dma_start3A_161 = tpu.memref_slice %arg2[%dma_start3A_159, %dma_start3A_160] : memref<10240x128xf32, #tpu.memory_space<hbm>> -> memref<10240x128xf32, #tpu.memory_space<hbm>>
        tpu.enqueue_indirect_dma source(%dma_start3A_161 : memref<10240x128xf32, #tpu.memory_space<hbm>>) target(%arg6 : memref<128x128xf32, #tpu.memory_space<vmem>>) offsets(%dma_start3A_158 : memref<128xi32, #tpu.memory_space<vmem>>) semaphore(%arg9 : memref<!tpu.dma_semaphore, #tpu.memory_space<semaphore_mem>>)
      } else {
      }
      %add3A_136 = arith.constant 1 : i32
      %add3A_137 = arith.addi %mul3A_124, %add3A_136 : i32
      %dma_wait3A_138 = arith.constant 0 : i32
      %dma_wait3A_139 = arith.constant 0 : i32
      %dma_wait3A_140 = tpu.memref_slice %arg5[%add3A_137, %dma_wait3A_138, %dma_wait3A_139] : memref<40x2x128xi32, #tpu.memory_space<vmem>> -> memref<1x1x128xi32, #tpu.memory_space<vmem>>
      %dma_wait3A_141 = tpu.memref_squeeze %dma_wait3A_140 : memref<1x1x128xi32, #tpu.memory_space<vmem>> -> memref<128xi32, #tpu.memory_space<vmem>>
      %dma_wait3A_142 = arith.constant 0 : i32
      %dma_wait3A_143 = arith.constant 0 : i32
      %dma_wait3A_144 = tpu.memref_slice %arg2[%dma_wait3A_142, %dma_wait3A_143] : memref<10240x128xf32, #tpu.memory_space<hbm>> -> memref<10240x128xf32, #tpu.memory_space<hbm>>
      tpu.wait_indirect_dma semaphore(%arg10 : memref<!tpu.dma_semaphore, #tpu.memory_space<semaphore_mem>>) src(%dma_wait3A_144 : memref<10240x128xf32, #tpu.memory_space<hbm>>) dst(%arg7 : memref<128x128xf32, #tpu.memory_space<vmem>>)
      %add3A_145 = arith.constant 1 : i32
      %add3A_146 = arith.addi %mul3A_124, %add3A_145 : i32
      %run_scoped3A_147 = arith.constant 1 : i32
      "tpu.region"() ({
        %run_scoped3A_154 = tpu.sem_alloc : memref<!tpu.dma_semaphore, #tpu.memory_space<semaphore_mem>>
        %dma_start3A = arith.constant 0 : i32
        %dma_start3A_155 = tpu.memref_slice %arg5[%add3A_146, %run_scoped3A_147, %dma_start3A] : memref<40x2x128xi32, #tpu.memory_space<vmem>> -> memref<1x1x128xi32, #tpu.memory_space<vmem>>
        %dma_start3A_156 = tpu.memref_squeeze %dma_start3A_155 : memref<1x1x128xi32, #tpu.memory_space<vmem>> -> memref<128xi32, #tpu.memory_space<vmem>>
        %dma_start3A_157 = arith.constant 0 : i32
        %dma_start3A_158 = arith.constant 0 : i32
        %dma_start3A_159 = tpu.memref_slice %arg8[%dma_start3A_157, %dma_start3A_158] : memref<10240x128xf32, #tpu.memory_space<vmem_shared>> -> memref<10240x128xf32, #tpu.memory_space<vmem_shared>>
        tpu.enqueue_indirect_dma source(%arg7 : memref<128x128xf32, #tpu.memory_space<vmem>>) target(%dma_start3A_159 : memref<10240x128xf32, #tpu.memory_space<vmem_shared>>) offsets(%dma_start3A_156 : memref<128xi32, #tpu.memory_space<vmem>>) semaphore(%run_scoped3A_154 : memref<!tpu.dma_semaphore, #tpu.memory_space<semaphore_mem>>) {add = true}
        %dma_wait3A_160 = arith.constant 0 : i32
        %dma_wait3A_161 = tpu.memref_slice %arg5[%add3A_146, %run_scoped3A_147, %dma_wait3A_160] : memref<40x2x128xi32, #tpu.memory_space<vmem>> -> memref<1x1x128xi32, #tpu.memory_space<vmem>>
        %dma_wait3A_162 = tpu.memref_squeeze %dma_wait3A_161 : memref<1x1x128xi32, #tpu.memory_space<vmem>> -> memref<128xi32, #tpu.memory_space<vmem>>
        %dma_wait3A_163 = arith.constant 0 : i32
        %dma_wait3A_164 = arith.constant 0 : i32
        %dma_wait3A_165 = tpu.memref_slice %arg8[%dma_wait3A_163, %dma_wait3A_164] : memref<10240x128xf32, #tpu.memory_space<vmem_shared>> -> memref<10240x128xf32, #tpu.memory_space<vmem_shared>>
        tpu.wait_indirect_dma semaphore(%run_scoped3A_154 : memref<!tpu.dma_semaphore, #tpu.memory_space<semaphore_mem>>) src(%arg7 : memref<128x128xf32, #tpu.memory_space<vmem>>) dst(%dma_wait3A_165 : memref<10240x128xf32, #tpu.memory_space<vmem_shared>>)
        tpu.yield
      }) : () -> ()
      %add3A_148 = arith.constant 3 : i32
      %add3A_149 = arith.addi %mul3A_124, %add3A_148 : i32
      %lt3A_150 = arith.cmpi slt, %add3A_149, %select_n3A_72 : i32
      %convert_element_type3A_151 = arith.extui %lt3A_150 : i1 to i32
      %cond3A_152 = arith.constant 0 : i32
      %cond3A_153 = arith.cmpi ne, %convert_element_type3A_151, %cond3A_152 : i32
      scf.if %cond3A_153 {
        %add3A_154 = arith.constant 3 : i32
        %add3A_155 = arith.addi %mul3A_124, %add3A_154 : i32
        %dma_start3A = arith.constant 0 : i32
        %dma_start3A_156 = arith.constant 0 : i32
        %dma_start3A_157 = tpu.memref_slice %arg5[%add3A_155, %dma_start3A, %dma_start3A_156] : memref<40x2x128xi32, #tpu.memory_space<vmem>> -> memref<1x1x128xi32, #tpu.memory_space<vmem>>
        %dma_start3A_158 = tpu.memref_squeeze %dma_start3A_157 : memref<1x1x128xi32, #tpu.memory_space<vmem>> -> memref<128xi32, #tpu.memory_space<vmem>>
        %dma_start3A_159 = arith.constant 0 : i32
        %dma_start3A_160 = arith.constant 0 : i32
        %dma_start3A_161 = tpu.memref_slice %arg2[%dma_start3A_159, %dma_start3A_160] : memref<10240x128xf32, #tpu.memory_space<hbm>> -> memref<10240x128xf32, #tpu.memory_space<hbm>>
        tpu.enqueue_indirect_dma source(%dma_start3A_161 : memref<10240x128xf32, #tpu.memory_space<hbm>>) target(%arg7 : memref<128x128xf32, #tpu.memory_space<vmem>>) offsets(%dma_start3A_158 : memref<128xi32, #tpu.memory_space<vmem>>) semaphore(%arg10 : memref<!tpu.dma_semaphore, #tpu.memory_space<semaphore_mem>>)
      } else {
      }
    }
    %while3A_116 = arith.constant 1 : i32
    scf.for %while3A_122 = %while3A_114 to %while3A_110 step %while3A_116  : i32 {
      %mul3A_123 = arith.constant 2 : i32
      %mul3A_124 = arith.muli %while3A_122, %mul3A_123 : i32
      %dma_wait3A = arith.constant 0 : i32
      %dma_wait3A_125 = arith.constant 0 : i32
      %dma_wait3A_126 = tpu.memref_slice %arg5[%mul3A_124, %dma_wait3A, %dma_wait3A_125] : memref<40x2x128xi32, #tpu.memory_space<vmem>> -> memref<1x1x128xi32, #tpu.memory_space<vmem>>
      %dma_wait3A_127 = tpu.memref_squeeze %dma_wait3A_126 : memref<1x1x128xi32, #tpu.memory_space<vmem>> -> memref<128xi32, #tpu.memory_space<vmem>>
      %dma_wait3A_128 = arith.constant 0 : i32
      %dma_wait3A_129 = arith.constant 0 : i32
      %dma_wait3A_130 = tpu.memref_slice %arg2[%dma_wait3A_128, %dma_wait3A_129] : memref<10240x128xf32, #tpu.memory_space<hbm>> -> memref<10240x128xf32, #tpu.memory_space<hbm>>
      tpu.wait_indirect_dma semaphore(%arg9 : memref<!tpu.dma_semaphore, #tpu.memory_space<semaphore_mem>>) src(%dma_wait3A_130 : memref<10240x128xf32, #tpu.memory_space<hbm>>) dst(%arg6 : memref<128x128xf32, #tpu.memory_space<vmem>>)
      %run_scoped3A = arith.constant 1 : i32
      "tpu.region"() ({
        %run_scoped3A_154 = tpu.sem_alloc : memref<!tpu.dma_semaphore, #tpu.memory_space<semaphore_mem>>
        %dma_start3A = arith.constant 0 : i32
        %dma_start3A_155 = tpu.memref_slice %arg5[%mul3A_124, %run_scoped3A, %dma_start3A] : memref<40x2x128xi32, #tpu.memory_space<vmem>> -> memref<1x1x128xi32, #tpu.memory_space<vmem>>
        %dma_start3A_156 = tpu.memref_squeeze %dma_start3A_155 : memref<1x1x128xi32, #tpu.memory_space<vmem>> -> memref<128xi32, #tpu.memory_space<vmem>>
        %dma_start3A_157 = arith.constant 0 : i32
        %dma_start3A_158 = arith.constant 0 : i32
        %dma_start3A_159 = tpu.memref_slice %arg8[%dma_start3A_157, %dma_start3A_158] : memref<10240x128xf32, #tpu.memory_space<vmem_shared>> -> memref<10240x128xf32, #tpu.memory_space<vmem_shared>>
        tpu.enqueue_indirect_dma source(%arg6 : memref<128x128xf32, #tpu.memory_space<vmem>>) target(%dma_start3A_159 : memref<10240x128xf32, #tpu.memory_space<vmem_shared>>) offsets(%dma_start3A_156 : memref<128xi32, #tpu.memory_space<vmem>>) semaphore(%run_scoped3A_154 : memref<!tpu.dma_semaphore, #tpu.memory_space<semaphore_mem>>) {add = true}
        %dma_wait3A_160 = arith.constant 0 : i32
        %dma_wait3A_161 = tpu.memref_slice %arg5[%mul3A_124, %run_scoped3A, %dma_wait3A_160] : memref<40x2x128xi32, #tpu.memory_space<vmem>> -> memref<1x1x128xi32, #tpu.memory_space<vmem>>
        %dma_wait3A_162 = tpu.memref_squeeze %dma_wait3A_161 : memref<1x1x128xi32, #tpu.memory_space<vmem>> -> memref<128xi32, #tpu.memory_space<vmem>>
        %dma_wait3A_163 = arith.constant 0 : i32
        %dma_wait3A_164 = arith.constant 0 : i32
        %dma_wait3A_165 = tpu.memref_slice %arg8[%dma_wait3A_163, %dma_wait3A_164] : memref<10240x128xf32, #tpu.memory_space<vmem_shared>> -> memref<10240x128xf32, #tpu.memory_space<vmem_shared>>
        tpu.wait_indirect_dma semaphore(%run_scoped3A_154 : memref<!tpu.dma_semaphore, #tpu.memory_space<semaphore_mem>>) src(%arg6 : memref<128x128xf32, #tpu.memory_space<vmem>>) dst(%dma_wait3A_165 : memref<10240x128xf32, #tpu.memory_space<vmem_shared>>)
        tpu.yield
      }) : () -> ()
      %add3A_131 = arith.constant 2 : i32
      %add3A_132 = arith.addi %mul3A_124, %add3A_131 : i32
      %lt3A = arith.cmpi slt, %add3A_132, %select_n3A_72 : i32
      %convert_element_type3A_133 = arith.extui %lt3A : i1 to i32
      %cond3A_134 = arith.constant 0 : i32
      %cond3A_135 = arith.cmpi ne, %convert_element_type3A_133, %cond3A_134 : i32
      scf.if %cond3A_135 {
        %add3A_154 = arith.constant 2 : i32
        %add3A_155 = arith.addi %mul3A_124, %add3A_154 : i32
        %dma_start3A = arith.constant 0 : i32
        %dma_start3A_156 = arith.constant 0 : i32
        %dma_start3A_157 = tpu.memref_slice %arg5[%add3A_155, %dma_start3A, %dma_start3A_156] : memref<40x2x128xi32, #tpu.memory_space<vmem>> -> memref<1x1x128xi32, #tpu.memory_space<vmem>>
        %dma_start3A_158 = tpu.memref_squeeze %dma_start3A_157 : memref<1x1x128xi32, #tpu.memory_space<vmem>> -> memref<128xi32, #tpu.memory_space<vmem>>
        %dma_start3A_159 = arith.constant 0 : i32
        %dma_start3A_160 = arith.constant 0 : i32
        %dma_start3A_161 = tpu.memref_slice %arg2[%dma_start3A_159, %dma_start3A_160] : memref<10240x128xf32, #tpu.memory_space<hbm>> -> memref<10240x128xf32, #tpu.memory_space<hbm>>
        tpu.enqueue_indirect_dma source(%dma_start3A_161 : memref<10240x128xf32, #tpu.memory_space<hbm>>) target(%arg6 : memref<128x128xf32, #tpu.memory_space<vmem>>) offsets(%dma_start3A_158 : memref<128xi32, #tpu.memory_space<vmem>>) semaphore(%arg9 : memref<!tpu.dma_semaphore, #tpu.memory_space<semaphore_mem>>)
      } else {
      }
      %add3A_136 = arith.constant 1 : i32
      %add3A_137 = arith.addi %mul3A_124, %add3A_136 : i32
      %dma_wait3A_138 = arith.constant 0 : i32
      %dma_wait3A_139 = arith.constant 0 : i32
      %dma_wait3A_140 = tpu.memref_slice %arg5[%add3A_137, %dma_wait3A_138, %dma_wait3A_139] : memref<40x2x128xi32, #tpu.memory_space<vmem>> -> memref<1x1x128xi32, #tpu.memory_space<vmem>>
      %dma_wait3A_141 = tpu.memref_squeeze %dma_wait3A_140 : memref<1x1x128xi32, #tpu.memory_space<vmem>> -> memref<128xi32, #tpu.memory_space<vmem>>
      %dma_wait3A_142 = arith.constant 0 : i32
      %dma_wait3A_143 = arith.constant 0 : i32
      %dma_wait3A_144 = tpu.memref_slice %arg2[%dma_wait3A_142, %dma_wait3A_143] : memref<10240x128xf32, #tpu.memory_space<hbm>> -> memref<10240x128xf32, #tpu.memory_space<hbm>>
      tpu.wait_indirect_dma semaphore(%arg10 : memref<!tpu.dma_semaphore, #tpu.memory_space<semaphore_mem>>) src(%dma_wait3A_144 : memref<10240x128xf32, #tpu.memory_space<hbm>>) dst(%arg7 : memref<128x128xf32, #tpu.memory_space<vmem>>)
      %add3A_145 = arith.constant 1 : i32
      %add3A_146 = arith.addi %mul3A_124, %add3A_145 : i32
      %run_scoped3A_147 = arith.constant 1 : i32
      "tpu.region"() ({
        %run_scoped3A_154 = tpu.sem_alloc : memref<!tpu.dma_semaphore, #tpu.memory_space<semaphore_mem>>
        %dma_start3A = arith.constant 0 : i32
        %dma_start3A_155 = tpu.memref_slice %arg5[%add3A_146, %run_scoped3A_147, %dma_start3A] : memref<40x2x128xi32, #tpu.memory_space<vmem>> -> memref<1x1x128xi32, #tpu.memory_space<vmem>>
        %dma_start3A_156 = tpu.memref_squeeze %dma_start3A_155 : memref<1x1x128xi32, #tpu.memory_space<vmem>> -> memref<128xi32, #tpu.memory_space<vmem>>
        %dma_start3A_157 = arith.constant 0 : i32
        %dma_start3A_158 = arith.constant 0 : i32
        %dma_start3A_159 = tpu.memref_slice %arg8[%dma_start3A_157, %dma_start3A_158] : memref<10240x128xf32, #tpu.memory_space<vmem_shared>> -> memref<10240x128xf32, #tpu.memory_space<vmem_shared>>
        tpu.enqueue_indirect_dma source(%arg7 : memref<128x128xf32, #tpu.memory_space<vmem>>) target(%dma_start3A_159 : memref<10240x128xf32, #tpu.memory_space<vmem_shared>>) offsets(%dma_start3A_156 : memref<128xi32, #tpu.memory_space<vmem>>) semaphore(%run_scoped3A_154 : memref<!tpu.dma_semaphore, #tpu.memory_space<semaphore_mem>>) {add = true}
        %dma_wait3A_160 = arith.constant 0 : i32
        %dma_wait3A_161 = tpu.memref_slice %arg5[%add3A_146, %run_scoped3A_147, %dma_wait3A_160] : memref<40x2x128xi32, #tpu.memory_space<vmem>> -> memref<1x1x128xi32, #tpu.memory_space<vmem>>
        %dma_wait3A_162 = tpu.memref_squeeze %dma_wait3A_161 : memref<1x1x128xi32, #tpu.memory_space<vmem>> -> memref<128xi32, #tpu.memory_space<vmem>>
        %dma_wait3A_163 = arith.constant 0 : i32
        %dma_wait3A_164 = arith.constant 0 : i32
        %dma_wait3A_165 = tpu.memref_slice %arg8[%dma_wait3A_163, %dma_wait3A_164] : memref<10240x128xf32, #tpu.memory_space<vmem_shared>> -> memref<10240x128xf32, #tpu.memory_space<vmem_shared>>
        tpu.wait_indirect_dma semaphore(%run_scoped3A_154 : memref<!tpu.dma_semaphore, #tpu.memory_space<semaphore_mem>>) src(%arg7 : memref<128x128xf32, #tpu.memory_space<vmem>>) dst(%dma_wait3A_165 : memref<10240x128xf32, #tpu.memory_space<vmem_shared>>)
        tpu.yield
      }) : () -> ()
      %add3A_148 = arith.constant 3 : i32
      %add3A_149 = arith.addi %mul3A_124, %add3A_148 : i32
      %lt3A_150 = arith.cmpi slt, %add3A_149, %select_n3A_72 : i32
      %convert_element_type3A_151 = arith.extui %lt3A_150 : i1 to i32
      %cond3A_152 = arith.constant 0 : i32
      %cond3A_153 = arith.cmpi ne, %convert_element_type3A_151, %cond3A_152 : i32
      scf.if %cond3A_153 {
        %add3A_154 = arith.constant 3 : i32
        %add3A_155 = arith.addi %mul3A_124, %add3A_154 : i32
        %dma_start3A = arith.constant 0 : i32
        %dma_start3A_156 = arith.constant 0 : i32
        %dma_start3A_157 = tpu.memref_slice %arg5[%add3A_155, %dma_start3A, %dma_start3A_156] : memref<40x2x128xi32, #tpu.memory_space<vmem>> -> memref<1x1x128xi32, #tpu.memory_space<vmem>>
        %dma_start3A_158 = tpu.memref_squeeze %dma_start3A_157 : memref<1x1x128xi32, #tpu.memory_space<vmem>> -> memref<128xi32, #tpu.memory_space<vmem>>
        %dma_start3A_159 = arith.constant 0 : i32
        %dma_start3A_160 = arith.constant 0 : i32
        %dma_start3A_161 = tpu.memref_slice %arg2[%dma_start3A_159, %dma_start3A_160] : memref<10240x128xf32, #tpu.memory_space<hbm>> -> memref<10240x128xf32, #tpu.memory_space<hbm>>
        tpu.enqueue_indirect_dma source(%dma_start3A_161 : memref<10240x128xf32, #tpu.memory_space<hbm>>) target(%arg7 : memref<128x128xf32, #tpu.memory_space<vmem>>) offsets(%dma_start3A_158 : memref<128xi32, #tpu.memory_space<vmem>>) semaphore(%arg10 : memref<!tpu.dma_semaphore, #tpu.memory_space<semaphore_mem>>)
      } else {
      }
    }
    %barrier3A_117 = arith.constant 0 : index
    tpu.barrier barrier_id(%barrier3A_117)
    %mul3A_118 = arith.constant 640 : i32
    %mul3A_119 = arith.muli %arg1, %mul3A_118 : i32
    %mul3A_120 = arith.constant 640 : i32
    %mul3A_121 = arith.muli %arg1, %mul3A_120 : i32
    "tpu.region"() ({
      %run_scoped3A = tpu.sem_alloc : memref<!tpu.dma_semaphore, #tpu.memory_space<semaphore_mem>>
      %dma_start3A = arith.constant 0 : i32
      %dma_start3A_122 = tpu.memref_slice %arg4[%arg0, %mul3A_121, %dma_start3A] : memref<2x10240x128xf32, #tpu.memory_space<hbm>> -> memref<1x640x128xf32, #tpu.memory_space<hbm>>
      %dma_start3A_123 = tpu.memref_squeeze %dma_start3A_122 : memref<1x640x128xf32, #tpu.memory_space<hbm>> -> memref<640x128xf32, #tpu.memory_space<hbm>>
      %dma_start3A_124 = arith.constant 0 : i32
      %dma_start3A_125 = tpu.memref_slice %arg8[%mul3A_119, %dma_start3A_124] : memref<10240x128xf32, #tpu.memory_space<vmem_shared>> -> memref<640x128xf32, #tpu.memory_space<vmem_shared>>
      tpu.enqueue_dma source(%dma_start3A_125 : memref<640x128xf32, #tpu.memory_space<vmem_shared>>) target(%dma_start3A_123 : memref<640x128xf32, #tpu.memory_space<hbm>>) target_semaphore(%run_scoped3A : memref<!tpu.dma_semaphore, #tpu.memory_space<semaphore_mem>>)
      %dma_wait3A = arith.constant 0 : i32
      %dma_wait3A_126 = tpu.memref_slice %arg4[%arg0, %mul3A_121, %dma_wait3A] : memref<2x10240x128xf32, #tpu.memory_space<hbm>> -> memref<1x640x128xf32, #tpu.memory_space<hbm>>
      %dma_wait3A_127 = tpu.memref_squeeze %dma_wait3A_126 : memref<1x640x128xf32, #tpu.memory_space<hbm>> -> memref<640x128xf32, #tpu.memory_space<hbm>>
      %dma_wait3A_128 = arith.constant 0 : i32
      %dma_wait3A_129 = tpu.memref_slice %arg8[%mul3A_119, %dma_wait3A_128] : memref<10240x128xf32, #tpu.memory_space<vmem_shared>> -> memref<640x128xf32, #tpu.memory_space<vmem_shared>>
      tpu.wait_dma2 semaphore(%run_scoped3A : memref<!tpu.dma_semaphore, #tpu.memory_space<semaphore_mem>>) src(%dma_wait3A_129 : memref<640x128xf32, #tpu.memory_space<vmem_shared>>) dst(%dma_wait3A_127 : memref<640x128xf32, #tpu.memory_space<hbm>>)
      tpu.yield
    }) : () -> ()
    return
  }
}

#map = affine_map<(d0, d1) -> (0, 0, 0)>
#map1 = affine_map<(d0, d1) -> (0, 0)>
module attributes {stable_mosaic.version = 14 : i64} {
  func.func @_deg_body(%arg0: i32, %arg1: i32, %arg2: memref<2500x2x128xi32, #tpu.memory_space<hbm>>, %arg3: memref<2x10240xf32, #tpu.memory_space<hbm>>, %arg4: memref<80x2x128xi32, #tpu.memory_space<vmem>>, %arg5: memref<2x128xf32, #tpu.memory_space<vmem>>, %arg6: memref<10240xf32, #tpu.memory_space<vmem_shared>>, %arg7: memref<!tpu.dma_semaphore, #tpu.memory_space<semaphore_mem>>) attributes {dimension_semantics = [#tpu.dimension_semantics<core_parallel>, #tpu.dimension_semantics<subcore_parallel>], iteration_bounds = array<i64: 2, 16>, scalar_prefetch = 0 : i64, scratch_operands = 4 : i64, tpu.core_type = #tpu.core_type<sc_vector_subcore>, window_params = [{transform_indices = #map}, {transform_indices = #map1}]} {
    %mul3A = arith.constant 16 : i32
    %mul3A_0 = arith.muli %arg0, %mul3A : i32
    %add3A = arith.addi %mul3A_0, %arg1 : i32
    %broadcast_in_dim3A = arith.constant 0.000000e+00 : f32
    %broadcast_in_dim3A_1 = vector.broadcast %broadcast_in_dim3A : f32 to vector<16xf32>
    %broadcast_in_dim3A_2 = arith.constant 1.000000e+00 : f32
    %broadcast_in_dim3A_3 = vector.broadcast %broadcast_in_dim3A_2 : f32 to vector<16xf32>
    %swap3A = arith.constant 0 : i32
    %swap3A_4 = arith.index_cast %swap3A : i32 to index
    %swap3A_5 = arith.constant 0 : index
    %swap3A_6 = tpu.vector_load %arg5[%swap3A_4, %swap3A_5] {strides = array<i32>} : memref<2x128xf32, #tpu.memory_space<vmem>>, vector<1x16xf32>,
    %swap3A_7 = vector.shape_cast %swap3A_6 : vector<1x16xf32> to vector<16xf32>
    %swap3A_8 = vector.shape_cast %broadcast_in_dim3A_1 : vector<16xf32> to vector<1x16xf32>
    tpu.vector_store %arg5[%swap3A_4, %swap3A_5], %swap3A_8 {strides = array<i32>} : memref<2x128xf32, #tpu.memory_space<vmem>>, vector<1x16xf32>,
    %swap3A_9 = arith.constant 1 : i32
    %swap3A_10 = arith.index_cast %swap3A_9 : i32 to index
    %swap3A_11 = arith.constant 0 : index
    %swap3A_12 = tpu.vector_load %arg5[%swap3A_10, %swap3A_11] {strides = array<i32>} : memref<2x128xf32, #tpu.memory_space<vmem>>, vector<1x16xf32>,
    %swap3A_13 = vector.shape_cast %swap3A_12 : vector<1x16xf32> to vector<16xf32>
    %swap3A_14 = vector.shape_cast %broadcast_in_dim3A_3 : vector<16xf32> to vector<1x16xf32>
    tpu.vector_store %arg5[%swap3A_10, %swap3A_11], %swap3A_14 {strides = array<i32>} : memref<2x128xf32, #tpu.memory_space<vmem>>, vector<1x16xf32>,
    %swap3A_15 = arith.constant 0 : i32
    %swap3A_16 = arith.index_cast %swap3A_15 : i32 to index
    %swap3A_17 = arith.constant 16 : index
    %swap3A_18 = tpu.vector_load %arg5[%swap3A_16, %swap3A_17] {strides = array<i32>} : memref<2x128xf32, #tpu.memory_space<vmem>>, vector<1x16xf32>,
    %swap3A_19 = vector.shape_cast %swap3A_18 : vector<1x16xf32> to vector<16xf32>
    %swap3A_20 = vector.shape_cast %broadcast_in_dim3A_1 : vector<16xf32> to vector<1x16xf32>
    tpu.vector_store %arg5[%swap3A_16, %swap3A_17], %swap3A_20 {strides = array<i32>} : memref<2x128xf32, #tpu.memory_space<vmem>>, vector<1x16xf32>,
    %swap3A_21 = arith.constant 1 : i32
    %swap3A_22 = arith.index_cast %swap3A_21 : i32 to index
    %swap3A_23 = arith.constant 16 : index
    %swap3A_24 = tpu.vector_load %arg5[%swap3A_22, %swap3A_23] {strides = array<i32>} : memref<2x128xf32, #tpu.memory_space<vmem>>, vector<1x16xf32>,
    %swap3A_25 = vector.shape_cast %swap3A_24 : vector<1x16xf32> to vector<16xf32>
    %swap3A_26 = vector.shape_cast %broadcast_in_dim3A_3 : vector<16xf32> to vector<1x16xf32>
    tpu.vector_store %arg5[%swap3A_22, %swap3A_23], %swap3A_26 {strides = array<i32>} : memref<2x128xf32, #tpu.memory_space<vmem>>, vector<1x16xf32>,
    %swap3A_27 = arith.constant 0 : i32
    %swap3A_28 = arith.index_cast %swap3A_27 : i32 to index
    %swap3A_29 = arith.constant 32 : index
    %swap3A_30 = tpu.vector_load %arg5[%swap3A_28, %swap3A_29] {strides = array<i32>} : memref<2x128xf32, #tpu.memory_space<vmem>>, vector<1x16xf32>,
    %swap3A_31 = vector.shape_cast %swap3A_30 : vector<1x16xf32> to vector<16xf32>
    %swap3A_32 = vector.shape_cast %broadcast_in_dim3A_1 : vector<16xf32> to vector<1x16xf32>
    tpu.vector_store %arg5[%swap3A_28, %swap3A_29], %swap3A_32 {strides = array<i32>} : memref<2x128xf32, #tpu.memory_space<vmem>>, vector<1x16xf32>,
    %swap3A_33 = arith.constant 1 : i32
    %swap3A_34 = arith.index_cast %swap3A_33 : i32 to index
    %swap3A_35 = arith.constant 32 : index
    %swap3A_36 = tpu.vector_load %arg5[%swap3A_34, %swap3A_35] {strides = array<i32>} : memref<2x128xf32, #tpu.memory_space<vmem>>, vector<1x16xf32>,
    %swap3A_37 = vector.shape_cast %swap3A_36 : vector<1x16xf32> to vector<16xf32>
    %swap3A_38 = vector.shape_cast %broadcast_in_dim3A_3 : vector<16xf32> to vector<1x16xf32>
    tpu.vector_store %arg5[%swap3A_34, %swap3A_35], %swap3A_38 {strides = array<i32>} : memref<2x128xf32, #tpu.memory_space<vmem>>, vector<1x16xf32>,
    %swap3A_39 = arith.constant 0 : i32
    %swap3A_40 = arith.index_cast %swap3A_39 : i32 to index
    %swap3A_41 = arith.constant 48 : index
    %swap3A_42 = tpu.vector_load %arg5[%swap3A_40, %swap3A_41] {strides = array<i32>} : memref<2x128xf32, #tpu.memory_space<vmem>>, vector<1x16xf32>,
    %swap3A_43 = vector.shape_cast %swap3A_42 : vector<1x16xf32> to vector<16xf32>
    %swap3A_44 = vector.shape_cast %broadcast_in_dim3A_1 : vector<16xf32> to vector<1x16xf32>
    tpu.vector_store %arg5[%swap3A_40, %swap3A_41], %swap3A_44 {strides = array<i32>} : memref<2x128xf32, #tpu.memory_space<vmem>>, vector<1x16xf32>,
    %swap3A_45 = arith.constant 1 : i32
    %swap3A_46 = arith.index_cast %swap3A_45 : i32 to index
    %swap3A_47 = arith.constant 48 : index
    %swap3A_48 = tpu.vector_load %arg5[%swap3A_46, %swap3A_47] {strides = array<i32>} : memref<2x128xf32, #tpu.memory_space<vmem>>, vector<1x16xf32>,
    %swap3A_49 = vector.shape_cast %swap3A_48 : vector<1x16xf32> to vector<16xf32>
    %swap3A_50 = vector.shape_cast %broadcast_in_dim3A_3 : vector<16xf32> to vector<1x16xf32>
    tpu.vector_store %arg5[%swap3A_46, %swap3A_47], %swap3A_50 {strides = array<i32>} : memref<2x128xf32, #tpu.memory_space<vmem>>, vector<1x16xf32>,
    %swap3A_51 = arith.constant 0 : i32
    %swap3A_52 = arith.index_cast %swap3A_51 : i32 to index
    %swap3A_53 = arith.constant 64 : index
    %swap3A_54 = tpu.vector_load %arg5[%swap3A_52, %swap3A_53] {strides = array<i32>} : memref<2x128xf32, #tpu.memory_space<vmem>>, vector<1x16xf32>,
    %swap3A_55 = vector.shape_cast %swap3A_54 : vector<1x16xf32> to vector<16xf32>
    %swap3A_56 = vector.shape_cast %broadcast_in_dim3A_1 : vector<16xf32> to vector<1x16xf32>
    tpu.vector_store %arg5[%swap3A_52, %swap3A_53], %swap3A_56 {strides = array<i32>} : memref<2x128xf32, #tpu.memory_space<vmem>>, vector<1x16xf32>,
    %swap3A_57 = arith.constant 1 : i32
    %swap3A_58 = arith.index_cast %swap3A_57 : i32 to index
    %swap3A_59 = arith.constant 64 : index
    %swap3A_60 = tpu.vector_load %arg5[%swap3A_58, %swap3A_59] {strides = array<i32>} : memref<2x128xf32, #tpu.memory_space<vmem>>, vector<1x16xf32>,
    %swap3A_61 = vector.shape_cast %swap3A_60 : vector<1x16xf32> to vector<16xf32>
    %swap3A_62 = vector.shape_cast %broadcast_in_dim3A_3 : vector<16xf32> to vector<1x16xf32>
    tpu.vector_store %arg5[%swap3A_58, %swap3A_59], %swap3A_62 {strides = array<i32>} : memref<2x128xf32, #tpu.memory_space<vmem>>, vector<1x16xf32>,
    %swap3A_63 = arith.constant 0 : i32
    %swap3A_64 = arith.index_cast %swap3A_63 : i32 to index
    %swap3A_65 = arith.constant 80 : index
    %swap3A_66 = tpu.vector_load %arg5[%swap3A_64, %swap3A_65] {strides = array<i32>} : memref<2x128xf32, #tpu.memory_space<vmem>>, vector<1x16xf32>,
    %swap3A_67 = vector.shape_cast %swap3A_66 : vector<1x16xf32> to vector<16xf32>
    %swap3A_68 = vector.shape_cast %broadcast_in_dim3A_1 : vector<16xf32> to vector<1x16xf32>
    tpu.vector_store %arg5[%swap3A_64, %swap3A_65], %swap3A_68 {strides = array<i32>} : memref<2x128xf32, #tpu.memory_space<vmem>>, vector<1x16xf32>,
    %swap3A_69 = arith.constant 1 : i32
    %swap3A_70 = arith.index_cast %swap3A_69 : i32 to index
    %swap3A_71 = arith.constant 80 : index
    %swap3A_72 = tpu.vector_load %arg5[%swap3A_70, %swap3A_71] {strides = array<i32>} : memref<2x128xf32, #tpu.memory_space<vmem>>, vector<1x16xf32>,
    %swap3A_73 = vector.shape_cast %swap3A_72 : vector<1x16xf32> to vector<16xf32>
    %swap3A_74 = vector.shape_cast %broadcast_in_dim3A_3 : vector<16xf32> to vector<1x16xf32>
    tpu.vector_store %arg5[%swap3A_70, %swap3A_71], %swap3A_74 {strides = array<i32>} : memref<2x128xf32, #tpu.memory_space<vmem>>, vector<1x16xf32>,
    %swap3A_75 = arith.constant 0 : i32
    %swap3A_76 = arith.index_cast %swap3A_75 : i32 to index
    %swap3A_77 = arith.constant 96 : index
    %swap3A_78 = tpu.vector_load %arg5[%swap3A_76, %swap3A_77] {strides = array<i32>} : memref<2x128xf32, #tpu.memory_space<vmem>>, vector<1x16xf32>,
    %swap3A_79 = vector.shape_cast %swap3A_78 : vector<1x16xf32> to vector<16xf32>
    %swap3A_80 = vector.shape_cast %broadcast_in_dim3A_1 : vector<16xf32> to vector<1x16xf32>
    tpu.vector_store %arg5[%swap3A_76, %swap3A_77], %swap3A_80 {strides = array<i32>} : memref<2x128xf32, #tpu.memory_space<vmem>>, vector<1x16xf32>,
    %swap3A_81 = arith.constant 1 : i32
    %swap3A_82 = arith.index_cast %swap3A_81 : i32 to index
    %swap3A_83 = arith.constant 96 : index
    %swap3A_84 = tpu.vector_load %arg5[%swap3A_82, %swap3A_83] {strides = array<i32>} : memref<2x128xf32, #tpu.memory_space<vmem>>, vector<1x16xf32>,
    %swap3A_85 = vector.shape_cast %swap3A_84 : vector<1x16xf32> to vector<16xf32>
    %swap3A_86 = vector.shape_cast %broadcast_in_dim3A_3 : vector<16xf32> to vector<1x16xf32>
    tpu.vector_store %arg5[%swap3A_82, %swap3A_83], %swap3A_86 {strides = array<i32>} : memref<2x128xf32, #tpu.memory_space<vmem>>, vector<1x16xf32>,
    %swap3A_87 = arith.constant 0 : i32
    %swap3A_88 = arith.index_cast %swap3A_87 : i32 to index
    %swap3A_89 = arith.constant 112 : index
    %swap3A_90 = tpu.vector_load %arg5[%swap3A_88, %swap3A_89] {strides = array<i32>} : memref<2x128xf32, #tpu.memory_space<vmem>>, vector<1x16xf32>,
    %swap3A_91 = vector.shape_cast %swap3A_90 : vector<1x16xf32> to vector<16xf32>
    %swap3A_92 = vector.shape_cast %broadcast_in_dim3A_1 : vector<16xf32> to vector<1x16xf32>
    tpu.vector_store %arg5[%swap3A_88, %swap3A_89], %swap3A_92 {strides = array<i32>} : memref<2x128xf32, #tpu.memory_space<vmem>>, vector<1x16xf32>,
    %swap3A_93 = arith.constant 1 : i32
    %swap3A_94 = arith.index_cast %swap3A_93 : i32 to index
    %swap3A_95 = arith.constant 112 : index
    %swap3A_96 = tpu.vector_load %arg5[%swap3A_94, %swap3A_95] {strides = array<i32>} : memref<2x128xf32, #tpu.memory_space<vmem>>, vector<1x16xf32>,
    %swap3A_97 = vector.shape_cast %swap3A_96 : vector<1x16xf32> to vector<16xf32>
    %swap3A_98 = vector.shape_cast %broadcast_in_dim3A_3 : vector<16xf32> to vector<1x16xf32>
    tpu.vector_store %arg5[%swap3A_94, %swap3A_95], %swap3A_98 {strides = array<i32>} : memref<2x128xf32, #tpu.memory_space<vmem>>, vector<1x16xf32>,
    %mul3A_99 = arith.constant 640 : i32
    %mul3A_100 = arith.muli %arg1, %mul3A_99 : i32
    %add3A_101 = arith.constant 0 : i32
    %add3A_102 = arith.addi %mul3A_100, %add3A_101 : i32
    %run_scoped3A = arith.constant 0 : i32
    "tpu.region"() ({
      %run_scoped3A_156 = tpu.sem_alloc : memref<!tpu.dma_semaphore, #tpu.memory_space<semaphore_mem>>
      %dma_start3A = arith.constant 0 : i32
      %dma_start3A_157 = tpu.memref_slice %arg5[%run_scoped3A, %dma_start3A] : memref<2x128xf32, #tpu.memory_space<vmem>> -> memref<1x128xf32, #tpu.memory_space<vmem>>
      %dma_start3A_158 = tpu.memref_squeeze %dma_start3A_157 : memref<1x128xf32, #tpu.memory_space<vmem>> -> memref<128xf32, #tpu.memory_space<vmem>>
      %dma_start3A_159 = tpu.memref_slice %arg6[%add3A_102] : memref<10240xf32, #tpu.memory_space<vmem_shared>> -> memref<128xf32, #tpu.memory_space<vmem_shared>>
      %dma_start3A_160 = tpu.memref_slice %arg6[%add3A_102] : memref<10240xf32, #tpu.memory_space<vmem_shared>> -> memref<128xf32, #tpu.memory_space<vmem_shared>>
      %dma_start3A_161 = arith.constant 0 : i32
      %dma_start3A_162 = tpu.memref_slice %arg5[%run_scoped3A, %dma_start3A_161] : memref<2x128xf32, #tpu.memory_space<vmem>> -> memref<1x128xf32, #tpu.memory_space<vmem>>
      %dma_start3A_163 = tpu.memref_squeeze %dma_start3A_162 : memref<1x128xf32, #tpu.memory_space<vmem>> -> memref<128xf32, #tpu.memory_space<vmem>>
      tpu.enqueue_dma source(%dma_start3A_163 : memref<128xf32, #tpu.memory_space<vmem>>) target(%dma_start3A_160 : memref<128xf32, #tpu.memory_space<vmem_shared>>) target_semaphore(%run_scoped3A_156 : memref<!tpu.dma_semaphore, #tpu.memory_space<semaphore_mem>>)
      %dma_wait3A = arith.constant 0 : i32
      %dma_wait3A_164 = tpu.memref_slice %arg5[%run_scoped3A, %dma_wait3A] : memref<2x128xf32, #tpu.memory_space<vmem>> -> memref<1x128xf32, #tpu.memory_space<vmem>>
      %dma_wait3A_165 = tpu.memref_squeeze %dma_wait3A_164 : memref<1x128xf32, #tpu.memory_space<vmem>> -> memref<128xf32, #tpu.memory_space<vmem>>
      %dma_wait3A_166 = tpu.memref_slice %arg6[%add3A_102] : memref<10240xf32, #tpu.memory_space<vmem_shared>> -> memref<128xf32, #tpu.memory_space<vmem_shared>>
      %dma_wait3A_167 = tpu.memref_slice %arg6[%add3A_102] : memref<10240xf32, #tpu.memory_space<vmem_shared>> -> memref<128xf32, #tpu.memory_space<vmem_shared>>
      %dma_wait3A_168 = arith.constant 0 : i32
      %dma_wait3A_169 = tpu.memref_slice %arg5[%run_scoped3A, %dma_wait3A_168] : memref<2x128xf32, #tpu.memory_space<vmem>> -> memref<1x128xf32, #tpu.memory_space<vmem>>
      %dma_wait3A_170 = tpu.memref_squeeze %dma_wait3A_169 : memref<1x128xf32, #tpu.memory_space<vmem>> -> memref<128xf32, #tpu.memory_space<vmem>>
      tpu.wait_dma2 semaphore(%run_scoped3A_156 : memref<!tpu.dma_semaphore, #tpu.memory_space<semaphore_mem>>) src(%dma_wait3A_170 : memref<128xf32, #tpu.memory_space<vmem>>) dst(%dma_wait3A_167 : memref<128xf32, #tpu.memory_space<vmem_shared>>)
      tpu.yield
    }) : () -> ()
    %mul3A_103 = arith.constant 640 : i32
    %mul3A_104 = arith.muli %arg1, %mul3A_103 : i32
    %add3A_105 = arith.constant 128 : i32
    %add3A_106 = arith.addi %mul3A_104, %add3A_105 : i32
    %run_scoped3A_107 = arith.constant 0 : i32
    "tpu.region"() ({
      %run_scoped3A_156 = tpu.sem_alloc : memref<!tpu.dma_semaphore, #tpu.memory_space<semaphore_mem>>
      %dma_start3A = arith.constant 0 : i32
      %dma_start3A_157 = tpu.memref_slice %arg5[%run_scoped3A_107, %dma_start3A] : memref<2x128xf32, #tpu.memory_space<vmem>> -> memref<1x128xf32, #tpu.memory_space<vmem>>
      %dma_start3A_158 = tpu.memref_squeeze %dma_start3A_157 : memref<1x128xf32, #tpu.memory_space<vmem>> -> memref<128xf32, #tpu.memory_space<vmem>>
      %dma_start3A_159 = tpu.memref_slice %arg6[%add3A_106] : memref<10240xf32, #tpu.memory_space<vmem_shared>> -> memref<128xf32, #tpu.memory_space<vmem_shared>>
      %dma_start3A_160 = tpu.memref_slice %arg6[%add3A_106] : memref<10240xf32, #tpu.memory_space<vmem_shared>> -> memref<128xf32, #tpu.memory_space<vmem_shared>>
      %dma_start3A_161 = arith.constant 0 : i32
      %dma_start3A_162 = tpu.memref_slice %arg5[%run_scoped3A_107, %dma_start3A_161] : memref<2x128xf32, #tpu.memory_space<vmem>> -> memref<1x128xf32, #tpu.memory_space<vmem>>
      %dma_start3A_163 = tpu.memref_squeeze %dma_start3A_162 : memref<1x128xf32, #tpu.memory_space<vmem>> -> memref<128xf32, #tpu.memory_space<vmem>>
      tpu.enqueue_dma source(%dma_start3A_163 : memref<128xf32, #tpu.memory_space<vmem>>) target(%dma_start3A_160 : memref<128xf32, #tpu.memory_space<vmem_shared>>) target_semaphore(%run_scoped3A_156 : memref<!tpu.dma_semaphore, #tpu.memory_space<semaphore_mem>>)
      %dma_wait3A = arith.constant 0 : i32
      %dma_wait3A_164 = tpu.memref_slice %arg5[%run_scoped3A_107, %dma_wait3A] : memref<2x128xf32, #tpu.memory_space<vmem>> -> memref<1x128xf32, #tpu.memory_space<vmem>>
      %dma_wait3A_165 = tpu.memref_squeeze %dma_wait3A_164 : memref<1x128xf32, #tpu.memory_space<vmem>> -> memref<128xf32, #tpu.memory_space<vmem>>
      %dma_wait3A_166 = tpu.memref_slice %arg6[%add3A_106] : memref<10240xf32, #tpu.memory_space<vmem_shared>> -> memref<128xf32, #tpu.memory_space<vmem_shared>>
      %dma_wait3A_167 = tpu.memref_slice %arg6[%add3A_106] : memref<10240xf32, #tpu.memory_space<vmem_shared>> -> memref<128xf32, #tpu.memory_space<vmem_shared>>
      %dma_wait3A_168 = arith.constant 0 : i32
      %dma_wait3A_169 = tpu.memref_slice %arg5[%run_scoped3A_107, %dma_wait3A_168] : memref<2x128xf32, #tpu.memory_space<vmem>> -> memref<1x128xf32, #tpu.memory_space<vmem>>
      %dma_wait3A_170 = tpu.memref_squeeze %dma_wait3A_169 : memref<1x128xf32, #tpu.memory_space<vmem>> -> memref<128xf32, #tpu.memory_space<vmem>>
      tpu.wait_dma2 semaphore(%run_scoped3A_156 : memref<!tpu.dma_semaphore, #tpu.memory_space<semaphore_mem>>) src(%dma_wait3A_170 : memref<128xf32, #tpu.memory_space<vmem>>) dst(%dma_wait3A_167 : memref<128xf32, #tpu.memory_space<vmem_shared>>)
      tpu.yield
    }) : () -> ()
    %mul3A_108 = arith.constant 640 : i32
    %mul3A_109 = arith.muli %arg1, %mul3A_108 : i32
    %add3A_110 = arith.constant 256 : i32
    %add3A_111 = arith.addi %mul3A_109, %add3A_110 : i32
    %run_scoped3A_112 = arith.constant 0 : i32
    "tpu.region"() ({
      %run_scoped3A_156 = tpu.sem_alloc : memref<!tpu.dma_semaphore, #tpu.memory_space<semaphore_mem>>
      %dma_start3A = arith.constant 0 : i32
      %dma_start3A_157 = tpu.memref_slice %arg5[%run_scoped3A_112, %dma_start3A] : memref<2x128xf32, #tpu.memory_space<vmem>> -> memref<1x128xf32, #tpu.memory_space<vmem>>
      %dma_start3A_158 = tpu.memref_squeeze %dma_start3A_157 : memref<1x128xf32, #tpu.memory_space<vmem>> -> memref<128xf32, #tpu.memory_space<vmem>>
      %dma_start3A_159 = tpu.memref_slice %arg6[%add3A_111] : memref<10240xf32, #tpu.memory_space<vmem_shared>> -> memref<128xf32, #tpu.memory_space<vmem_shared>>
      %dma_start3A_160 = tpu.memref_slice %arg6[%add3A_111] : memref<10240xf32, #tpu.memory_space<vmem_shared>> -> memref<128xf32, #tpu.memory_space<vmem_shared>>
      %dma_start3A_161 = arith.constant 0 : i32
      %dma_start3A_162 = tpu.memref_slice %arg5[%run_scoped3A_112, %dma_start3A_161] : memref<2x128xf32, #tpu.memory_space<vmem>> -> memref<1x128xf32, #tpu.memory_space<vmem>>
      %dma_start3A_163 = tpu.memref_squeeze %dma_start3A_162 : memref<1x128xf32, #tpu.memory_space<vmem>> -> memref<128xf32, #tpu.memory_space<vmem>>
      tpu.enqueue_dma source(%dma_start3A_163 : memref<128xf32, #tpu.memory_space<vmem>>) target(%dma_start3A_160 : memref<128xf32, #tpu.memory_space<vmem_shared>>) target_semaphore(%run_scoped3A_156 : memref<!tpu.dma_semaphore, #tpu.memory_space<semaphore_mem>>)
      %dma_wait3A = arith.constant 0 : i32
      %dma_wait3A_164 = tpu.memref_slice %arg5[%run_scoped3A_112, %dma_wait3A] : memref<2x128xf32, #tpu.memory_space<vmem>> -> memref<1x128xf32, #tpu.memory_space<vmem>>
      %dma_wait3A_165 = tpu.memref_squeeze %dma_wait3A_164 : memref<1x128xf32, #tpu.memory_space<vmem>> -> memref<128xf32, #tpu.memory_space<vmem>>
      %dma_wait3A_166 = tpu.memref_slice %arg6[%add3A_111] : memref<10240xf32, #tpu.memory_space<vmem_shared>> -> memref<128xf32, #tpu.memory_space<vmem_shared>>
      %dma_wait3A_167 = tpu.memref_slice %arg6[%add3A_111] : memref<10240xf32, #tpu.memory_space<vmem_shared>> -> memref<128xf32, #tpu.memory_space<vmem_shared>>
      %dma_wait3A_168 = arith.constant 0 : i32
      %dma_wait3A_169 = tpu.memref_slice %arg5[%run_scoped3A_112, %dma_wait3A_168] : memref<2x128xf32, #tpu.memory_space<vmem>> -> memref<1x128xf32, #tpu.memory_space<vmem>>
      %dma_wait3A_170 = tpu.memref_squeeze %dma_wait3A_169 : memref<1x128xf32, #tpu.memory_space<vmem>> -> memref<128xf32, #tpu.memory_space<vmem>>
      tpu.wait_dma2 semaphore(%run_scoped3A_156 : memref<!tpu.dma_semaphore, #tpu.memory_space<semaphore_mem>>) src(%dma_wait3A_170 : memref<128xf32, #tpu.memory_space<vmem>>) dst(%dma_wait3A_167 : memref<128xf32, #tpu.memory_space<vmem_shared>>)
      tpu.yield
    }) : () -> ()
    %mul3A_113 = arith.constant 640 : i32
    %mul3A_114 = arith.muli %arg1, %mul3A_113 : i32
    %add3A_115 = arith.constant 384 : i32
    %add3A_116 = arith.addi %mul3A_114, %add3A_115 : i32
    %run_scoped3A_117 = arith.constant 0 : i32
    "tpu.region"() ({
      %run_scoped3A_156 = tpu.sem_alloc : memref<!tpu.dma_semaphore, #tpu.memory_space<semaphore_mem>>
      %dma_start3A = arith.constant 0 : i32
      %dma_start3A_157 = tpu.memref_slice %arg5[%run_scoped3A_117, %dma_start3A] : memref<2x128xf32, #tpu.memory_space<vmem>> -> memref<1x128xf32, #tpu.memory_space<vmem>>
      %dma_start3A_158 = tpu.memref_squeeze %dma_start3A_157 : memref<1x128xf32, #tpu.memory_space<vmem>> -> memref<128xf32, #tpu.memory_space<vmem>>
      %dma_start3A_159 = tpu.memref_slice %arg6[%add3A_116] : memref<10240xf32, #tpu.memory_space<vmem_shared>> -> memref<128xf32, #tpu.memory_space<vmem_shared>>
      %dma_start3A_160 = tpu.memref_slice %arg6[%add3A_116] : memref<10240xf32, #tpu.memory_space<vmem_shared>> -> memref<128xf32, #tpu.memory_space<vmem_shared>>
      %dma_start3A_161 = arith.constant 0 : i32
      %dma_start3A_162 = tpu.memref_slice %arg5[%run_scoped3A_117, %dma_start3A_161] : memref<2x128xf32, #tpu.memory_space<vmem>> -> memref<1x128xf32, #tpu.memory_space<vmem>>
      %dma_start3A_163 = tpu.memref_squeeze %dma_start3A_162 : memref<1x128xf32, #tpu.memory_space<vmem>> -> memref<128xf32, #tpu.memory_space<vmem>>
      tpu.enqueue_dma source(%dma_start3A_163 : memref<128xf32, #tpu.memory_space<vmem>>) target(%dma_start3A_160 : memref<128xf32, #tpu.memory_space<vmem_shared>>) target_semaphore(%run_scoped3A_156 : memref<!tpu.dma_semaphore, #tpu.memory_space<semaphore_mem>>)
      %dma_wait3A = arith.constant 0 : i32
      %dma_wait3A_164 = tpu.memref_slice %arg5[%run_scoped3A_117, %dma_wait3A] : memref<2x128xf32, #tpu.memory_space<vmem>> -> memref<1x128xf32, #tpu.memory_space<vmem>>
      %dma_wait3A_165 = tpu.memref_squeeze %dma_wait3A_164 : memref<1x128xf32, #tpu.memory_space<vmem>> -> memref<128xf32, #tpu.memory_space<vmem>>
      %dma_wait3A_166 = tpu.memref_slice %arg6[%add3A_116] : memref<10240xf32, #tpu.memory_space<vmem_shared>> -> memref<128xf32, #tpu.memory_space<vmem_shared>>
      %dma_wait3A_167 = tpu.memref_slice %arg6[%add3A_116] : memref<10240xf32, #tpu.memory_space<vmem_shared>> -> memref<128xf32, #tpu.memory_space<vmem_shared>>
      %dma_wait3A_168 = arith.constant 0 : i32
      %dma_wait3A_169 = tpu.memref_slice %arg5[%run_scoped3A_117, %dma_wait3A_168] : memref<2x128xf32, #tpu.memory_space<vmem>> -> memref<1x128xf32, #tpu.memory_space<vmem>>
      %dma_wait3A_170 = tpu.memref_squeeze %dma_wait3A_169 : memref<1x128xf32, #tpu.memory_space<vmem>> -> memref<128xf32, #tpu.memory_space<vmem>>
      tpu.wait_dma2 semaphore(%run_scoped3A_156 : memref<!tpu.dma_semaphore, #tpu.memory_space<semaphore_mem>>) src(%dma_wait3A_170 : memref<128xf32, #tpu.memory_space<vmem>>) dst(%dma_wait3A_167 : memref<128xf32, #tpu.memory_space<vmem_shared>>)
      tpu.yield
    }) : () -> ()
    %mul3A_118 = arith.constant 640 : i32
    %mul3A_119 = arith.muli %arg1, %mul3A_118 : i32
    %add3A_120 = arith.constant 512 : i32
    %add3A_121 = arith.addi %mul3A_119, %add3A_120 : i32
    %run_scoped3A_122 = arith.constant 0 : i32
    "tpu.region"() ({
      %run_scoped3A_156 = tpu.sem_alloc : memref<!tpu.dma_semaphore, #tpu.memory_space<semaphore_mem>>
      %dma_start3A = arith.constant 0 : i32
      %dma_start3A_157 = tpu.memref_slice %arg5[%run_scoped3A_122, %dma_start3A] : memref<2x128xf32, #tpu.memory_space<vmem>> -> memref<1x128xf32, #tpu.memory_space<vmem>>
      %dma_start3A_158 = tpu.memref_squeeze %dma_start3A_157 : memref<1x128xf32, #tpu.memory_space<vmem>> -> memref<128xf32, #tpu.memory_space<vmem>>
      %dma_start3A_159 = tpu.memref_slice %arg6[%add3A_121] : memref<10240xf32, #tpu.memory_space<vmem_shared>> -> memref<128xf32, #tpu.memory_space<vmem_shared>>
      %dma_start3A_160 = tpu.memref_slice %arg6[%add3A_121] : memref<10240xf32, #tpu.memory_space<vmem_shared>> -> memref<128xf32, #tpu.memory_space<vmem_shared>>
      %dma_start3A_161 = arith.constant 0 : i32
      %dma_start3A_162 = tpu.memref_slice %arg5[%run_scoped3A_122, %dma_start3A_161] : memref<2x128xf32, #tpu.memory_space<vmem>> -> memref<1x128xf32, #tpu.memory_space<vmem>>
      %dma_start3A_163 = tpu.memref_squeeze %dma_start3A_162 : memref<1x128xf32, #tpu.memory_space<vmem>> -> memref<128xf32, #tpu.memory_space<vmem>>
      tpu.enqueue_dma source(%dma_start3A_163 : memref<128xf32, #tpu.memory_space<vmem>>) target(%dma_start3A_160 : memref<128xf32, #tpu.memory_space<vmem_shared>>) target_semaphore(%run_scoped3A_156 : memref<!tpu.dma_semaphore, #tpu.memory_space<semaphore_mem>>)
      %dma_wait3A = arith.constant 0 : i32
      %dma_wait3A_164 = tpu.memref_slice %arg5[%run_scoped3A_122, %dma_wait3A] : memref<2x128xf32, #tpu.memory_space<vmem>> -> memref<1x128xf32, #tpu.memory_space<vmem>>
      %dma_wait3A_165 = tpu.memref_squeeze %dma_wait3A_164 : memref<1x128xf32, #tpu.memory_space<vmem>> -> memref<128xf32, #tpu.memory_space<vmem>>
      %dma_wait3A_166 = tpu.memref_slice %arg6[%add3A_121] : memref<10240xf32, #tpu.memory_space<vmem_shared>> -> memref<128xf32, #tpu.memory_space<vmem_shared>>
      %dma_wait3A_167 = tpu.memref_slice %arg6[%add3A_121] : memref<10240xf32, #tpu.memory_space<vmem_shared>> -> memref<128xf32, #tpu.memory_space<vmem_shared>>
      %dma_wait3A_168 = arith.constant 0 : i32
      %dma_wait3A_169 = tpu.memref_slice %arg5[%run_scoped3A_122, %dma_wait3A_168] : memref<2x128xf32, #tpu.memory_space<vmem>> -> memref<1x128xf32, #tpu.memory_space<vmem>>
      %dma_wait3A_170 = tpu.memref_squeeze %dma_wait3A_169 : memref<1x128xf32, #tpu.memory_space<vmem>> -> memref<128xf32, #tpu.memory_space<vmem>>
      tpu.wait_dma2 semaphore(%run_scoped3A_156 : memref<!tpu.dma_semaphore, #tpu.memory_space<semaphore_mem>>) src(%dma_wait3A_170 : memref<128xf32, #tpu.memory_space<vmem>>) dst(%dma_wait3A_167 : memref<128xf32, #tpu.memory_space<vmem_shared>>)
      tpu.yield
    }) : () -> ()
    %barrier3A = arith.constant 0 : index
    tpu.barrier barrier_id(%barrier3A)
    %eq3A = arith.constant 31 : i32
    %eq3A_123 = arith.cmpi eq, %add3A, %eq3A : i32
    %jit3A = arith.constant 20 : i32
    %jit3A_124 = arith.constant 80 : i32
    %select_n3A = arith.select %eq3A_123, %jit3A, %jit3A_124 : i32
    %ne3A = arith.constant 31 : i32
    %ne3A_125 = arith.cmpi ne, %add3A, %ne3A : i32
    %convert_element_type3A = arith.extui %ne3A_125 : i1 to i32
    %cond3A = arith.constant 0 : i32
    %cond3A_126 = arith.cmpi ne, %convert_element_type3A, %cond3A : i32
    scf.if %cond3A_126 {
      %mul3A_156 = arith.constant 80 : i32
      %mul3A_157 = arith.muli %add3A, %mul3A_156 : i32
      "tpu.region"() ({
        %run_scoped3A_158 = tpu.sem_alloc : memref<!tpu.dma_semaphore, #tpu.memory_space<semaphore_mem>>
        %dma_start3A = arith.constant 0 : i32
        %dma_start3A_159 = arith.constant 0 : i32
        %dma_start3A_160 = tpu.memref_slice %arg2[%mul3A_157, %dma_start3A, %dma_start3A_159] : memref<2500x2x128xi32, #tpu.memory_space<hbm>> -> memref<80x2x128xi32, #tpu.memory_space<hbm>>
        %dma_start3A_161 = arith.constant 0 : i32
        %dma_start3A_162 = arith.constant 0 : i32
        %dma_start3A_163 = tpu.memref_slice %arg2[%mul3A_157, %dma_start3A_161, %dma_start3A_162] : memref<2500x2x128xi32, #tpu.memory_space<hbm>> -> memref<80x2x128xi32, #tpu.memory_space<hbm>>
        tpu.enqueue_dma source(%dma_start3A_163 : memref<80x2x128xi32, #tpu.memory_space<hbm>>) target(%arg4 : memref<80x2x128xi32, #tpu.memory_space<vmem>>) target_semaphore(%run_scoped3A_158 : memref<!tpu.dma_semaphore, #tpu.memory_space<semaphore_mem>>)
        %dma_wait3A = arith.constant 0 : i32
        %dma_wait3A_164 = arith.constant 0 : i32
        %dma_wait3A_165 = tpu.memref_slice %arg2[%mul3A_157, %dma_wait3A, %dma_wait3A_164] : memref<2500x2x128xi32, #tpu.memory_space<hbm>> -> memref<80x2x128xi32, #tpu.memory_space<hbm>>
        %dma_wait3A_166 = arith.constant 0 : i32
        %dma_wait3A_167 = arith.constant 0 : i32
        %dma_wait3A_168 = tpu.memref_slice %arg2[%mul3A_157, %dma_wait3A_166, %dma_wait3A_167] : memref<2500x2x128xi32, #tpu.memory_space<hbm>> -> memref<80x2x128xi32, #tpu.memory_space<hbm>>
        tpu.wait_dma2 semaphore(%run_scoped3A_158 : memref<!tpu.dma_semaphore, #tpu.memory_space<semaphore_mem>>) src(%dma_wait3A_168 : memref<80x2x128xi32, #tpu.memory_space<hbm>>) dst(%arg4 : memref<80x2x128xi32, #tpu.memory_space<vmem>>)
        tpu.yield
      }) : () -> ()
    } else {
    }
    %eq3A_127 = arith.constant 31 : i32
    %eq3A_128 = arith.cmpi eq, %add3A, %eq3A_127 : i32
    %convert_element_type3A_129 = arith.extui %eq3A_128 : i1 to i32
    %cond3A_130 = arith.constant 0 : i32
    %cond3A_131 = arith.cmpi ne, %convert_element_type3A_129, %cond3A_130 : i32
    scf.if %cond3A_131 {
      "tpu.region"() ({
        %run_scoped3A_156 = tpu.sem_alloc : memref<!tpu.dma_semaphore, #tpu.memory_space<semaphore_mem>>
        %dma_start3A = arith.constant 0 : i32
        %dma_start3A_157 = arith.constant 0 : i32
        %dma_start3A_158 = arith.constant 0 : i32
        %dma_start3A_159 = tpu.memref_slice %arg4[%dma_start3A, %dma_start3A_157, %dma_start3A_158] : memref<80x2x128xi32, #tpu.memory_space<vmem>> -> memref<20x2x128xi32, #tpu.memory_space<vmem>>
        %dma_start3A_160 = arith.constant 2480 : i32
        %dma_start3A_161 = arith.constant 0 : i32
        %dma_start3A_162 = arith.constant 0 : i32
        %dma_start3A_163 = tpu.memref_slice %arg2[%dma_start3A_160, %dma_start3A_161, %dma_start3A_162] : memref<2500x2x128xi32, #tpu.memory_space<hbm>> -> memref<20x2x128xi32, #tpu.memory_space<hbm>>
        %dma_start3A_164 = arith.constant 0 : i32
        %dma_start3A_165 = arith.constant 0 : i32
        %dma_start3A_166 = arith.constant 0 : i32
        %dma_start3A_167 = tpu.memref_slice %arg4[%dma_start3A_164, %dma_start3A_165, %dma_start3A_166] : memref<80x2x128xi32, #tpu.memory_space<vmem>> -> memref<20x2x128xi32, #tpu.memory_space<vmem>>
        %dma_start3A_168 = arith.constant 2480 : i32
        %dma_start3A_169 = arith.constant 0 : i32
        %dma_start3A_170 = arith.constant 0 : i32
        %dma_start3A_171 = tpu.memref_slice %arg2[%dma_start3A_168, %dma_start3A_169, %dma_start3A_170] : memref<2500x2x128xi32, #tpu.memory_space<hbm>> -> memref<20x2x128xi32, #tpu.memory_space<hbm>>
        tpu.enqueue_dma source(%dma_start3A_171 : memref<20x2x128xi32, #tpu.memory_space<hbm>>) target(%dma_start3A_167 : memref<20x2x128xi32, #tpu.memory_space<vmem>>) target_semaphore(%run_scoped3A_156 : memref<!tpu.dma_semaphore, #tpu.memory_space<semaphore_mem>>)
        %dma_wait3A = arith.constant 0 : i32
        %dma_wait3A_172 = arith.constant 0 : i32
        %dma_wait3A_173 = arith.constant 0 : i32
        %dma_wait3A_174 = tpu.memref_slice %arg4[%dma_wait3A, %dma_wait3A_172, %dma_wait3A_173] : memref<80x2x128xi32, #tpu.memory_space<vmem>> -> memref<20x2x128xi32, #tpu.memory_space<vmem>>
        %dma_wait3A_175 = arith.constant 2480 : i32
        %dma_wait3A_176 = arith.constant 0 : i32
        %dma_wait3A_177 = arith.constant 0 : i32
        %dma_wait3A_178 = tpu.memref_slice %arg2[%dma_wait3A_175, %dma_wait3A_176, %dma_wait3A_177] : memref<2500x2x128xi32, #tpu.memory_space<hbm>> -> memref<20x2x128xi32, #tpu.memory_space<hbm>>
        %dma_wait3A_179 = arith.constant 0 : i32
        %dma_wait3A_180 = arith.constant 0 : i32
        %dma_wait3A_181 = arith.constant 0 : i32
        %dma_wait3A_182 = tpu.memref_slice %arg4[%dma_wait3A_179, %dma_wait3A_180, %dma_wait3A_181] : memref<80x2x128xi32, #tpu.memory_space<vmem>> -> memref<20x2x128xi32, #tpu.memory_space<vmem>>
        %dma_wait3A_183 = arith.constant 2480 : i32
        %dma_wait3A_184 = arith.constant 0 : i32
        %dma_wait3A_185 = arith.constant 0 : i32
        %dma_wait3A_186 = tpu.memref_slice %arg2[%dma_wait3A_183, %dma_wait3A_184, %dma_wait3A_185] : memref<2500x2x128xi32, #tpu.memory_space<hbm>> -> memref<20x2x128xi32, #tpu.memory_space<hbm>>
        tpu.wait_dma2 semaphore(%run_scoped3A_156 : memref<!tpu.dma_semaphore, #tpu.memory_space<semaphore_mem>>) src(%dma_wait3A_186 : memref<20x2x128xi32, #tpu.memory_space<hbm>>) dst(%dma_wait3A_182 : memref<20x2x128xi32, #tpu.memory_space<vmem>>)
        tpu.yield
      }) : () -> ()
    } else {
    }
    %while3A = arith.constant 0 : i32
    %while3A_132 = arith.constant 0 : i32
    %while3A_133 = arith.subi %select_n3A, %while3A_132 : i32
    %while3A_134 = arith.addi %while3A_132, %while3A_133 : i32
    %while3A_135 = arith.constant 1 : i32
    %while3A_136 = arith.divsi %while3A_133, %while3A_135 : i32
    %while3A_137 = arith.muli %while3A_136, %while3A_135 : i32
    %while3A_138 = arith.addi %while3A_132, %while3A_137 : i32
    %while3A_139 = arith.constant 1 : i32
    scf.for %while3A_156 = %while3A_132 to %while3A_138 step %while3A_139  : i32 {
      %dma_start3A = arith.constant 1 : i32
      %dma_start3A_157 = arith.constant 1 : i32
      %dma_start3A_158 = arith.constant 0 : i32
      %dma_start3A_159 = tpu.memref_slice %arg5[%dma_start3A, %dma_start3A_158] : memref<2x128xf32, #tpu.memory_space<vmem>> -> memref<1x128xf32, #tpu.memory_space<vmem>>
      %dma_start3A_160 = tpu.memref_squeeze %dma_start3A_159 : memref<1x128xf32, #tpu.memory_space<vmem>> -> memref<128xf32, #tpu.memory_space<vmem>>
      %dma_start3A_161 = arith.constant 0 : i32
      %dma_start3A_162 = tpu.memref_slice %arg4[%while3A_156, %dma_start3A_157, %dma_start3A_161] : memref<80x2x128xi32, #tpu.memory_space<vmem>> -> memref<1x1x128xi32, #tpu.memory_space<vmem>>
      %dma_start3A_163 = tpu.memref_squeeze %dma_start3A_162 : memref<1x1x128xi32, #tpu.memory_space<vmem>> -> memref<128xi32, #tpu.memory_space<vmem>>
      %dma_start3A_164 = arith.constant 0 : i32
      %dma_start3A_165 = tpu.memref_slice %arg6[%dma_start3A_164] : memref<10240xf32, #tpu.memory_space<vmem_shared>> -> memref<10240xf32, #tpu.memory_space<vmem_shared>>
      tpu.enqueue_indirect_dma source(%dma_start3A_160 : memref<128xf32, #tpu.memory_space<vmem>>) target(%dma_start3A_165 : memref<10240xf32, #tpu.memory_space<vmem_shared>>) offsets(%dma_start3A_163 : memref<128xi32, #tpu.memory_space<vmem>>) semaphore(%arg7 : memref<!tpu.dma_semaphore, #tpu.memory_space<semaphore_mem>>) {add = true}
    }
    %while3A_140 = arith.constant 1 : i32
    scf.for %while3A_156 = %while3A_138 to %while3A_134 step %while3A_140  : i32 {
      %dma_start3A = arith.constant 1 : i32
      %dma_start3A_157 = arith.constant 1 : i32
      %dma_start3A_158 = arith.constant 0 : i32
      %dma_start3A_159 = tpu.memref_slice %arg5[%dma_start3A, %dma_start3A_158] : memref<2x128xf32, #tpu.memory_space<vmem>> -> memref<1x128xf32, #tpu.memory_space<vmem>>
      %dma_start3A_160 = tpu.memref_squeeze %dma_start3A_159 : memref<1x128xf32, #tpu.memory_space<vmem>> -> memref<128xf32, #tpu.memory_space<vmem>>
      %dma_start3A_161 = arith.constant 0 : i32
      %dma_start3A_162 = tpu.memref_slice %arg4[%while3A_156, %dma_start3A_157, %dma_start3A_161] : memref<80x2x128xi32, #tpu.memory_space<vmem>> -> memref<1x1x128xi32, #tpu.memory_space<vmem>>
      %dma_start3A_163 = tpu.memref_squeeze %dma_start3A_162 : memref<1x1x128xi32, #tpu.memory_space<vmem>> -> memref<128xi32, #tpu.memory_space<vmem>>
      %dma_start3A_164 = arith.constant 0 : i32
      %dma_start3A_165 = tpu.memref_slice %arg6[%dma_start3A_164] : memref<10240xf32, #tpu.memory_space<vmem_shared>> -> memref<10240xf32, #tpu.memory_space<vmem_shared>>
      tpu.enqueue_indirect_dma source(%dma_start3A_160 : memref<128xf32, #tpu.memory_space<vmem>>) target(%dma_start3A_165 : memref<10240xf32, #tpu.memory_space<vmem_shared>>) offsets(%dma_start3A_163 : memref<128xi32, #tpu.memory_space<vmem>>) semaphore(%arg7 : memref<!tpu.dma_semaphore, #tpu.memory_space<semaphore_mem>>) {add = true}
    }
    %while3A_141 = arith.constant 0 : i32
    %while3A_142 = arith.constant 0 : i32
    %while3A_143 = arith.subi %select_n3A, %while3A_142 : i32
    %while3A_144 = arith.addi %while3A_142, %while3A_143 : i32
    %while3A_145 = arith.constant 1 : i32
    %while3A_146 = arith.divsi %while3A_143, %while3A_145 : i32
    %while3A_147 = arith.muli %while3A_146, %while3A_145 : i32
    %while3A_148 = arith.addi %while3A_142, %while3A_147 : i32
    %while3A_149 = arith.constant 1 : i32
    scf.for %while3A_156 = %while3A_142 to %while3A_148 step %while3A_149  : i32 {
      %dma_wait3A = arith.constant 1 : i32
      %dma_wait3A_157 = arith.constant 1 : i32
      %dma_wait3A_158 = arith.constant 0 : i32
      %dma_wait3A_159 = tpu.memref_slice %arg5[%dma_wait3A, %dma_wait3A_158] : memref<2x128xf32, #tpu.memory_space<vmem>> -> memref<1x128xf32, #tpu.memory_space<vmem>>
      %dma_wait3A_160 = tpu.memref_squeeze %dma_wait3A_159 : memref<1x128xf32, #tpu.memory_space<vmem>> -> memref<128xf32, #tpu.memory_space<vmem>>
      %dma_wait3A_161 = arith.constant 0 : i32
      %dma_wait3A_162 = tpu.memref_slice %arg4[%while3A_156, %dma_wait3A_157, %dma_wait3A_161] : memref<80x2x128xi32, #tpu.memory_space<vmem>> -> memref<1x1x128xi32, #tpu.memory_space<vmem>>
      %dma_wait3A_163 = tpu.memref_squeeze %dma_wait3A_162 : memref<1x1x128xi32, #tpu.memory_space<vmem>> -> memref<128xi32, #tpu.memory_space<vmem>>
      %dma_wait3A_164 = arith.constant 0 : i32
      %dma_wait3A_165 = tpu.memref_slice %arg6[%dma_wait3A_164] : memref<10240xf32, #tpu.memory_space<vmem_shared>> -> memref<10240xf32, #tpu.memory_space<vmem_shared>>
      tpu.wait_indirect_dma semaphore(%arg7 : memref<!tpu.dma_semaphore, #tpu.memory_space<semaphore_mem>>) src(%dma_wait3A_160 : memref<128xf32, #tpu.memory_space<vmem>>) dst(%dma_wait3A_165 : memref<10240xf32, #tpu.memory_space<vmem_shared>>)
    }
    %while3A_150 = arith.constant 1 : i32
    scf.for %while3A_156 = %while3A_148 to %while3A_144 step %while3A_150  : i32 {
      %dma_wait3A = arith.constant 1 : i32
      %dma_wait3A_157 = arith.constant 1 : i32
      %dma_wait3A_158 = arith.constant 0 : i32
      %dma_wait3A_159 = tpu.memref_slice %arg5[%dma_wait3A, %dma_wait3A_158] : memref<2x128xf32, #tpu.memory_space<vmem>> -> memref<1x128xf32, #tpu.memory_space<vmem>>
      %dma_wait3A_160 = tpu.memref_squeeze %dma_wait3A_159 : memref<1x128xf32, #tpu.memory_space<vmem>> -> memref<128xf32, #tpu.memory_space<vmem>>
      %dma_wait3A_161 = arith.constant 0 : i32
      %dma_wait3A_162 = tpu.memref_slice %arg4[%while3A_156, %dma_wait3A_157, %dma_wait3A_161] : memref<80x2x128xi32, #tpu.memory_space<vmem>> -> memref<1x1x128xi32, #tpu.memory_space<vmem>>
      %dma_wait3A_163 = tpu.memref_squeeze %dma_wait3A_162 : memref<1x1x128xi32, #tpu.memory_space<vmem>> -> memref<128xi32, #tpu.memory_space<vmem>>
      %dma_wait3A_164 = arith.constant 0 : i32
      %dma_wait3A_165 = tpu.memref_slice %arg6[%dma_wait3A_164] : memref<10240xf32, #tpu.memory_space<vmem_shared>> -> memref<10240xf32, #tpu.memory_space<vmem_shared>>
      tpu.wait_indirect_dma semaphore(%arg7 : memref<!tpu.dma_semaphore, #tpu.memory_space<semaphore_mem>>) src(%dma_wait3A_160 : memref<128xf32, #tpu.memory_space<vmem>>) dst(%dma_wait3A_165 : memref<10240xf32, #tpu.memory_space<vmem_shared>>)
    }
    %barrier3A_151 = arith.constant 0 : index
    tpu.barrier barrier_id(%barrier3A_151)
    %mul3A_152 = arith.constant 640 : i32
    %mul3A_153 = arith.muli %arg1, %mul3A_152 : i32
    %mul3A_154 = arith.constant 640 : i32
    %mul3A_155 = arith.muli %arg1, %mul3A_154 : i32
    "tpu.region"() ({
      %run_scoped3A_156 = tpu.sem_alloc : memref<!tpu.dma_semaphore, #tpu.memory_space<semaphore_mem>>
      %dma_start3A = tpu.memref_slice %arg3[%arg0, %mul3A_155] : memref<2x10240xf32, #tpu.memory_space<hbm>> -> memref<1x640xf32, #tpu.memory_space<hbm>>
      %dma_start3A_157 = tpu.memref_squeeze %dma_start3A : memref<1x640xf32, #tpu.memory_space<hbm>> -> memref<640xf32, #tpu.memory_space<hbm>>
      %dma_start3A_158 = tpu.memref_slice %arg6[%mul3A_153] : memref<10240xf32, #tpu.memory_space<vmem_shared>> -> memref<640xf32, #tpu.memory_space<vmem_shared>>
      tpu.enqueue_dma source(%dma_start3A_158 : memref<640xf32, #tpu.memory_space<vmem_shared>>) target(%dma_start3A_157 : memref<640xf32, #tpu.memory_space<hbm>>) target_semaphore(%run_scoped3A_156 : memref<!tpu.dma_semaphore, #tpu.memory_space<semaphore_mem>>)
      %dma_wait3A = tpu.memref_slice %arg3[%arg0, %mul3A_155] : memref<2x10240xf32, #tpu.memory_space<hbm>> -> memref<1x640xf32, #tpu.memory_space<hbm>>
      %dma_wait3A_159 = tpu.memref_squeeze %dma_wait3A : memref<1x640xf32, #tpu.memory_space<hbm>> -> memref<640xf32, #tpu.memory_space<hbm>>
      %dma_wait3A_160 = tpu.memref_slice %arg6[%mul3A_153] : memref<10240xf32, #tpu.memory_space<vmem_shared>> -> memref<640xf32, #tpu.memory_space<vmem_shared>>
      tpu.wait_dma2 semaphore(%run_scoped3A_156 : memref<!tpu.dma_semaphore, #tpu.memory_space<semaphore_mem>>) src(%dma_wait3A_160 : memref<640xf32, #tpu.memory_space<vmem_shared>>) dst(%dma_wait3A_159 : memref<640xf32, #tpu.memory_space<hbm>>)
      tpu.yield
    }) : () -> ()
    return
  }
}

#map = affine_map<(d0, d1) -> (0, 0)>
#map1 = affine_map<(d0, d1) -> (0, 0, 0)>
module attributes {stable_mosaic.version = 14 : i64} {
  func.func @_agg_body(%arg0: i32, %arg1: i32, %arg2: memref<10240x128xf32, #tpu.memory_space<hbm>>, %arg3: memref<2500x2x128xi32, #tpu.memory_space<hbm>>, %arg4: memref<2x10240x128xf32, #tpu.memory_space<hbm>>, %arg5: memref<40x2x128xi32, #tpu.memory_space<vmem>>, %arg6: memref<128x128xf32, #tpu.memory_space<vmem>>, %arg7: memref<128x128xf32, #tpu.memory_space<vmem>>, %arg8: memref<10240x128xf32, #tpu.memory_space<vmem_shared>>, %arg9: memref<!tpu.dma_semaphore, #tpu.memory_space<semaphore_mem>>, %arg10: memref<!tpu.dma_semaphore, #tpu.memory_space<semaphore_mem>>) attributes {dimension_semantics = [#tpu.dimension_semantics<core_parallel>, #tpu.dimension_semantics<subcore_parallel>], iteration_bounds = array<i64: 2, 16>, scalar_prefetch = 0 : i64, scratch_operands = 6 : i64, tpu.core_type = #tpu.core_type<sc_vector_subcore>, window_params = [{transform_indices = #map}, {transform_indices = #map1}, {transform_indices = #map1}]} {
    %mul3A = arith.constant 16 : i32
    %mul3A_0 = arith.muli %arg0, %mul3A : i32
    %add3A = arith.addi %mul3A_0, %arg1 : i32
    %broadcast_in_dim3A = arith.constant 0.000000e+00 : f32
    %broadcast_in_dim3A_1 = vector.broadcast %broadcast_in_dim3A : f32 to vector<16xf32>
    %scan3A = arith.constant 0 : i32
    %scan3A_2 = arith.constant 0 : i32
    %scan3A_3 = arith.constant 128 : i32
    %scan3A_4 = arith.addi %scan3A_2, %scan3A_3 : i32
    %scan3A_5 = arith.constant 1 : i32
    scf.for %scan3A_122 = %scan3A_2 to %scan3A_4 step %scan3A_5  : i32 {
      %swap3A = arith.index_cast %scan3A_122 : i32 to index
      %swap3A_123 = arith.constant 0 : index
      %swap3A_124 = tpu.vector_load %arg6[%swap3A, %swap3A_123] {strides = array<i32>} : memref<128x128xf32, #tpu.memory_space<vmem>>, vector<1x16xf32>,
      %swap3A_125 = vector.shape_cast %swap3A_124 : vector<1x16xf32> to vector<16xf32>
      %swap3A_126 = vector.shape_cast %broadcast_in_dim3A_1 : vector<16xf32> to vector<1x16xf32>
      tpu.vector_store %arg6[%swap3A, %swap3A_123], %swap3A_126 {strides = array<i32>} : memref<128x128xf32, #tpu.memory_space<vmem>>, vector<1x16xf32>,
      %swap3A_127 = arith.index_cast %scan3A_122 : i32 to index
      %swap3A_128 = arith.constant 16 : index
      %swap3A_129 = tpu.vector_load %arg6[%swap3A_127, %swap3A_128] {strides = array<i32>} : memref<128x128xf32, #tpu.memory_space<vmem>>, vector<1x16xf32>,
      %swap3A_130 = vector.shape_cast %swap3A_129 : vector<1x16xf32> to vector<16xf32>
      %swap3A_131 = vector.shape_cast %broadcast_in_dim3A_1 : vector<16xf32> to vector<1x16xf32>
      tpu.vector_store %arg6[%swap3A_127, %swap3A_128], %swap3A_131 {strides = array<i32>} : memref<128x128xf32, #tpu.memory_space<vmem>>, vector<1x16xf32>,
      %swap3A_132 = arith.index_cast %scan3A_122 : i32 to index
      %swap3A_133 = arith.constant 32 : index
      %swap3A_134 = tpu.vector_load %arg6[%swap3A_132, %swap3A_133] {strides = array<i32>} : memref<128x128xf32, #tpu.memory_space<vmem>>, vector<1x16xf32>,
      %swap3A_135 = vector.shape_cast %swap3A_134 : vector<1x16xf32> to vector<16xf32>
      %swap3A_136 = vector.shape_cast %broadcast_in_dim3A_1 : vector<16xf32> to vector<1x16xf32>
      tpu.vector_store %arg6[%swap3A_132, %swap3A_133], %swap3A_136 {strides = array<i32>} : memref<128x128xf32, #tpu.memory_space<vmem>>, vector<1x16xf32>,
      %swap3A_137 = arith.index_cast %scan3A_122 : i32 to index
      %swap3A_138 = arith.constant 48 : index
      %swap3A_139 = tpu.vector_load %arg6[%swap3A_137, %swap3A_138] {strides = array<i32>} : memref<128x128xf32, #tpu.memory_space<vmem>>, vector<1x16xf32>,
      %swap3A_140 = vector.shape_cast %swap3A_139 : vector<1x16xf32> to vector<16xf32>
      %swap3A_141 = vector.shape_cast %broadcast_in_dim3A_1 : vector<16xf32> to vector<1x16xf32>
      tpu.vector_store %arg6[%swap3A_137, %swap3A_138], %swap3A_141 {strides = array<i32>} : memref<128x128xf32, #tpu.memory_space<vmem>>, vector<1x16xf32>,
      %swap3A_142 = arith.index_cast %scan3A_122 : i32 to index
      %swap3A_143 = arith.constant 64 : index
      %swap3A_144 = tpu.vector_load %arg6[%swap3A_142, %swap3A_143] {strides = array<i32>} : memref<128x128xf32, #tpu.memory_space<vmem>>, vector<1x16xf32>,
      %swap3A_145 = vector.shape_cast %swap3A_144 : vector<1x16xf32> to vector<16xf32>
      %swap3A_146 = vector.shape_cast %broadcast_in_dim3A_1 : vector<16xf32> to vector<1x16xf32>
      tpu.vector_store %arg6[%swap3A_142, %swap3A_143], %swap3A_146 {strides = array<i32>} : memref<128x128xf32, #tpu.memory_space<vmem>>, vector<1x16xf32>,
      %swap3A_147 = arith.index_cast %scan3A_122 : i32 to index
      %swap3A_148 = arith.constant 80 : index
      %swap3A_149 = tpu.vector_load %arg6[%swap3A_147, %swap3A_148] {strides = array<i32>} : memref<128x128xf32, #tpu.memory_space<vmem>>, vector<1x16xf32>,
      %swap3A_150 = vector.shape_cast %swap3A_149 : vector<1x16xf32> to vector<16xf32>
      %swap3A_151 = vector.shape_cast %broadcast_in_dim3A_1 : vector<16xf32> to vector<1x16xf32>
      tpu.vector_store %arg6[%swap3A_147, %swap3A_148], %swap3A_151 {strides = array<i32>} : memref<128x128xf32, #tpu.memory_space<vmem>>, vector<1x16xf32>,
      %swap3A_152 = arith.index_cast %scan3A_122 : i32 to index
      %swap3A_153 = arith.constant 96 : index
      %swap3A_154 = tpu.vector_load %arg6[%swap3A_152, %swap3A_153] {strides = array<i32>} : memref<128x128xf32, #tpu.memory_space<vmem>>, vector<1x16xf32>,
      %swap3A_155 = vector.shape_cast %swap3A_154 : vector<1x16xf32> to vector<16xf32>
      %swap3A_156 = vector.shape_cast %broadcast_in_dim3A_1 : vector<16xf32> to vector<1x16xf32>
      tpu.vector_store %arg6[%swap3A_152, %swap3A_153], %swap3A_156 {strides = array<i32>} : memref<128x128xf32, #tpu.memory_space<vmem>>, vector<1x16xf32>,
      %swap3A_157 = arith.index_cast %scan3A_122 : i32 to index
      %swap3A_158 = arith.constant 112 : index
      %swap3A_159 = tpu.vector_load %arg6[%swap3A_157, %swap3A_158] {strides = array<i32>} : memref<128x128xf32, #tpu.memory_space<vmem>>, vector<1x16xf32>,
      %swap3A_160 = vector.shape_cast %swap3A_159 : vector<1x16xf32> to vector<16xf32>
      %swap3A_161 = vector.shape_cast %broadcast_in_dim3A_1 : vector<16xf32> to vector<1x16xf32>
      tpu.vector_store %arg6[%swap3A_157, %swap3A_158], %swap3A_161 {strides = array<i32>} : memref<128x128xf32, #tpu.memory_space<vmem>>, vector<1x16xf32>,
    }
    %scan3A_6 = arith.constant 128 : i32
    %mul3A_7 = arith.constant 640 : i32
    %mul3A_8 = arith.muli %arg1, %mul3A_7 : i32
    %add3A_9 = arith.constant 0 : i32
    %add3A_10 = arith.addi %mul3A_8, %add3A_9 : i32
    "tpu.region"() ({
      %run_scoped3A = tpu.sem_alloc : memref<!tpu.dma_semaphore, #tpu.memory_space<semaphore_mem>>
      %dma_start3A = arith.constant 0 : i32
      %dma_start3A_122 = tpu.memref_slice %arg8[%add3A_10, %dma_start3A] : memref<10240x128xf32, #tpu.memory_space<vmem_shared>> -> memref<128x128xf32, #tpu.memory_space<vmem_shared>>
      %dma_start3A_123 = arith.constant 0 : i32
      %dma_start3A_124 = tpu.memref_slice %arg8[%add3A_10, %dma_start3A_123] : memref<10240x128xf32, #tpu.memory_space<vmem_shared>> -> memref<128x128xf32, #tpu.memory_space<vmem_shared>>
      tpu.enqueue_dma source(%arg6 : memref<128x128xf32, #tpu.memory_space<vmem>>) target(%dma_start3A_124 : memref<128x128xf32, #tpu.memory_space<vmem_shared>>) target_semaphore(%run_scoped3A : memref<!tpu.dma_semaphore, #tpu.memory_space<semaphore_mem>>)
      %dma_wait3A = arith.constant 0 : i32
      %dma_wait3A_125 = tpu.memref_slice %arg8[%add3A_10, %dma_wait3A] : memref<10240x128xf32, #tpu.memory_space<vmem_shared>> -> memref<128x128xf32, #tpu.memory_space<vmem_shared>>
      %dma_wait3A_126 = arith.constant 0 : i32
      %dma_wait3A_127 = tpu.memref_slice %arg8[%add3A_10, %dma_wait3A_126] : memref<10240x128xf32, #tpu.memory_space<vmem_shared>> -> memref<128x128xf32, #tpu.memory_space<vmem_shared>>
      tpu.wait_dma2 semaphore(%run_scoped3A : memref<!tpu.dma_semaphore, #tpu.memory_space<semaphore_mem>>) src(%arg6 : memref<128x128xf32, #tpu.memory_space<vmem>>) dst(%dma_wait3A_127 : memref<128x128xf32, #tpu.memory_space<vmem_shared>>)
      tpu.yield
    }) : () -> ()
    %mul3A_11 = arith.constant 640 : i32
    %mul3A_12 = arith.muli %arg1, %mul3A_11 : i32
    %add3A_13 = arith.constant 128 : i32
    %add3A_14 = arith.addi %mul3A_12, %add3A_13 : i32
    "tpu.region"() ({
      %run_scoped3A = tpu.sem_alloc : memref<!tpu.dma_semaphore, #tpu.memory_space<semaphore_mem>>
      %dma_start3A = arith.constant 0 : i32
      %dma_start3A_122 = tpu.memref_slice %arg8[%add3A_14, %dma_start3A] : memref<10240x128xf32, #tpu.memory_space<vmem_shared>> -> memref<128x128xf32, #tpu.memory_space<vmem_shared>>
      %dma_start3A_123 = arith.constant 0 : i32
      %dma_start3A_124 = tpu.memref_slice %arg8[%add3A_14, %dma_start3A_123] : memref<10240x128xf32, #tpu.memory_space<vmem_shared>> -> memref<128x128xf32, #tpu.memory_space<vmem_shared>>
      tpu.enqueue_dma source(%arg6 : memref<128x128xf32, #tpu.memory_space<vmem>>) target(%dma_start3A_124 : memref<128x128xf32, #tpu.memory_space<vmem_shared>>) target_semaphore(%run_scoped3A : memref<!tpu.dma_semaphore, #tpu.memory_space<semaphore_mem>>)
      %dma_wait3A = arith.constant 0 : i32
      %dma_wait3A_125 = tpu.memref_slice %arg8[%add3A_14, %dma_wait3A] : memref<10240x128xf32, #tpu.memory_space<vmem_shared>> -> memref<128x128xf32, #tpu.memory_space<vmem_shared>>
      %dma_wait3A_126 = arith.constant 0 : i32
      %dma_wait3A_127 = tpu.memref_slice %arg8[%add3A_14, %dma_wait3A_126] : memref<10240x128xf32, #tpu.memory_space<vmem_shared>> -> memref<128x128xf32, #tpu.memory_space<vmem_shared>>
      tpu.wait_dma2 semaphore(%run_scoped3A : memref<!tpu.dma_semaphore, #tpu.memory_space<semaphore_mem>>) src(%arg6 : memref<128x128xf32, #tpu.memory_space<vmem>>) dst(%dma_wait3A_127 : memref<128x128xf32, #tpu.memory_space<vmem_shared>>)
      tpu.yield
    }) : () -> ()
    %mul3A_15 = arith.constant 640 : i32
    %mul3A_16 = arith.muli %arg1, %mul3A_15 : i32
    %add3A_17 = arith.constant 256 : i32
    %add3A_18 = arith.addi %mul3A_16, %add3A_17 : i32
    "tpu.region"() ({
      %run_scoped3A = tpu.sem_alloc : memref<!tpu.dma_semaphore, #tpu.memory_space<semaphore_mem>>
      %dma_start3A = arith.constant 0 : i32
      %dma_start3A_122 = tpu.memref_slice %arg8[%add3A_18, %dma_start3A] : memref<10240x128xf32, #tpu.memory_space<vmem_shared>> -> memref<128x128xf32, #tpu.memory_space<vmem_shared>>
      %dma_start3A_123 = arith.constant 0 : i32
      %dma_start3A_124 = tpu.memref_slice %arg8[%add3A_18, %dma_start3A_123] : memref<10240x128xf32, #tpu.memory_space<vmem_shared>> -> memref<128x128xf32, #tpu.memory_space<vmem_shared>>
      tpu.enqueue_dma source(%arg6 : memref<128x128xf32, #tpu.memory_space<vmem>>) target(%dma_start3A_124 : memref<128x128xf32, #tpu.memory_space<vmem_shared>>) target_semaphore(%run_scoped3A : memref<!tpu.dma_semaphore, #tpu.memory_space<semaphore_mem>>)
      %dma_wait3A = arith.constant 0 : i32
      %dma_wait3A_125 = tpu.memref_slice %arg8[%add3A_18, %dma_wait3A] : memref<10240x128xf32, #tpu.memory_space<vmem_shared>> -> memref<128x128xf32, #tpu.memory_space<vmem_shared>>
      %dma_wait3A_126 = arith.constant 0 : i32
      %dma_wait3A_127 = tpu.memref_slice %arg8[%add3A_18, %dma_wait3A_126] : memref<10240x128xf32, #tpu.memory_space<vmem_shared>> -> memref<128x128xf32, #tpu.memory_space<vmem_shared>>
      tpu.wait_dma2 semaphore(%run_scoped3A : memref<!tpu.dma_semaphore, #tpu.memory_space<semaphore_mem>>) src(%arg6 : memref<128x128xf32, #tpu.memory_space<vmem>>) dst(%dma_wait3A_127 : memref<128x128xf32, #tpu.memory_space<vmem_shared>>)
      tpu.yield
    }) : () -> ()
    %mul3A_19 = arith.constant 640 : i32
    %mul3A_20 = arith.muli %arg1, %mul3A_19 : i32
    %add3A_21 = arith.constant 384 : i32
    %add3A_22 = arith.addi %mul3A_20, %add3A_21 : i32
    "tpu.region"() ({
      %run_scoped3A = tpu.sem_alloc : memref<!tpu.dma_semaphore, #tpu.memory_space<semaphore_mem>>
      %dma_start3A = arith.constant 0 : i32
      %dma_start3A_122 = tpu.memref_slice %arg8[%add3A_22, %dma_start3A] : memref<10240x128xf32, #tpu.memory_space<vmem_shared>> -> memref<128x128xf32, #tpu.memory_space<vmem_shared>>
      %dma_start3A_123 = arith.constant 0 : i32
      %dma_start3A_124 = tpu.memref_slice %arg8[%add3A_22, %dma_start3A_123] : memref<10240x128xf32, #tpu.memory_space<vmem_shared>> -> memref<128x128xf32, #tpu.memory_space<vmem_shared>>
      tpu.enqueue_dma source(%arg6 : memref<128x128xf32, #tpu.memory_space<vmem>>) target(%dma_start3A_124 : memref<128x128xf32, #tpu.memory_space<vmem_shared>>) target_semaphore(%run_scoped3A : memref<!tpu.dma_semaphore, #tpu.memory_space<semaphore_mem>>)
      %dma_wait3A = arith.constant 0 : i32
      %dma_wait3A_125 = tpu.memref_slice %arg8[%add3A_22, %dma_wait3A] : memref<10240x128xf32, #tpu.memory_space<vmem_shared>> -> memref<128x128xf32, #tpu.memory_space<vmem_shared>>
      %dma_wait3A_126 = arith.constant 0 : i32
      %dma_wait3A_127 = tpu.memref_slice %arg8[%add3A_22, %dma_wait3A_126] : memref<10240x128xf32, #tpu.memory_space<vmem_shared>> -> memref<128x128xf32, #tpu.memory_space<vmem_shared>>
      tpu.wait_dma2 semaphore(%run_scoped3A : memref<!tpu.dma_semaphore, #tpu.memory_space<semaphore_mem>>) src(%arg6 : memref<128x128xf32, #tpu.memory_space<vmem>>) dst(%dma_wait3A_127 : memref<128x128xf32, #tpu.memory_space<vmem_shared>>)
      tpu.yield
    }) : () -> ()
    %mul3A_23 = arith.constant 640 : i32
    %mul3A_24 = arith.muli %arg1, %mul3A_23 : i32
    %add3A_25 = arith.constant 512 : i32
    %add3A_26 = arith.addi %mul3A_24, %add3A_25 : i32
    "tpu.region"() ({
      %run_scoped3A = tpu.sem_alloc : memref<!tpu.dma_semaphore, #tpu.memory_space<semaphore_mem>>
      %dma_start3A = arith.constant 0 : i32
      %dma_start3A_122 = tpu.memref_slice %arg8[%add3A_26, %dma_start3A] : memref<10240x128xf32, #tpu.memory_space<vmem_shared>> -> memref<128x128xf32, #tpu.memory_space<vmem_shared>>
      %dma_start3A_123 = arith.constant 0 : i32
      %dma_start3A_124 = tpu.memref_slice %arg8[%add3A_26, %dma_start3A_123] : memref<10240x128xf32, #tpu.memory_space<vmem_shared>> -> memref<128x128xf32, #tpu.memory_space<vmem_shared>>
      tpu.enqueue_dma source(%arg6 : memref<128x128xf32, #tpu.memory_space<vmem>>) target(%dma_start3A_124 : memref<128x128xf32, #tpu.memory_space<vmem_shared>>) target_semaphore(%run_scoped3A : memref<!tpu.dma_semaphore, #tpu.memory_space<semaphore_mem>>)
      %dma_wait3A = arith.constant 0 : i32
      %dma_wait3A_125 = tpu.memref_slice %arg8[%add3A_26, %dma_wait3A] : memref<10240x128xf32, #tpu.memory_space<vmem_shared>> -> memref<128x128xf32, #tpu.memory_space<vmem_shared>>
      %dma_wait3A_126 = arith.constant 0 : i32
      %dma_wait3A_127 = tpu.memref_slice %arg8[%add3A_26, %dma_wait3A_126] : memref<10240x128xf32, #tpu.memory_space<vmem_shared>> -> memref<128x128xf32, #tpu.memory_space<vmem_shared>>
      tpu.wait_dma2 semaphore(%run_scoped3A : memref<!tpu.dma_semaphore, #tpu.memory_space<semaphore_mem>>) src(%arg6 : memref<128x128xf32, #tpu.memory_space<vmem>>) dst(%dma_wait3A_127 : memref<128x128xf32, #tpu.memory_space<vmem_shared>>)
      tpu.yield
    }) : () -> ()
    %barrier3A = arith.constant 0 : index
    tpu.barrier barrier_id(%barrier3A)
    %eq3A = arith.constant 31 : i32
    %eq3A_27 = arith.cmpi eq, %add3A, %eq3A : i32
    %jit3A = arith.constant 20 : i32
    %jit3A_28 = arith.constant 40 : i32
    %select_n3A = arith.select %eq3A_27, %jit3A, %jit3A_28 : i32
    %ne3A = arith.constant 31 : i32
    %ne3A_29 = arith.cmpi ne, %add3A, %ne3A : i32
    %convert_element_type3A = arith.extui %ne3A_29 : i1 to i32
    %cond3A = arith.constant 0 : i32
    %cond3A_30 = arith.cmpi ne, %convert_element_type3A, %cond3A : i32
    scf.if %cond3A_30 {
      %mul3A_122 = arith.constant 80 : i32
      %mul3A_123 = arith.muli %add3A, %mul3A_122 : i32
      %add3A_124 = arith.constant 0 : i32
      %add3A_125 = arith.addi %mul3A_123, %add3A_124 : i32
      "tpu.region"() ({
        %run_scoped3A = tpu.sem_alloc : memref<!tpu.dma_semaphore, #tpu.memory_space<semaphore_mem>>
        %dma_start3A = arith.constant 0 : i32
        %dma_start3A_126 = arith.constant 0 : i32
        %dma_start3A_127 = tpu.memref_slice %arg3[%add3A_125, %dma_start3A, %dma_start3A_126] : memref<2500x2x128xi32, #tpu.memory_space<hbm>> -> memref<40x2x128xi32, #tpu.memory_space<hbm>>
        %dma_start3A_128 = arith.constant 0 : i32
        %dma_start3A_129 = arith.constant 0 : i32
        %dma_start3A_130 = tpu.memref_slice %arg3[%add3A_125, %dma_start3A_128, %dma_start3A_129] : memref<2500x2x128xi32, #tpu.memory_space<hbm>> -> memref<40x2x128xi32, #tpu.memory_space<hbm>>
        tpu.enqueue_dma source(%dma_start3A_130 : memref<40x2x128xi32, #tpu.memory_space<hbm>>) target(%arg5 : memref<40x2x128xi32, #tpu.memory_space<vmem>>) target_semaphore(%run_scoped3A : memref<!tpu.dma_semaphore, #tpu.memory_space<semaphore_mem>>)
        %dma_wait3A = arith.constant 0 : i32
        %dma_wait3A_131 = arith.constant 0 : i32
        %dma_wait3A_132 = tpu.memref_slice %arg3[%add3A_125, %dma_wait3A, %dma_wait3A_131] : memref<2500x2x128xi32, #tpu.memory_space<hbm>> -> memref<40x2x128xi32, #tpu.memory_space<hbm>>
        %dma_wait3A_133 = arith.constant 0 : i32
        %dma_wait3A_134 = arith.constant 0 : i32
        %dma_wait3A_135 = tpu.memref_slice %arg3[%add3A_125, %dma_wait3A_133, %dma_wait3A_134] : memref<2500x2x128xi32, #tpu.memory_space<hbm>> -> memref<40x2x128xi32, #tpu.memory_space<hbm>>
        tpu.wait_dma2 semaphore(%run_scoped3A : memref<!tpu.dma_semaphore, #tpu.memory_space<semaphore_mem>>) src(%dma_wait3A_135 : memref<40x2x128xi32, #tpu.memory_space<hbm>>) dst(%arg5 : memref<40x2x128xi32, #tpu.memory_space<vmem>>)
        tpu.yield
      }) : () -> ()
    } else {
    }
    %eq3A_31 = arith.constant 31 : i32
    %eq3A_32 = arith.cmpi eq, %add3A, %eq3A_31 : i32
    %convert_element_type3A_33 = arith.extui %eq3A_32 : i1 to i32
    %cond3A_34 = arith.constant 0 : i32
    %cond3A_35 = arith.cmpi ne, %convert_element_type3A_33, %cond3A_34 : i32
    scf.if %cond3A_35 {
      "tpu.region"() ({
        %run_scoped3A = tpu.sem_alloc : memref<!tpu.dma_semaphore, #tpu.memory_space<semaphore_mem>>
        %dma_start3A = arith.constant 0 : i32
        %dma_start3A_122 = arith.constant 0 : i32
        %dma_start3A_123 = arith.constant 0 : i32
        %dma_start3A_124 = tpu.memref_slice %arg5[%dma_start3A, %dma_start3A_122, %dma_start3A_123] : memref<40x2x128xi32, #tpu.memory_space<vmem>> -> memref<20x2x128xi32, #tpu.memory_space<vmem>>
        %dma_start3A_125 = arith.constant 2480 : i32
        %dma_start3A_126 = arith.constant 0 : i32
        %dma_start3A_127 = arith.constant 0 : i32
        %dma_start3A_128 = tpu.memref_slice %arg3[%dma_start3A_125, %dma_start3A_126, %dma_start3A_127] : memref<2500x2x128xi32, #tpu.memory_space<hbm>> -> memref<20x2x128xi32, #tpu.memory_space<hbm>>
        %dma_start3A_129 = arith.constant 0 : i32
        %dma_start3A_130 = arith.constant 0 : i32
        %dma_start3A_131 = arith.constant 0 : i32
        %dma_start3A_132 = tpu.memref_slice %arg5[%dma_start3A_129, %dma_start3A_130, %dma_start3A_131] : memref<40x2x128xi32, #tpu.memory_space<vmem>> -> memref<20x2x128xi32, #tpu.memory_space<vmem>>
        %dma_start3A_133 = arith.constant 2480 : i32
        %dma_start3A_134 = arith.constant 0 : i32
        %dma_start3A_135 = arith.constant 0 : i32
        %dma_start3A_136 = tpu.memref_slice %arg3[%dma_start3A_133, %dma_start3A_134, %dma_start3A_135] : memref<2500x2x128xi32, #tpu.memory_space<hbm>> -> memref<20x2x128xi32, #tpu.memory_space<hbm>>
        tpu.enqueue_dma source(%dma_start3A_136 : memref<20x2x128xi32, #tpu.memory_space<hbm>>) target(%dma_start3A_132 : memref<20x2x128xi32, #tpu.memory_space<vmem>>) target_semaphore(%run_scoped3A : memref<!tpu.dma_semaphore, #tpu.memory_space<semaphore_mem>>)
        %dma_wait3A = arith.constant 0 : i32
        %dma_wait3A_137 = arith.constant 0 : i32
        %dma_wait3A_138 = arith.constant 0 : i32
        %dma_wait3A_139 = tpu.memref_slice %arg5[%dma_wait3A, %dma_wait3A_137, %dma_wait3A_138] : memref<40x2x128xi32, #tpu.memory_space<vmem>> -> memref<20x2x128xi32, #tpu.memory_space<vmem>>
        %dma_wait3A_140 = arith.constant 2480 : i32
        %dma_wait3A_141 = arith.constant 0 : i32
        %dma_wait3A_142 = arith.constant 0 : i32
        %dma_wait3A_143 = tpu.memref_slice %arg3[%dma_wait3A_140, %dma_wait3A_141, %dma_wait3A_142] : memref<2500x2x128xi32, #tpu.memory_space<hbm>> -> memref<20x2x128xi32, #tpu.memory_space<hbm>>
        %dma_wait3A_144 = arith.constant 0 : i32
        %dma_wait3A_145 = arith.constant 0 : i32
        %dma_wait3A_146 = arith.constant 0 : i32
        %dma_wait3A_147 = tpu.memref_slice %arg5[%dma_wait3A_144, %dma_wait3A_145, %dma_wait3A_146] : memref<40x2x128xi32, #tpu.memory_space<vmem>> -> memref<20x2x128xi32, #tpu.memory_space<vmem>>
        %dma_wait3A_148 = arith.constant 2480 : i32
        %dma_wait3A_149 = arith.constant 0 : i32
        %dma_wait3A_150 = arith.constant 0 : i32
        %dma_wait3A_151 = tpu.memref_slice %arg3[%dma_wait3A_148, %dma_wait3A_149, %dma_wait3A_150] : memref<2500x2x128xi32, #tpu.memory_space<hbm>> -> memref<20x2x128xi32, #tpu.memory_space<hbm>>
        tpu.wait_dma2 semaphore(%run_scoped3A : memref<!tpu.dma_semaphore, #tpu.memory_space<semaphore_mem>>) src(%dma_wait3A_151 : memref<20x2x128xi32, #tpu.memory_space<hbm>>) dst(%dma_wait3A_147 : memref<20x2x128xi32, #tpu.memory_space<vmem>>)
        tpu.yield
      }) : () -> ()
    } else {
    }
    %gt3A = arith.constant 0 : i32
    %gt3A_36 = arith.cmpi sgt, %select_n3A, %gt3A : i32
    %convert_element_type3A_37 = arith.extui %gt3A_36 : i1 to i32
    %cond3A_38 = arith.constant 0 : i32
    %cond3A_39 = arith.cmpi ne, %convert_element_type3A_37, %cond3A_38 : i32
    scf.if %cond3A_39 {
      %dma_start3A = arith.constant 0 : i32
      %dma_start3A_122 = arith.constant 0 : i32
      %dma_start3A_123 = arith.constant 0 : i32
      %dma_start3A_124 = tpu.memref_slice %arg5[%dma_start3A, %dma_start3A_122, %dma_start3A_123] : memref<40x2x128xi32, #tpu.memory_space<vmem>> -> memref<1x1x128xi32, #tpu.memory_space<vmem>>
      %dma_start3A_125 = tpu.memref_squeeze %dma_start3A_124 : memref<1x1x128xi32, #tpu.memory_space<vmem>> -> memref<128xi32, #tpu.memory_space<vmem>>
      %dma_start3A_126 = arith.constant 0 : i32
      %dma_start3A_127 = arith.constant 0 : i32
      %dma_start3A_128 = tpu.memref_slice %arg2[%dma_start3A_126, %dma_start3A_127] : memref<10240x128xf32, #tpu.memory_space<hbm>> -> memref<10240x128xf32, #tpu.memory_space<hbm>>
      tpu.enqueue_indirect_dma source(%dma_start3A_128 : memref<10240x128xf32, #tpu.memory_space<hbm>>) target(%arg6 : memref<128x128xf32, #tpu.memory_space<vmem>>) offsets(%dma_start3A_125 : memref<128xi32, #tpu.memory_space<vmem>>) semaphore(%arg9 : memref<!tpu.dma_semaphore, #tpu.memory_space<semaphore_mem>>)
      %dma_start3A_129 = arith.constant 1 : i32
      %dma_start3A_130 = arith.constant 0 : i32
      %dma_start3A_131 = arith.constant 0 : i32
      %dma_start3A_132 = tpu.memref_slice %arg5[%dma_start3A_129, %dma_start3A_130, %dma_start3A_131] : memref<40x2x128xi32, #tpu.memory_space<vmem>> -> memref<1x1x128xi32, #tpu.memory_space<vmem>>
      %dma_start3A_133 = tpu.memref_squeeze %dma_start3A_132 : memref<1x1x128xi32, #tpu.memory_space<vmem>> -> memref<128xi32, #tpu.memory_space<vmem>>
      %dma_start3A_134 = arith.constant 0 : i32
      %dma_start3A_135 = arith.constant 0 : i32
      %dma_start3A_136 = tpu.memref_slice %arg2[%dma_start3A_134, %dma_start3A_135] : memref<10240x128xf32, #tpu.memory_space<hbm>> -> memref<10240x128xf32, #tpu.memory_space<hbm>>
      tpu.enqueue_indirect_dma source(%dma_start3A_136 : memref<10240x128xf32, #tpu.memory_space<hbm>>) target(%arg7 : memref<128x128xf32, #tpu.memory_space<vmem>>) offsets(%dma_start3A_133 : memref<128xi32, #tpu.memory_space<vmem>>) semaphore(%arg10 : memref<!tpu.dma_semaphore, #tpu.memory_space<semaphore_mem>>)
    } else {
    }
    %jit3A_40 = arith.constant 2 : i32
    %div3A = arith.divsi %select_n3A, %jit3A_40 : i32
    %sign3A = arith.constant 0 : i32
    %sign3A_41 = arith.cmpi sgt, %select_n3A, %sign3A : i32
    %sign3A_42 = arith.extui %sign3A_41 : i1 to i32
    %sign3A_43 = arith.constant 0 : i32
    %sign3A_44 = arith.cmpi slt, %select_n3A, %sign3A_43 : i32
    %sign3A_45 = arith.extui %sign3A_44 : i1 to i32
    %sign3A_46 = arith.subi %sign3A_42, %sign3A_45 : i32
    %sign3A_47 = arith.constant 0 : i32
    %sign3A_48 = arith.cmpi sgt, %jit3A_40, %sign3A_47 : i32
    %sign3A_49 = arith.extui %sign3A_48 : i1 to i32
    %sign3A_50 = arith.constant 0 : i32
    %sign3A_51 = arith.cmpi slt, %jit3A_40, %sign3A_50 : i32
    %sign3A_52 = arith.extui %sign3A_51 : i1 to i32
    %sign3A_53 = arith.subi %sign3A_49, %sign3A_52 : i32
    %ne3A_54 = arith.cmpi ne, %sign3A_46, %sign3A_53 : i32
    %rem3A = arith.remsi %select_n3A, %jit3A_40 : i32
    %ne3A_55 = arith.constant 0 : i32
    %ne3A_56 = arith.cmpi ne, %rem3A, %ne3A_55 : i32
    %and3A = arith.andi %ne3A_54, %ne3A_56 : i1
    %sub3A = arith.constant 1 : i32
    %sub3A_57 = arith.subi %div3A, %sub3A : i32
    %select_n3A_58 = arith.select %and3A, %sub3A_57, %div3A : i32
    %while3A = arith.constant 0 : i32
    %while3A_59 = arith.constant 0 : i32
    %while3A_60 = arith.subi %select_n3A_58, %while3A_59 : i32
    %while3A_61 = arith.addi %while3A_59, %while3A_60 : i32
    %while3A_62 = arith.constant 1 : i32
    %while3A_63 = arith.divsi %while3A_60, %while3A_62 : i32
    %while3A_64 = arith.muli %while3A_63, %while3A_62 : i32
    %while3A_65 = arith.addi %while3A_59, %while3A_64 : i32
    %while3A_66 = arith.constant 1 : i32
    scf.for %while3A_122 = %while3A_59 to %while3A_65 step %while3A_66  : i32 {
      %mul3A_123 = arith.constant 2 : i32
      %mul3A_124 = arith.muli %while3A_122, %mul3A_123 : i32
      %dma_wait3A = arith.constant 0 : i32
      %dma_wait3A_125 = arith.constant 0 : i32
      %dma_wait3A_126 = tpu.memref_slice %arg5[%mul3A_124, %dma_wait3A, %dma_wait3A_125] : memref<40x2x128xi32, #tpu.memory_space<vmem>> -> memref<1x1x128xi32, #tpu.memory_space<vmem>>
      %dma_wait3A_127 = tpu.memref_squeeze %dma_wait3A_126 : memref<1x1x128xi32, #tpu.memory_space<vmem>> -> memref<128xi32, #tpu.memory_space<vmem>>
      %dma_wait3A_128 = arith.constant 0 : i32
      %dma_wait3A_129 = arith.constant 0 : i32
      %dma_wait3A_130 = tpu.memref_slice %arg2[%dma_wait3A_128, %dma_wait3A_129] : memref<10240x128xf32, #tpu.memory_space<hbm>> -> memref<10240x128xf32, #tpu.memory_space<hbm>>
      tpu.wait_indirect_dma semaphore(%arg9 : memref<!tpu.dma_semaphore, #tpu.memory_space<semaphore_mem>>) src(%dma_wait3A_130 : memref<10240x128xf32, #tpu.memory_space<hbm>>) dst(%arg6 : memref<128x128xf32, #tpu.memory_space<vmem>>)
      %run_scoped3A = arith.constant 1 : i32
      "tpu.region"() ({
        %run_scoped3A_154 = tpu.sem_alloc : memref<!tpu.dma_semaphore, #tpu.memory_space<semaphore_mem>>
        %dma_start3A = arith.constant 0 : i32
        %dma_start3A_155 = tpu.memref_slice %arg5[%mul3A_124, %run_scoped3A, %dma_start3A] : memref<40x2x128xi32, #tpu.memory_space<vmem>> -> memref<1x1x128xi32, #tpu.memory_space<vmem>>
        %dma_start3A_156 = tpu.memref_squeeze %dma_start3A_155 : memref<1x1x128xi32, #tpu.memory_space<vmem>> -> memref<128xi32, #tpu.memory_space<vmem>>
        %dma_start3A_157 = arith.constant 0 : i32
        %dma_start3A_158 = arith.constant 0 : i32
        %dma_start3A_159 = tpu.memref_slice %arg8[%dma_start3A_157, %dma_start3A_158] : memref<10240x128xf32, #tpu.memory_space<vmem_shared>> -> memref<10240x128xf32, #tpu.memory_space<vmem_shared>>
        tpu.enqueue_indirect_dma source(%arg6 : memref<128x128xf32, #tpu.memory_space<vmem>>) target(%dma_start3A_159 : memref<10240x128xf32, #tpu.memory_space<vmem_shared>>) offsets(%dma_start3A_156 : memref<128xi32, #tpu.memory_space<vmem>>) semaphore(%run_scoped3A_154 : memref<!tpu.dma_semaphore, #tpu.memory_space<semaphore_mem>>) {add = true}
        %dma_wait3A_160 = arith.constant 0 : i32
        %dma_wait3A_161 = tpu.memref_slice %arg5[%mul3A_124, %run_scoped3A, %dma_wait3A_160] : memref<40x2x128xi32, #tpu.memory_space<vmem>> -> memref<1x1x128xi32, #tpu.memory_space<vmem>>
        %dma_wait3A_162 = tpu.memref_squeeze %dma_wait3A_161 : memref<1x1x128xi32, #tpu.memory_space<vmem>> -> memref<128xi32, #tpu.memory_space<vmem>>
        %dma_wait3A_163 = arith.constant 0 : i32
        %dma_wait3A_164 = arith.constant 0 : i32
        %dma_wait3A_165 = tpu.memref_slice %arg8[%dma_wait3A_163, %dma_wait3A_164] : memref<10240x128xf32, #tpu.memory_space<vmem_shared>> -> memref<10240x128xf32, #tpu.memory_space<vmem_shared>>
        tpu.wait_indirect_dma semaphore(%run_scoped3A_154 : memref<!tpu.dma_semaphore, #tpu.memory_space<semaphore_mem>>) src(%arg6 : memref<128x128xf32, #tpu.memory_space<vmem>>) dst(%dma_wait3A_165 : memref<10240x128xf32, #tpu.memory_space<vmem_shared>>)
        tpu.yield
      }) : () -> ()
      %add3A_131 = arith.constant 2 : i32
      %add3A_132 = arith.addi %mul3A_124, %add3A_131 : i32
      %lt3A = arith.cmpi slt, %add3A_132, %select_n3A : i32
      %convert_element_type3A_133 = arith.extui %lt3A : i1 to i32
      %cond3A_134 = arith.constant 0 : i32
      %cond3A_135 = arith.cmpi ne, %convert_element_type3A_133, %cond3A_134 : i32
      scf.if %cond3A_135 {
        %add3A_154 = arith.constant 2 : i32
        %add3A_155 = arith.addi %mul3A_124, %add3A_154 : i32
        %dma_start3A = arith.constant 0 : i32
        %dma_start3A_156 = arith.constant 0 : i32
        %dma_start3A_157 = tpu.memref_slice %arg5[%add3A_155, %dma_start3A, %dma_start3A_156] : memref<40x2x128xi32, #tpu.memory_space<vmem>> -> memref<1x1x128xi32, #tpu.memory_space<vmem>>
        %dma_start3A_158 = tpu.memref_squeeze %dma_start3A_157 : memref<1x1x128xi32, #tpu.memory_space<vmem>> -> memref<128xi32, #tpu.memory_space<vmem>>
        %dma_start3A_159 = arith.constant 0 : i32
        %dma_start3A_160 = arith.constant 0 : i32
        %dma_start3A_161 = tpu.memref_slice %arg2[%dma_start3A_159, %dma_start3A_160] : memref<10240x128xf32, #tpu.memory_space<hbm>> -> memref<10240x128xf32, #tpu.memory_space<hbm>>
        tpu.enqueue_indirect_dma source(%dma_start3A_161 : memref<10240x128xf32, #tpu.memory_space<hbm>>) target(%arg6 : memref<128x128xf32, #tpu.memory_space<vmem>>) offsets(%dma_start3A_158 : memref<128xi32, #tpu.memory_space<vmem>>) semaphore(%arg9 : memref<!tpu.dma_semaphore, #tpu.memory_space<semaphore_mem>>)
      } else {
      }
      %add3A_136 = arith.constant 1 : i32
      %add3A_137 = arith.addi %mul3A_124, %add3A_136 : i32
      %dma_wait3A_138 = arith.constant 0 : i32
      %dma_wait3A_139 = arith.constant 0 : i32
      %dma_wait3A_140 = tpu.memref_slice %arg5[%add3A_137, %dma_wait3A_138, %dma_wait3A_139] : memref<40x2x128xi32, #tpu.memory_space<vmem>> -> memref<1x1x128xi32, #tpu.memory_space<vmem>>
      %dma_wait3A_141 = tpu.memref_squeeze %dma_wait3A_140 : memref<1x1x128xi32, #tpu.memory_space<vmem>> -> memref<128xi32, #tpu.memory_space<vmem>>
      %dma_wait3A_142 = arith.constant 0 : i32
      %dma_wait3A_143 = arith.constant 0 : i32
      %dma_wait3A_144 = tpu.memref_slice %arg2[%dma_wait3A_142, %dma_wait3A_143] : memref<10240x128xf32, #tpu.memory_space<hbm>> -> memref<10240x128xf32, #tpu.memory_space<hbm>>
      tpu.wait_indirect_dma semaphore(%arg10 : memref<!tpu.dma_semaphore, #tpu.memory_space<semaphore_mem>>) src(%dma_wait3A_144 : memref<10240x128xf32, #tpu.memory_space<hbm>>) dst(%arg7 : memref<128x128xf32, #tpu.memory_space<vmem>>)
      %add3A_145 = arith.constant 1 : i32
      %add3A_146 = arith.addi %mul3A_124, %add3A_145 : i32
      %run_scoped3A_147 = arith.constant 1 : i32
      "tpu.region"() ({
        %run_scoped3A_154 = tpu.sem_alloc : memref<!tpu.dma_semaphore, #tpu.memory_space<semaphore_mem>>
        %dma_start3A = arith.constant 0 : i32
        %dma_start3A_155 = tpu.memref_slice %arg5[%add3A_146, %run_scoped3A_147, %dma_start3A] : memref<40x2x128xi32, #tpu.memory_space<vmem>> -> memref<1x1x128xi32, #tpu.memory_space<vmem>>
        %dma_start3A_156 = tpu.memref_squeeze %dma_start3A_155 : memref<1x1x128xi32, #tpu.memory_space<vmem>> -> memref<128xi32, #tpu.memory_space<vmem>>
        %dma_start3A_157 = arith.constant 0 : i32
        %dma_start3A_158 = arith.constant 0 : i32
        %dma_start3A_159 = tpu.memref_slice %arg8[%dma_start3A_157, %dma_start3A_158] : memref<10240x128xf32, #tpu.memory_space<vmem_shared>> -> memref<10240x128xf32, #tpu.memory_space<vmem_shared>>
        tpu.enqueue_indirect_dma source(%arg7 : memref<128x128xf32, #tpu.memory_space<vmem>>) target(%dma_start3A_159 : memref<10240x128xf32, #tpu.memory_space<vmem_shared>>) offsets(%dma_start3A_156 : memref<128xi32, #tpu.memory_space<vmem>>) semaphore(%run_scoped3A_154 : memref<!tpu.dma_semaphore, #tpu.memory_space<semaphore_mem>>) {add = true}
        %dma_wait3A_160 = arith.constant 0 : i32
        %dma_wait3A_161 = tpu.memref_slice %arg5[%add3A_146, %run_scoped3A_147, %dma_wait3A_160] : memref<40x2x128xi32, #tpu.memory_space<vmem>> -> memref<1x1x128xi32, #tpu.memory_space<vmem>>
        %dma_wait3A_162 = tpu.memref_squeeze %dma_wait3A_161 : memref<1x1x128xi32, #tpu.memory_space<vmem>> -> memref<128xi32, #tpu.memory_space<vmem>>
        %dma_wait3A_163 = arith.constant 0 : i32
        %dma_wait3A_164 = arith.constant 0 : i32
        %dma_wait3A_165 = tpu.memref_slice %arg8[%dma_wait3A_163, %dma_wait3A_164] : memref<10240x128xf32, #tpu.memory_space<vmem_shared>> -> memref<10240x128xf32, #tpu.memory_space<vmem_shared>>
        tpu.wait_indirect_dma semaphore(%run_scoped3A_154 : memref<!tpu.dma_semaphore, #tpu.memory_space<semaphore_mem>>) src(%arg7 : memref<128x128xf32, #tpu.memory_space<vmem>>) dst(%dma_wait3A_165 : memref<10240x128xf32, #tpu.memory_space<vmem_shared>>)
        tpu.yield
      }) : () -> ()
      %add3A_148 = arith.constant 3 : i32
      %add3A_149 = arith.addi %mul3A_124, %add3A_148 : i32
      %lt3A_150 = arith.cmpi slt, %add3A_149, %select_n3A : i32
      %convert_element_type3A_151 = arith.extui %lt3A_150 : i1 to i32
      %cond3A_152 = arith.constant 0 : i32
      %cond3A_153 = arith.cmpi ne, %convert_element_type3A_151, %cond3A_152 : i32
      scf.if %cond3A_153 {
        %add3A_154 = arith.constant 3 : i32
        %add3A_155 = arith.addi %mul3A_124, %add3A_154 : i32
        %dma_start3A = arith.constant 0 : i32
        %dma_start3A_156 = arith.constant 0 : i32
        %dma_start3A_157 = tpu.memref_slice %arg5[%add3A_155, %dma_start3A, %dma_start3A_156] : memref<40x2x128xi32, #tpu.memory_space<vmem>> -> memref<1x1x128xi32, #tpu.memory_space<vmem>>
        %dma_start3A_158 = tpu.memref_squeeze %dma_start3A_157 : memref<1x1x128xi32, #tpu.memory_space<vmem>> -> memref<128xi32, #tpu.memory_space<vmem>>
        %dma_start3A_159 = arith.constant 0 : i32
        %dma_start3A_160 = arith.constant 0 : i32
        %dma_start3A_161 = tpu.memref_slice %arg2[%dma_start3A_159, %dma_start3A_160] : memref<10240x128xf32, #tpu.memory_space<hbm>> -> memref<10240x128xf32, #tpu.memory_space<hbm>>
        tpu.enqueue_indirect_dma source(%dma_start3A_161 : memref<10240x128xf32, #tpu.memory_space<hbm>>) target(%arg7 : memref<128x128xf32, #tpu.memory_space<vmem>>) offsets(%dma_start3A_158 : memref<128xi32, #tpu.memory_space<vmem>>) semaphore(%arg10 : memref<!tpu.dma_semaphore, #tpu.memory_space<semaphore_mem>>)
      } else {
      }
    }
    %while3A_67 = arith.constant 1 : i32
    scf.for %while3A_122 = %while3A_65 to %while3A_61 step %while3A_67  : i32 {
      %mul3A_123 = arith.constant 2 : i32
      %mul3A_124 = arith.muli %while3A_122, %mul3A_123 : i32
      %dma_wait3A = arith.constant 0 : i32
      %dma_wait3A_125 = arith.constant 0 : i32
      %dma_wait3A_126 = tpu.memref_slice %arg5[%mul3A_124, %dma_wait3A, %dma_wait3A_125] : memref<40x2x128xi32, #tpu.memory_space<vmem>> -> memref<1x1x128xi32, #tpu.memory_space<vmem>>
      %dma_wait3A_127 = tpu.memref_squeeze %dma_wait3A_126 : memref<1x1x128xi32, #tpu.memory_space<vmem>> -> memref<128xi32, #tpu.memory_space<vmem>>
      %dma_wait3A_128 = arith.constant 0 : i32
      %dma_wait3A_129 = arith.constant 0 : i32
      %dma_wait3A_130 = tpu.memref_slice %arg2[%dma_wait3A_128, %dma_wait3A_129] : memref<10240x128xf32, #tpu.memory_space<hbm>> -> memref<10240x128xf32, #tpu.memory_space<hbm>>
      tpu.wait_indirect_dma semaphore(%arg9 : memref<!tpu.dma_semaphore, #tpu.memory_space<semaphore_mem>>) src(%dma_wait3A_130 : memref<10240x128xf32, #tpu.memory_space<hbm>>) dst(%arg6 : memref<128x128xf32, #tpu.memory_space<vmem>>)
      %run_scoped3A = arith.constant 1 : i32
      "tpu.region"() ({
        %run_scoped3A_154 = tpu.sem_alloc : memref<!tpu.dma_semaphore, #tpu.memory_space<semaphore_mem>>
        %dma_start3A = arith.constant 0 : i32
        %dma_start3A_155 = tpu.memref_slice %arg5[%mul3A_124, %run_scoped3A, %dma_start3A] : memref<40x2x128xi32, #tpu.memory_space<vmem>> -> memref<1x1x128xi32, #tpu.memory_space<vmem>>
        %dma_start3A_156 = tpu.memref_squeeze %dma_start3A_155 : memref<1x1x128xi32, #tpu.memory_space<vmem>> -> memref<128xi32, #tpu.memory_space<vmem>>
        %dma_start3A_157 = arith.constant 0 : i32
        %dma_start3A_158 = arith.constant 0 : i32
        %dma_start3A_159 = tpu.memref_slice %arg8[%dma_start3A_157, %dma_start3A_158] : memref<10240x128xf32, #tpu.memory_space<vmem_shared>> -> memref<10240x128xf32, #tpu.memory_space<vmem_shared>>
        tpu.enqueue_indirect_dma source(%arg6 : memref<128x128xf32, #tpu.memory_space<vmem>>) target(%dma_start3A_159 : memref<10240x128xf32, #tpu.memory_space<vmem_shared>>) offsets(%dma_start3A_156 : memref<128xi32, #tpu.memory_space<vmem>>) semaphore(%run_scoped3A_154 : memref<!tpu.dma_semaphore, #tpu.memory_space<semaphore_mem>>) {add = true}
        %dma_wait3A_160 = arith.constant 0 : i32
        %dma_wait3A_161 = tpu.memref_slice %arg5[%mul3A_124, %run_scoped3A, %dma_wait3A_160] : memref<40x2x128xi32, #tpu.memory_space<vmem>> -> memref<1x1x128xi32, #tpu.memory_space<vmem>>
        %dma_wait3A_162 = tpu.memref_squeeze %dma_wait3A_161 : memref<1x1x128xi32, #tpu.memory_space<vmem>> -> memref<128xi32, #tpu.memory_space<vmem>>
        %dma_wait3A_163 = arith.constant 0 : i32
        %dma_wait3A_164 = arith.constant 0 : i32
        %dma_wait3A_165 = tpu.memref_slice %arg8[%dma_wait3A_163, %dma_wait3A_164] : memref<10240x128xf32, #tpu.memory_space<vmem_shared>> -> memref<10240x128xf32, #tpu.memory_space<vmem_shared>>
        tpu.wait_indirect_dma semaphore(%run_scoped3A_154 : memref<!tpu.dma_semaphore, #tpu.memory_space<semaphore_mem>>) src(%arg6 : memref<128x128xf32, #tpu.memory_space<vmem>>) dst(%dma_wait3A_165 : memref<10240x128xf32, #tpu.memory_space<vmem_shared>>)
        tpu.yield
      }) : () -> ()
      %add3A_131 = arith.constant 2 : i32
      %add3A_132 = arith.addi %mul3A_124, %add3A_131 : i32
      %lt3A = arith.cmpi slt, %add3A_132, %select_n3A : i32
      %convert_element_type3A_133 = arith.extui %lt3A : i1 to i32
      %cond3A_134 = arith.constant 0 : i32
      %cond3A_135 = arith.cmpi ne, %convert_element_type3A_133, %cond3A_134 : i32
      scf.if %cond3A_135 {
        %add3A_154 = arith.constant 2 : i32
        %add3A_155 = arith.addi %mul3A_124, %add3A_154 : i32
        %dma_start3A = arith.constant 0 : i32
        %dma_start3A_156 = arith.constant 0 : i32
        %dma_start3A_157 = tpu.memref_slice %arg5[%add3A_155, %dma_start3A, %dma_start3A_156] : memref<40x2x128xi32, #tpu.memory_space<vmem>> -> memref<1x1x128xi32, #tpu.memory_space<vmem>>
        %dma_start3A_158 = tpu.memref_squeeze %dma_start3A_157 : memref<1x1x128xi32, #tpu.memory_space<vmem>> -> memref<128xi32, #tpu.memory_space<vmem>>
        %dma_start3A_159 = arith.constant 0 : i32
        %dma_start3A_160 = arith.constant 0 : i32
        %dma_start3A_161 = tpu.memref_slice %arg2[%dma_start3A_159, %dma_start3A_160] : memref<10240x128xf32, #tpu.memory_space<hbm>> -> memref<10240x128xf32, #tpu.memory_space<hbm>>
        tpu.enqueue_indirect_dma source(%dma_start3A_161 : memref<10240x128xf32, #tpu.memory_space<hbm>>) target(%arg6 : memref<128x128xf32, #tpu.memory_space<vmem>>) offsets(%dma_start3A_158 : memref<128xi32, #tpu.memory_space<vmem>>) semaphore(%arg9 : memref<!tpu.dma_semaphore, #tpu.memory_space<semaphore_mem>>)
      } else {
      }
      %add3A_136 = arith.constant 1 : i32
      %add3A_137 = arith.addi %mul3A_124, %add3A_136 : i32
      %dma_wait3A_138 = arith.constant 0 : i32
      %dma_wait3A_139 = arith.constant 0 : i32
      %dma_wait3A_140 = tpu.memref_slice %arg5[%add3A_137, %dma_wait3A_138, %dma_wait3A_139] : memref<40x2x128xi32, #tpu.memory_space<vmem>> -> memref<1x1x128xi32, #tpu.memory_space<vmem>>
      %dma_wait3A_141 = tpu.memref_squeeze %dma_wait3A_140 : memref<1x1x128xi32, #tpu.memory_space<vmem>> -> memref<128xi32, #tpu.memory_space<vmem>>
      %dma_wait3A_142 = arith.constant 0 : i32
      %dma_wait3A_143 = arith.constant 0 : i32
      %dma_wait3A_144 = tpu.memref_slice %arg2[%dma_wait3A_142, %dma_wait3A_143] : memref<10240x128xf32, #tpu.memory_space<hbm>> -> memref<10240x128xf32, #tpu.memory_space<hbm>>
      tpu.wait_indirect_dma semaphore(%arg10 : memref<!tpu.dma_semaphore, #tpu.memory_space<semaphore_mem>>) src(%dma_wait3A_144 : memref<10240x128xf32, #tpu.memory_space<hbm>>) dst(%arg7 : memref<128x128xf32, #tpu.memory_space<vmem>>)
      %add3A_145 = arith.constant 1 : i32
      %add3A_146 = arith.addi %mul3A_124, %add3A_145 : i32
      %run_scoped3A_147 = arith.constant 1 : i32
      "tpu.region"() ({
        %run_scoped3A_154 = tpu.sem_alloc : memref<!tpu.dma_semaphore, #tpu.memory_space<semaphore_mem>>
        %dma_start3A = arith.constant 0 : i32
        %dma_start3A_155 = tpu.memref_slice %arg5[%add3A_146, %run_scoped3A_147, %dma_start3A] : memref<40x2x128xi32, #tpu.memory_space<vmem>> -> memref<1x1x128xi32, #tpu.memory_space<vmem>>
        %dma_start3A_156 = tpu.memref_squeeze %dma_start3A_155 : memref<1x1x128xi32, #tpu.memory_space<vmem>> -> memref<128xi32, #tpu.memory_space<vmem>>
        %dma_start3A_157 = arith.constant 0 : i32
        %dma_start3A_158 = arith.constant 0 : i32
        %dma_start3A_159 = tpu.memref_slice %arg8[%dma_start3A_157, %dma_start3A_158] : memref<10240x128xf32, #tpu.memory_space<vmem_shared>> -> memref<10240x128xf32, #tpu.memory_space<vmem_shared>>
        tpu.enqueue_indirect_dma source(%arg7 : memref<128x128xf32, #tpu.memory_space<vmem>>) target(%dma_start3A_159 : memref<10240x128xf32, #tpu.memory_space<vmem_shared>>) offsets(%dma_start3A_156 : memref<128xi32, #tpu.memory_space<vmem>>) semaphore(%run_scoped3A_154 : memref<!tpu.dma_semaphore, #tpu.memory_space<semaphore_mem>>) {add = true}
        %dma_wait3A_160 = arith.constant 0 : i32
        %dma_wait3A_161 = tpu.memref_slice %arg5[%add3A_146, %run_scoped3A_147, %dma_wait3A_160] : memref<40x2x128xi32, #tpu.memory_space<vmem>> -> memref<1x1x128xi32, #tpu.memory_space<vmem>>
        %dma_wait3A_162 = tpu.memref_squeeze %dma_wait3A_161 : memref<1x1x128xi32, #tpu.memory_space<vmem>> -> memref<128xi32, #tpu.memory_space<vmem>>
        %dma_wait3A_163 = arith.constant 0 : i32
        %dma_wait3A_164 = arith.constant 0 : i32
        %dma_wait3A_165 = tpu.memref_slice %arg8[%dma_wait3A_163, %dma_wait3A_164] : memref<10240x128xf32, #tpu.memory_space<vmem_shared>> -> memref<10240x128xf32, #tpu.memory_space<vmem_shared>>
        tpu.wait_indirect_dma semaphore(%run_scoped3A_154 : memref<!tpu.dma_semaphore, #tpu.memory_space<semaphore_mem>>) src(%arg7 : memref<128x128xf32, #tpu.memory_space<vmem>>) dst(%dma_wait3A_165 : memref<10240x128xf32, #tpu.memory_space<vmem_shared>>)
        tpu.yield
      }) : () -> ()
      %add3A_148 = arith.constant 3 : i32
      %add3A_149 = arith.addi %mul3A_124, %add3A_148 : i32
      %lt3A_150 = arith.cmpi slt, %add3A_149, %select_n3A : i32
      %convert_element_type3A_151 = arith.extui %lt3A_150 : i1 to i32
      %cond3A_152 = arith.constant 0 : i32
      %cond3A_153 = arith.cmpi ne, %convert_element_type3A_151, %cond3A_152 : i32
      scf.if %cond3A_153 {
        %add3A_154 = arith.constant 3 : i32
        %add3A_155 = arith.addi %mul3A_124, %add3A_154 : i32
        %dma_start3A = arith.constant 0 : i32
        %dma_start3A_156 = arith.constant 0 : i32
        %dma_start3A_157 = tpu.memref_slice %arg5[%add3A_155, %dma_start3A, %dma_start3A_156] : memref<40x2x128xi32, #tpu.memory_space<vmem>> -> memref<1x1x128xi32, #tpu.memory_space<vmem>>
        %dma_start3A_158 = tpu.memref_squeeze %dma_start3A_157 : memref<1x1x128xi32, #tpu.memory_space<vmem>> -> memref<128xi32, #tpu.memory_space<vmem>>
        %dma_start3A_159 = arith.constant 0 : i32
        %dma_start3A_160 = arith.constant 0 : i32
        %dma_start3A_161 = tpu.memref_slice %arg2[%dma_start3A_159, %dma_start3A_160] : memref<10240x128xf32, #tpu.memory_space<hbm>> -> memref<10240x128xf32, #tpu.memory_space<hbm>>
        tpu.enqueue_indirect_dma source(%dma_start3A_161 : memref<10240x128xf32, #tpu.memory_space<hbm>>) target(%arg7 : memref<128x128xf32, #tpu.memory_space<vmem>>) offsets(%dma_start3A_158 : memref<128xi32, #tpu.memory_space<vmem>>) semaphore(%arg10 : memref<!tpu.dma_semaphore, #tpu.memory_space<semaphore_mem>>)
      } else {
      }
    }
    %eq3A_68 = arith.constant 31 : i32
    %eq3A_69 = arith.cmpi eq, %add3A, %eq3A_68 : i32
    %jit3A_70 = arith.constant 0 : i32
    %jit3A_71 = arith.constant 40 : i32
    %select_n3A_72 = arith.select %eq3A_69, %jit3A_70, %jit3A_71 : i32
    %ne3A_73 = arith.constant 31 : i32
    %ne3A_74 = arith.cmpi ne, %add3A, %ne3A_73 : i32
    %convert_element_type3A_75 = arith.extui %ne3A_74 : i1 to i32
    %cond3A_76 = arith.constant 0 : i32
    %cond3A_77 = arith.cmpi ne, %convert_element_type3A_75, %cond3A_76 : i32
    scf.if %cond3A_77 {
      %mul3A_122 = arith.constant 80 : i32
      %mul3A_123 = arith.muli %add3A, %mul3A_122 : i32
      %add3A_124 = arith.constant 40 : i32
      %add3A_125 = arith.addi %mul3A_123, %add3A_124 : i32
      "tpu.region"() ({
        %run_scoped3A = tpu.sem_alloc : memref<!tpu.dma_semaphore, #tpu.memory_space<semaphore_mem>>
        %dma_start3A = arith.constant 0 : i32
        %dma_start3A_126 = arith.constant 0 : i32
        %dma_start3A_127 = tpu.memref_slice %arg3[%add3A_125, %dma_start3A, %dma_start3A_126] : memref<2500x2x128xi32, #tpu.memory_space<hbm>> -> memref<40x2x128xi32, #tpu.memory_space<hbm>>
        %dma_start3A_128 = arith.constant 0 : i32
        %dma_start3A_129 = arith.constant 0 : i32
        %dma_start3A_130 = tpu.memref_slice %arg3[%add3A_125, %dma_start3A_128, %dma_start3A_129] : memref<2500x2x128xi32, #tpu.memory_space<hbm>> -> memref<40x2x128xi32, #tpu.memory_space<hbm>>
        tpu.enqueue_dma source(%dma_start3A_130 : memref<40x2x128xi32, #tpu.memory_space<hbm>>) target(%arg5 : memref<40x2x128xi32, #tpu.memory_space<vmem>>) target_semaphore(%run_scoped3A : memref<!tpu.dma_semaphore, #tpu.memory_space<semaphore_mem>>)
        %dma_wait3A = arith.constant 0 : i32
        %dma_wait3A_131 = arith.constant 0 : i32
        %dma_wait3A_132 = tpu.memref_slice %arg3[%add3A_125, %dma_wait3A, %dma_wait3A_131] : memref<2500x2x128xi32, #tpu.memory_space<hbm>> -> memref<40x2x128xi32, #tpu.memory_space<hbm>>
        %dma_wait3A_133 = arith.constant 0 : i32
        %dma_wait3A_134 = arith.constant 0 : i32
        %dma_wait3A_135 = tpu.memref_slice %arg3[%add3A_125, %dma_wait3A_133, %dma_wait3A_134] : memref<2500x2x128xi32, #tpu.memory_space<hbm>> -> memref<40x2x128xi32, #tpu.memory_space<hbm>>
        tpu.wait_dma2 semaphore(%run_scoped3A : memref<!tpu.dma_semaphore, #tpu.memory_space<semaphore_mem>>) src(%dma_wait3A_135 : memref<40x2x128xi32, #tpu.memory_space<hbm>>) dst(%arg5 : memref<40x2x128xi32, #tpu.memory_space<vmem>>)
        tpu.yield
      }) : () -> ()
    } else {
    }
    %gt3A_78 = arith.constant 0 : i32
    %gt3A_79 = arith.cmpi sgt, %select_n3A_72, %gt3A_78 : i32
    %convert_element_type3A_80 = arith.extui %gt3A_79 : i1 to i32
    %cond3A_81 = arith.constant 0 : i32
    %cond3A_82 = arith.cmpi ne, %convert_element_type3A_80, %cond3A_81 : i32
    scf.if %cond3A_82 {
      %dma_start3A = arith.constant 0 : i32
      %dma_start3A_122 = arith.constant 0 : i32
      %dma_start3A_123 = arith.constant 0 : i32
      %dma_start3A_124 = tpu.memref_slice %arg5[%dma_start3A, %dma_start3A_122, %dma_start3A_123] : memref<40x2x128xi32, #tpu.memory_space<vmem>> -> memref<1x1x128xi32, #tpu.memory_space<vmem>>
      %dma_start3A_125 = tpu.memref_squeeze %dma_start3A_124 : memref<1x1x128xi32, #tpu.memory_space<vmem>> -> memref<128xi32, #tpu.memory_space<vmem>>
      %dma_start3A_126 = arith.constant 0 : i32
      %dma_start3A_127 = arith.constant 0 : i32
      %dma_start3A_128 = tpu.memref_slice %arg2[%dma_start3A_126, %dma_start3A_127] : memref<10240x128xf32, #tpu.memory_space<hbm>> -> memref<10240x128xf32, #tpu.memory_space<hbm>>
      tpu.enqueue_indirect_dma source(%dma_start3A_128 : memref<10240x128xf32, #tpu.memory_space<hbm>>) target(%arg6 : memref<128x128xf32, #tpu.memory_space<vmem>>) offsets(%dma_start3A_125 : memref<128xi32, #tpu.memory_space<vmem>>) semaphore(%arg9 : memref<!tpu.dma_semaphore, #tpu.memory_space<semaphore_mem>>)
      %dma_start3A_129 = arith.constant 1 : i32
      %dma_start3A_130 = arith.constant 0 : i32
      %dma_start3A_131 = arith.constant 0 : i32
      %dma_start3A_132 = tpu.memref_slice %arg5[%dma_start3A_129, %dma_start3A_130, %dma_start3A_131] : memref<40x2x128xi32, #tpu.memory_space<vmem>> -> memref<1x1x128xi32, #tpu.memory_space<vmem>>
      %dma_start3A_133 = tpu.memref_squeeze %dma_start3A_132 : memref<1x1x128xi32, #tpu.memory_space<vmem>> -> memref<128xi32, #tpu.memory_space<vmem>>
      %dma_start3A_134 = arith.constant 0 : i32
      %dma_start3A_135 = arith.constant 0 : i32
      %dma_start3A_136 = tpu.memref_slice %arg2[%dma_start3A_134, %dma_start3A_135] : memref<10240x128xf32, #tpu.memory_space<hbm>> -> memref<10240x128xf32, #tpu.memory_space<hbm>>
      tpu.enqueue_indirect_dma source(%dma_start3A_136 : memref<10240x128xf32, #tpu.memory_space<hbm>>) target(%arg7 : memref<128x128xf32, #tpu.memory_space<vmem>>) offsets(%dma_start3A_133 : memref<128xi32, #tpu.memory_space<vmem>>) semaphore(%arg10 : memref<!tpu.dma_semaphore, #tpu.memory_space<semaphore_mem>>)
    } else {
    }
    %jit3A_83 = arith.constant 2 : i32
    %div3A_84 = arith.divsi %select_n3A_72, %jit3A_83 : i32
    %sign3A_85 = arith.constant 0 : i32
    %sign3A_86 = arith.cmpi sgt, %select_n3A_72, %sign3A_85 : i32
    %sign3A_87 = arith.extui %sign3A_86 : i1 to i32
    %sign3A_88 = arith.constant 0 : i32
    %sign3A_89 = arith.cmpi slt, %select_n3A_72, %sign3A_88 : i32
    %sign3A_90 = arith.extui %sign3A_89 : i1 to i32
    %sign3A_91 = arith.subi %sign3A_87, %sign3A_90 : i32
    %sign3A_92 = arith.constant 0 : i32
    %sign3A_93 = arith.cmpi sgt, %jit3A_83, %sign3A_92 : i32
    %sign3A_94 = arith.extui %sign3A_93 : i1 to i32
    %sign3A_95 = arith.constant 0 : i32
    %sign3A_96 = arith.cmpi slt, %jit3A_83, %sign3A_95 : i32
    %sign3A_97 = arith.extui %sign3A_96 : i1 to i32
    %sign3A_98 = arith.subi %sign3A_94, %sign3A_97 : i32
    %ne3A_99 = arith.cmpi ne, %sign3A_91, %sign3A_98 : i32
    %rem3A_100 = arith.remsi %select_n3A_72, %jit3A_83 : i32
    %ne3A_101 = arith.constant 0 : i32
    %ne3A_102 = arith.cmpi ne, %rem3A_100, %ne3A_101 : i32
    %and3A_103 = arith.andi %ne3A_99, %ne3A_102 : i1
    %sub3A_104 = arith.constant 1 : i32
    %sub3A_105 = arith.subi %div3A_84, %sub3A_104 : i32
    %select_n3A_106 = arith.select %and3A_103, %sub3A_105, %div3A_84 : i32
    %while3A_107 = arith.constant 0 : i32
    %while3A_108 = arith.constant 0 : i32
    %while3A_109 = arith.subi %select_n3A_106, %while3A_108 : i32
    %while3A_110 = arith.addi %while3A_108, %while3A_109 : i32
    %while3A_111 = arith.constant 1 : i32
    %while3A_112 = arith.divsi %while3A_109, %while3A_111 : i32
    %while3A_113 = arith.muli %while3A_112, %while3A_111 : i32
    %while3A_114 = arith.addi %while3A_108, %while3A_113 : i32
    %while3A_115 = arith.constant 1 : i32
    scf.for %while3A_122 = %while3A_108 to %while3A_114 step %while3A_115  : i32 {
      %mul3A_123 = arith.constant 2 : i32
      %mul3A_124 = arith.muli %while3A_122, %mul3A_123 : i32
      %dma_wait3A = arith.constant 0 : i32
      %dma_wait3A_125 = arith.constant 0 : i32
      %dma_wait3A_126 = tpu.memref_slice %arg5[%mul3A_124, %dma_wait3A, %dma_wait3A_125] : memref<40x2x128xi32, #tpu.memory_space<vmem>> -> memref<1x1x128xi32, #tpu.memory_space<vmem>>
      %dma_wait3A_127 = tpu.memref_squeeze %dma_wait3A_126 : memref<1x1x128xi32, #tpu.memory_space<vmem>> -> memref<128xi32, #tpu.memory_space<vmem>>
      %dma_wait3A_128 = arith.constant 0 : i32
      %dma_wait3A_129 = arith.constant 0 : i32
      %dma_wait3A_130 = tpu.memref_slice %arg2[%dma_wait3A_128, %dma_wait3A_129] : memref<10240x128xf32, #tpu.memory_space<hbm>> -> memref<10240x128xf32, #tpu.memory_space<hbm>>
      tpu.wait_indirect_dma semaphore(%arg9 : memref<!tpu.dma_semaphore, #tpu.memory_space<semaphore_mem>>) src(%dma_wait3A_130 : memref<10240x128xf32, #tpu.memory_space<hbm>>) dst(%arg6 : memref<128x128xf32, #tpu.memory_space<vmem>>)
      %run_scoped3A = arith.constant 1 : i32
      "tpu.region"() ({
        %run_scoped3A_154 = tpu.sem_alloc : memref<!tpu.dma_semaphore, #tpu.memory_space<semaphore_mem>>
        %dma_start3A = arith.constant 0 : i32
        %dma_start3A_155 = tpu.memref_slice %arg5[%mul3A_124, %run_scoped3A, %dma_start3A] : memref<40x2x128xi32, #tpu.memory_space<vmem>> -> memref<1x1x128xi32, #tpu.memory_space<vmem>>
        %dma_start3A_156 = tpu.memref_squeeze %dma_start3A_155 : memref<1x1x128xi32, #tpu.memory_space<vmem>> -> memref<128xi32, #tpu.memory_space<vmem>>
        %dma_start3A_157 = arith.constant 0 : i32
        %dma_start3A_158 = arith.constant 0 : i32
        %dma_start3A_159 = tpu.memref_slice %arg8[%dma_start3A_157, %dma_start3A_158] : memref<10240x128xf32, #tpu.memory_space<vmem_shared>> -> memref<10240x128xf32, #tpu.memory_space<vmem_shared>>
        tpu.enqueue_indirect_dma source(%arg6 : memref<128x128xf32, #tpu.memory_space<vmem>>) target(%dma_start3A_159 : memref<10240x128xf32, #tpu.memory_space<vmem_shared>>) offsets(%dma_start3A_156 : memref<128xi32, #tpu.memory_space<vmem>>) semaphore(%run_scoped3A_154 : memref<!tpu.dma_semaphore, #tpu.memory_space<semaphore_mem>>) {add = true}
        %dma_wait3A_160 = arith.constant 0 : i32
        %dma_wait3A_161 = tpu.memref_slice %arg5[%mul3A_124, %run_scoped3A, %dma_wait3A_160] : memref<40x2x128xi32, #tpu.memory_space<vmem>> -> memref<1x1x128xi32, #tpu.memory_space<vmem>>
        %dma_wait3A_162 = tpu.memref_squeeze %dma_wait3A_161 : memref<1x1x128xi32, #tpu.memory_space<vmem>> -> memref<128xi32, #tpu.memory_space<vmem>>
        %dma_wait3A_163 = arith.constant 0 : i32
        %dma_wait3A_164 = arith.constant 0 : i32
        %dma_wait3A_165 = tpu.memref_slice %arg8[%dma_wait3A_163, %dma_wait3A_164] : memref<10240x128xf32, #tpu.memory_space<vmem_shared>> -> memref<10240x128xf32, #tpu.memory_space<vmem_shared>>
        tpu.wait_indirect_dma semaphore(%run_scoped3A_154 : memref<!tpu.dma_semaphore, #tpu.memory_space<semaphore_mem>>) src(%arg6 : memref<128x128xf32, #tpu.memory_space<vmem>>) dst(%dma_wait3A_165 : memref<10240x128xf32, #tpu.memory_space<vmem_shared>>)
        tpu.yield
      }) : () -> ()
      %add3A_131 = arith.constant 2 : i32
      %add3A_132 = arith.addi %mul3A_124, %add3A_131 : i32
      %lt3A = arith.cmpi slt, %add3A_132, %select_n3A_72 : i32
      %convert_element_type3A_133 = arith.extui %lt3A : i1 to i32
      %cond3A_134 = arith.constant 0 : i32
      %cond3A_135 = arith.cmpi ne, %convert_element_type3A_133, %cond3A_134 : i32
      scf.if %cond3A_135 {
        %add3A_154 = arith.constant 2 : i32
        %add3A_155 = arith.addi %mul3A_124, %add3A_154 : i32
        %dma_start3A = arith.constant 0 : i32
        %dma_start3A_156 = arith.constant 0 : i32
        %dma_start3A_157 = tpu.memref_slice %arg5[%add3A_155, %dma_start3A, %dma_start3A_156] : memref<40x2x128xi32, #tpu.memory_space<vmem>> -> memref<1x1x128xi32, #tpu.memory_space<vmem>>
        %dma_start3A_158 = tpu.memref_squeeze %dma_start3A_157 : memref<1x1x128xi32, #tpu.memory_space<vmem>> -> memref<128xi32, #tpu.memory_space<vmem>>
        %dma_start3A_159 = arith.constant 0 : i32
        %dma_start3A_160 = arith.constant 0 : i32
        %dma_start3A_161 = tpu.memref_slice %arg2[%dma_start3A_159, %dma_start3A_160] : memref<10240x128xf32, #tpu.memory_space<hbm>> -> memref<10240x128xf32, #tpu.memory_space<hbm>>
        tpu.enqueue_indirect_dma source(%dma_start3A_161 : memref<10240x128xf32, #tpu.memory_space<hbm>>) target(%arg6 : memref<128x128xf32, #tpu.memory_space<vmem>>) offsets(%dma_start3A_158 : memref<128xi32, #tpu.memory_space<vmem>>) semaphore(%arg9 : memref<!tpu.dma_semaphore, #tpu.memory_space<semaphore_mem>>)
      } else {
      }
      %add3A_136 = arith.constant 1 : i32
      %add3A_137 = arith.addi %mul3A_124, %add3A_136 : i32
      %dma_wait3A_138 = arith.constant 0 : i32
      %dma_wait3A_139 = arith.constant 0 : i32
      %dma_wait3A_140 = tpu.memref_slice %arg5[%add3A_137, %dma_wait3A_138, %dma_wait3A_139] : memref<40x2x128xi32, #tpu.memory_space<vmem>> -> memref<1x1x128xi32, #tpu.memory_space<vmem>>
      %dma_wait3A_141 = tpu.memref_squeeze %dma_wait3A_140 : memref<1x1x128xi32, #tpu.memory_space<vmem>> -> memref<128xi32, #tpu.memory_space<vmem>>
      %dma_wait3A_142 = arith.constant 0 : i32
      %dma_wait3A_143 = arith.constant 0 : i32
      %dma_wait3A_144 = tpu.memref_slice %arg2[%dma_wait3A_142, %dma_wait3A_143] : memref<10240x128xf32, #tpu.memory_space<hbm>> -> memref<10240x128xf32, #tpu.memory_space<hbm>>
      tpu.wait_indirect_dma semaphore(%arg10 : memref<!tpu.dma_semaphore, #tpu.memory_space<semaphore_mem>>) src(%dma_wait3A_144 : memref<10240x128xf32, #tpu.memory_space<hbm>>) dst(%arg7 : memref<128x128xf32, #tpu.memory_space<vmem>>)
      %add3A_145 = arith.constant 1 : i32
      %add3A_146 = arith.addi %mul3A_124, %add3A_145 : i32
      %run_scoped3A_147 = arith.constant 1 : i32
      "tpu.region"() ({
        %run_scoped3A_154 = tpu.sem_alloc : memref<!tpu.dma_semaphore, #tpu.memory_space<semaphore_mem>>
        %dma_start3A = arith.constant 0 : i32
        %dma_start3A_155 = tpu.memref_slice %arg5[%add3A_146, %run_scoped3A_147, %dma_start3A] : memref<40x2x128xi32, #tpu.memory_space<vmem>> -> memref<1x1x128xi32, #tpu.memory_space<vmem>>
        %dma_start3A_156 = tpu.memref_squeeze %dma_start3A_155 : memref<1x1x128xi32, #tpu.memory_space<vmem>> -> memref<128xi32, #tpu.memory_space<vmem>>
        %dma_start3A_157 = arith.constant 0 : i32
        %dma_start3A_158 = arith.constant 0 : i32
        %dma_start3A_159 = tpu.memref_slice %arg8[%dma_start3A_157, %dma_start3A_158] : memref<10240x128xf32, #tpu.memory_space<vmem_shared>> -> memref<10240x128xf32, #tpu.memory_space<vmem_shared>>
        tpu.enqueue_indirect_dma source(%arg7 : memref<128x128xf32, #tpu.memory_space<vmem>>) target(%dma_start3A_159 : memref<10240x128xf32, #tpu.memory_space<vmem_shared>>) offsets(%dma_start3A_156 : memref<128xi32, #tpu.memory_space<vmem>>) semaphore(%run_scoped3A_154 : memref<!tpu.dma_semaphore, #tpu.memory_space<semaphore_mem>>) {add = true}
        %dma_wait3A_160 = arith.constant 0 : i32
        %dma_wait3A_161 = tpu.memref_slice %arg5[%add3A_146, %run_scoped3A_147, %dma_wait3A_160] : memref<40x2x128xi32, #tpu.memory_space<vmem>> -> memref<1x1x128xi32, #tpu.memory_space<vmem>>
        %dma_wait3A_162 = tpu.memref_squeeze %dma_wait3A_161 : memref<1x1x128xi32, #tpu.memory_space<vmem>> -> memref<128xi32, #tpu.memory_space<vmem>>
        %dma_wait3A_163 = arith.constant 0 : i32
        %dma_wait3A_164 = arith.constant 0 : i32
        %dma_wait3A_165 = tpu.memref_slice %arg8[%dma_wait3A_163, %dma_wait3A_164] : memref<10240x128xf32, #tpu.memory_space<vmem_shared>> -> memref<10240x128xf32, #tpu.memory_space<vmem_shared>>
        tpu.wait_indirect_dma semaphore(%run_scoped3A_154 : memref<!tpu.dma_semaphore, #tpu.memory_space<semaphore_mem>>) src(%arg7 : memref<128x128xf32, #tpu.memory_space<vmem>>) dst(%dma_wait3A_165 : memref<10240x128xf32, #tpu.memory_space<vmem_shared>>)
        tpu.yield
      }) : () -> ()
      %add3A_148 = arith.constant 3 : i32
      %add3A_149 = arith.addi %mul3A_124, %add3A_148 : i32
      %lt3A_150 = arith.cmpi slt, %add3A_149, %select_n3A_72 : i32
      %convert_element_type3A_151 = arith.extui %lt3A_150 : i1 to i32
      %cond3A_152 = arith.constant 0 : i32
      %cond3A_153 = arith.cmpi ne, %convert_element_type3A_151, %cond3A_152 : i32
      scf.if %cond3A_153 {
        %add3A_154 = arith.constant 3 : i32
        %add3A_155 = arith.addi %mul3A_124, %add3A_154 : i32
        %dma_start3A = arith.constant 0 : i32
        %dma_start3A_156 = arith.constant 0 : i32
        %dma_start3A_157 = tpu.memref_slice %arg5[%add3A_155, %dma_start3A, %dma_start3A_156] : memref<40x2x128xi32, #tpu.memory_space<vmem>> -> memref<1x1x128xi32, #tpu.memory_space<vmem>>
        %dma_start3A_158 = tpu.memref_squeeze %dma_start3A_157 : memref<1x1x128xi32, #tpu.memory_space<vmem>> -> memref<128xi32, #tpu.memory_space<vmem>>
        %dma_start3A_159 = arith.constant 0 : i32
        %dma_start3A_160 = arith.constant 0 : i32
        %dma_start3A_161 = tpu.memref_slice %arg2[%dma_start3A_159, %dma_start3A_160] : memref<10240x128xf32, #tpu.memory_space<hbm>> -> memref<10240x128xf32, #tpu.memory_space<hbm>>
        tpu.enqueue_indirect_dma source(%dma_start3A_161 : memref<10240x128xf32, #tpu.memory_space<hbm>>) target(%arg7 : memref<128x128xf32, #tpu.memory_space<vmem>>) offsets(%dma_start3A_158 : memref<128xi32, #tpu.memory_space<vmem>>) semaphore(%arg10 : memref<!tpu.dma_semaphore, #tpu.memory_space<semaphore_mem>>)
      } else {
      }
    }
    %while3A_116 = arith.constant 1 : i32
    scf.for %while3A_122 = %while3A_114 to %while3A_110 step %while3A_116  : i32 {
      %mul3A_123 = arith.constant 2 : i32
      %mul3A_124 = arith.muli %while3A_122, %mul3A_123 : i32
      %dma_wait3A = arith.constant 0 : i32
      %dma_wait3A_125 = arith.constant 0 : i32
      %dma_wait3A_126 = tpu.memref_slice %arg5[%mul3A_124, %dma_wait3A, %dma_wait3A_125] : memref<40x2x128xi32, #tpu.memory_space<vmem>> -> memref<1x1x128xi32, #tpu.memory_space<vmem>>
      %dma_wait3A_127 = tpu.memref_squeeze %dma_wait3A_126 : memref<1x1x128xi32, #tpu.memory_space<vmem>> -> memref<128xi32, #tpu.memory_space<vmem>>
      %dma_wait3A_128 = arith.constant 0 : i32
      %dma_wait3A_129 = arith.constant 0 : i32
      %dma_wait3A_130 = tpu.memref_slice %arg2[%dma_wait3A_128, %dma_wait3A_129] : memref<10240x128xf32, #tpu.memory_space<hbm>> -> memref<10240x128xf32, #tpu.memory_space<hbm>>
      tpu.wait_indirect_dma semaphore(%arg9 : memref<!tpu.dma_semaphore, #tpu.memory_space<semaphore_mem>>) src(%dma_wait3A_130 : memref<10240x128xf32, #tpu.memory_space<hbm>>) dst(%arg6 : memref<128x128xf32, #tpu.memory_space<vmem>>)
      %run_scoped3A = arith.constant 1 : i32
      "tpu.region"() ({
        %run_scoped3A_154 = tpu.sem_alloc : memref<!tpu.dma_semaphore, #tpu.memory_space<semaphore_mem>>
        %dma_start3A = arith.constant 0 : i32
        %dma_start3A_155 = tpu.memref_slice %arg5[%mul3A_124, %run_scoped3A, %dma_start3A] : memref<40x2x128xi32, #tpu.memory_space<vmem>> -> memref<1x1x128xi32, #tpu.memory_space<vmem>>
        %dma_start3A_156 = tpu.memref_squeeze %dma_start3A_155 : memref<1x1x128xi32, #tpu.memory_space<vmem>> -> memref<128xi32, #tpu.memory_space<vmem>>
        %dma_start3A_157 = arith.constant 0 : i32
        %dma_start3A_158 = arith.constant 0 : i32
        %dma_start3A_159 = tpu.memref_slice %arg8[%dma_start3A_157, %dma_start3A_158] : memref<10240x128xf32, #tpu.memory_space<vmem_shared>> -> memref<10240x128xf32, #tpu.memory_space<vmem_shared>>
        tpu.enqueue_indirect_dma source(%arg6 : memref<128x128xf32, #tpu.memory_space<vmem>>) target(%dma_start3A_159 : memref<10240x128xf32, #tpu.memory_space<vmem_shared>>) offsets(%dma_start3A_156 : memref<128xi32, #tpu.memory_space<vmem>>) semaphore(%run_scoped3A_154 : memref<!tpu.dma_semaphore, #tpu.memory_space<semaphore_mem>>) {add = true}
        %dma_wait3A_160 = arith.constant 0 : i32
        %dma_wait3A_161 = tpu.memref_slice %arg5[%mul3A_124, %run_scoped3A, %dma_wait3A_160] : memref<40x2x128xi32, #tpu.memory_space<vmem>> -> memref<1x1x128xi32, #tpu.memory_space<vmem>>
        %dma_wait3A_162 = tpu.memref_squeeze %dma_wait3A_161 : memref<1x1x128xi32, #tpu.memory_space<vmem>> -> memref<128xi32, #tpu.memory_space<vmem>>
        %dma_wait3A_163 = arith.constant 0 : i32
        %dma_wait3A_164 = arith.constant 0 : i32
        %dma_wait3A_165 = tpu.memref_slice %arg8[%dma_wait3A_163, %dma_wait3A_164] : memref<10240x128xf32, #tpu.memory_space<vmem_shared>> -> memref<10240x128xf32, #tpu.memory_space<vmem_shared>>
        tpu.wait_indirect_dma semaphore(%run_scoped3A_154 : memref<!tpu.dma_semaphore, #tpu.memory_space<semaphore_mem>>) src(%arg6 : memref<128x128xf32, #tpu.memory_space<vmem>>) dst(%dma_wait3A_165 : memref<10240x128xf32, #tpu.memory_space<vmem_shared>>)
        tpu.yield
      }) : () -> ()
      %add3A_131 = arith.constant 2 : i32
      %add3A_132 = arith.addi %mul3A_124, %add3A_131 : i32
      %lt3A = arith.cmpi slt, %add3A_132, %select_n3A_72 : i32
      %convert_element_type3A_133 = arith.extui %lt3A : i1 to i32
      %cond3A_134 = arith.constant 0 : i32
      %cond3A_135 = arith.cmpi ne, %convert_element_type3A_133, %cond3A_134 : i32
      scf.if %cond3A_135 {
        %add3A_154 = arith.constant 2 : i32
        %add3A_155 = arith.addi %mul3A_124, %add3A_154 : i32
        %dma_start3A = arith.constant 0 : i32
        %dma_start3A_156 = arith.constant 0 : i32
        %dma_start3A_157 = tpu.memref_slice %arg5[%add3A_155, %dma_start3A, %dma_start3A_156] : memref<40x2x128xi32, #tpu.memory_space<vmem>> -> memref<1x1x128xi32, #tpu.memory_space<vmem>>
        %dma_start3A_158 = tpu.memref_squeeze %dma_start3A_157 : memref<1x1x128xi32, #tpu.memory_space<vmem>> -> memref<128xi32, #tpu.memory_space<vmem>>
        %dma_start3A_159 = arith.constant 0 : i32
        %dma_start3A_160 = arith.constant 0 : i32
        %dma_start3A_161 = tpu.memref_slice %arg2[%dma_start3A_159, %dma_start3A_160] : memref<10240x128xf32, #tpu.memory_space<hbm>> -> memref<10240x128xf32, #tpu.memory_space<hbm>>
        tpu.enqueue_indirect_dma source(%dma_start3A_161 : memref<10240x128xf32, #tpu.memory_space<hbm>>) target(%arg6 : memref<128x128xf32, #tpu.memory_space<vmem>>) offsets(%dma_start3A_158 : memref<128xi32, #tpu.memory_space<vmem>>) semaphore(%arg9 : memref<!tpu.dma_semaphore, #tpu.memory_space<semaphore_mem>>)
      } else {
      }
      %add3A_136 = arith.constant 1 : i32
      %add3A_137 = arith.addi %mul3A_124, %add3A_136 : i32
      %dma_wait3A_138 = arith.constant 0 : i32
      %dma_wait3A_139 = arith.constant 0 : i32
      %dma_wait3A_140 = tpu.memref_slice %arg5[%add3A_137, %dma_wait3A_138, %dma_wait3A_139] : memref<40x2x128xi32, #tpu.memory_space<vmem>> -> memref<1x1x128xi32, #tpu.memory_space<vmem>>
      %dma_wait3A_141 = tpu.memref_squeeze %dma_wait3A_140 : memref<1x1x128xi32, #tpu.memory_space<vmem>> -> memref<128xi32, #tpu.memory_space<vmem>>
      %dma_wait3A_142 = arith.constant 0 : i32
      %dma_wait3A_143 = arith.constant 0 : i32
      %dma_wait3A_144 = tpu.memref_slice %arg2[%dma_wait3A_142, %dma_wait3A_143] : memref<10240x128xf32, #tpu.memory_space<hbm>> -> memref<10240x128xf32, #tpu.memory_space<hbm>>
      tpu.wait_indirect_dma semaphore(%arg10 : memref<!tpu.dma_semaphore, #tpu.memory_space<semaphore_mem>>) src(%dma_wait3A_144 : memref<10240x128xf32, #tpu.memory_space<hbm>>) dst(%arg7 : memref<128x128xf32, #tpu.memory_space<vmem>>)
      %add3A_145 = arith.constant 1 : i32
      %add3A_146 = arith.addi %mul3A_124, %add3A_145 : i32
      %run_scoped3A_147 = arith.constant 1 : i32
      "tpu.region"() ({
        %run_scoped3A_154 = tpu.sem_alloc : memref<!tpu.dma_semaphore, #tpu.memory_space<semaphore_mem>>
        %dma_start3A = arith.constant 0 : i32
        %dma_start3A_155 = tpu.memref_slice %arg5[%add3A_146, %run_scoped3A_147, %dma_start3A] : memref<40x2x128xi32, #tpu.memory_space<vmem>> -> memref<1x1x128xi32, #tpu.memory_space<vmem>>
        %dma_start3A_156 = tpu.memref_squeeze %dma_start3A_155 : memref<1x1x128xi32, #tpu.memory_space<vmem>> -> memref<128xi32, #tpu.memory_space<vmem>>
        %dma_start3A_157 = arith.constant 0 : i32
        %dma_start3A_158 = arith.constant 0 : i32
        %dma_start3A_159 = tpu.memref_slice %arg8[%dma_start3A_157, %dma_start3A_158] : memref<10240x128xf32, #tpu.memory_space<vmem_shared>> -> memref<10240x128xf32, #tpu.memory_space<vmem_shared>>
        tpu.enqueue_indirect_dma source(%arg7 : memref<128x128xf32, #tpu.memory_space<vmem>>) target(%dma_start3A_159 : memref<10240x128xf32, #tpu.memory_space<vmem_shared>>) offsets(%dma_start3A_156 : memref<128xi32, #tpu.memory_space<vmem>>) semaphore(%run_scoped3A_154 : memref<!tpu.dma_semaphore, #tpu.memory_space<semaphore_mem>>) {add = true}
        %dma_wait3A_160 = arith.constant 0 : i32
        %dma_wait3A_161 = tpu.memref_slice %arg5[%add3A_146, %run_scoped3A_147, %dma_wait3A_160] : memref<40x2x128xi32, #tpu.memory_space<vmem>> -> memref<1x1x128xi32, #tpu.memory_space<vmem>>
        %dma_wait3A_162 = tpu.memref_squeeze %dma_wait3A_161 : memref<1x1x128xi32, #tpu.memory_space<vmem>> -> memref<128xi32, #tpu.memory_space<vmem>>
        %dma_wait3A_163 = arith.constant 0 : i32
        %dma_wait3A_164 = arith.constant 0 : i32
        %dma_wait3A_165 = tpu.memref_slice %arg8[%dma_wait3A_163, %dma_wait3A_164] : memref<10240x128xf32, #tpu.memory_space<vmem_shared>> -> memref<10240x128xf32, #tpu.memory_space<vmem_shared>>
        tpu.wait_indirect_dma semaphore(%run_scoped3A_154 : memref<!tpu.dma_semaphore, #tpu.memory_space<semaphore_mem>>) src(%arg7 : memref<128x128xf32, #tpu.memory_space<vmem>>) dst(%dma_wait3A_165 : memref<10240x128xf32, #tpu.memory_space<vmem_shared>>)
        tpu.yield
      }) : () -> ()
      %add3A_148 = arith.constant 3 : i32
      %add3A_149 = arith.addi %mul3A_124, %add3A_148 : i32
      %lt3A_150 = arith.cmpi slt, %add3A_149, %select_n3A_72 : i32
      %convert_element_type3A_151 = arith.extui %lt3A_150 : i1 to i32
      %cond3A_152 = arith.constant 0 : i32
      %cond3A_153 = arith.cmpi ne, %convert_element_type3A_151, %cond3A_152 : i32
      scf.if %cond3A_153 {
        %add3A_154 = arith.constant 3 : i32
        %add3A_155 = arith.addi %mul3A_124, %add3A_154 : i32
        %dma_start3A = arith.constant 0 : i32
        %dma_start3A_156 = arith.constant 0 : i32
        %dma_start3A_157 = tpu.memref_slice %arg5[%add3A_155, %dma_start3A, %dma_start3A_156] : memref<40x2x128xi32, #tpu.memory_space<vmem>> -> memref<1x1x128xi32, #tpu.memory_space<vmem>>
        %dma_start3A_158 = tpu.memref_squeeze %dma_start3A_157 : memref<1x1x128xi32, #tpu.memory_space<vmem>> -> memref<128xi32, #tpu.memory_space<vmem>>
        %dma_start3A_159 = arith.constant 0 : i32
        %dma_start3A_160 = arith.constant 0 : i32
        %dma_start3A_161 = tpu.memref_slice %arg2[%dma_start3A_159, %dma_start3A_160] : memref<10240x128xf32, #tpu.memory_space<hbm>> -> memref<10240x128xf32, #tpu.memory_space<hbm>>
        tpu.enqueue_indirect_dma source(%dma_start3A_161 : memref<10240x128xf32, #tpu.memory_space<hbm>>) target(%arg7 : memref<128x128xf32, #tpu.memory_space<vmem>>) offsets(%dma_start3A_158 : memref<128xi32, #tpu.memory_space<vmem>>) semaphore(%arg10 : memref<!tpu.dma_semaphore, #tpu.memory_space<semaphore_mem>>)
      } else {
      }
    }
    %barrier3A_117 = arith.constant 0 : index
    tpu.barrier barrier_id(%barrier3A_117)
    %mul3A_118 = arith.constant 640 : i32
    %mul3A_119 = arith.muli %arg1, %mul3A_118 : i32
    %mul3A_120 = arith.constant 640 : i32
    %mul3A_121 = arith.muli %arg1, %mul3A_120 : i32
    "tpu.region"() ({
      %run_scoped3A = tpu.sem_alloc : memref<!tpu.dma_semaphore, #tpu.memory_space<semaphore_mem>>
      %dma_start3A = arith.constant 0 : i32
      %dma_start3A_122 = tpu.memref_slice %arg4[%arg0, %mul3A_121, %dma_start3A] : memref<2x10240x128xf32, #tpu.memory_space<hbm>> -> memref<1x640x128xf32, #tpu.memory_space<hbm>>
      %dma_start3A_123 = tpu.memref_squeeze %dma_start3A_122 : memref<1x640x128xf32, #tpu.memory_space<hbm>> -> memref<640x128xf32, #tpu.memory_space<hbm>>
      %dma_start3A_124 = arith.constant 0 : i32
      %dma_start3A_125 = tpu.memref_slice %arg8[%mul3A_119, %dma_start3A_124] : memref<10240x128xf32, #tpu.memory_space<vmem_shared>> -> memref<640x128xf32, #tpu.memory_space<vmem_shared>>
      tpu.enqueue_dma source(%dma_start3A_125 : memref<640x128xf32, #tpu.memory_space<vmem_shared>>) target(%dma_start3A_123 : memref<640x128xf32, #tpu.memory_space<hbm>>) target_semaphore(%run_scoped3A : memref<!tpu.dma_semaphore, #tpu.memory_space<semaphore_mem>>)
      %dma_wait3A = arith.constant 0 : i32
      %dma_wait3A_126 = tpu.memref_slice %arg4[%arg0, %mul3A_121, %dma_wait3A] : memref<2x10240x128xf32, #tpu.memory_space<hbm>> -> memref<1x640x128xf32, #tpu.memory_space<hbm>>
      %dma_wait3A_127 = tpu.memref_squeeze %dma_wait3A_126 : memref<1x640x128xf32, #tpu.memory_space<hbm>> -> memref<640x128xf32, #tpu.memory_space<hbm>>
      %dma_wait3A_128 = arith.constant 0 : i32
      %dma_wait3A_129 = tpu.memref_slice %arg8[%mul3A_119, %dma_wait3A_128] : memref<10240x128xf32, #tpu.memory_space<vmem_shared>> -> memref<640x128xf32, #tpu.memory_space<vmem_shared>>
      tpu.wait_dma2 semaphore(%run_scoped3A : memref<!tpu.dma_semaphore, #tpu.memory_space<semaphore_mem>>) src(%dma_wait3A_129 : memref<640x128xf32, #tpu.memory_space<vmem_shared>>) dst(%dma_wait3A_127 : memref<640x128xf32, #tpu.memory_space<hbm>>)
      tpu.yield
    }) : () -> ()
    return
  }
}

module attributes {stable_mosaic.version = 14 : i64} {
  func.func @_tc3_body(%arg0: i32, %arg1: memref<2x2000x128xf32, #tpu.memory_space<vmem>>, %arg2: memref<2000x2xf32, #tpu.memory_space<vmem>>, %arg3: memref<2000x128xf32, #tpu.memory_space<vmem>>, %arg4: memref<1x128xf32, #tpu.memory_space<vmem>>, %arg5: memref<2000x128xf32, #tpu.memory_space<vmem>>) attributes {dimension_semantics = [#tpu.dimension_semantics<arbitrary>], iteration_bounds = array<i64: 5>, scalar_prefetch = 0 : i64, scratch_operands = 0 : i64, tpu.core_type = #tpu.core_type<tc>, window_params = [{transform_indices = @transform_0, window_bounds = array<i64: 2, 2000, 128>}, {transform_indices = @transform_1, window_bounds = array<i64: 2000, 2>}, {transform_indices = @transform_2, window_bounds = array<i64: 2000, 128>}, {pipeline_mode = #tpu.pipeline_mode<synchronous>, transform_indices = @transform_3, window_bounds = array<i64: 1, 128>}, {transform_indices = @transform_4, window_bounds = array<i64: 2000, 128>}]} {
    %get3A = arith.constant 0 : index
    %get3A_0 = arith.constant 0 : index
    %get3A_1 = vector.load %arg2[%get3A, %get3A_0] : memref<2000x2xf32, #tpu.memory_space<vmem>>, vector<2000x1xf32>
    %get3A_2 = arith.constant 0 : index
    %get3A_3 = arith.constant 1 : index
    %get3A_4 = vector.load %arg2[%get3A_2, %get3A_3] : memref<2000x2xf32, #tpu.memory_space<vmem>>, vector<2000x1xf32>
    %add3A = arith.addf %get3A_1, %get3A_4 : vector<2000x1xf32>
    %add3A_5 = arith.constant 1.000000e+00 : f32
    %add3A_6 = vector.broadcast %add3A_5 : f32 to vector<2000x1xf32>
    %add3A_7 = arith.addf %add3A, %add3A_6 : vector<2000x1xf32>
    %rsqrt3A = math.rsqrt %add3A_7 : vector<2000x1xf32>
    %get3A_8 = arith.constant 0 : index
    %get3A_9 = arith.constant 0 : index
    %get3A_10 = arith.constant 0 : index
    %get3A_11 = vector.load %arg1[%get3A_8, %get3A_9, %get3A_10] : memref<2x2000x128xf32, #tpu.memory_space<vmem>>, vector<1x2000x128xf32>
    %get3A_12 = vector.shape_cast %get3A_11 : vector<1x2000x128xf32> to vector<2000x128xf32>
    %get3A_13 = arith.constant 1 : index
    %get3A_14 = arith.constant 0 : index
    %get3A_15 = arith.constant 0 : index
    %get3A_16 = vector.load %arg1[%get3A_13, %get3A_14, %get3A_15] : memref<2x2000x128xf32, #tpu.memory_space<vmem>>, vector<1x2000x128xf32>
    %get3A_17 = vector.shape_cast %get3A_16 : vector<1x2000x128xf32> to vector<2000x128xf32>
    %add3A_18 = arith.addf %get3A_12, %get3A_17 : vector<2000x128xf32>
    %get3A_19 = arith.constant 0 : index
    %get3A_20 = arith.constant 0 : index
    %get3A_21 = vector.load %arg3[%get3A_19, %get3A_20] : memref<2000x128xf32, #tpu.memory_space<vmem>>, vector<2000x128xf32>
    %add3A_22 = arith.addf %add3A_18, %get3A_21 : vector<2000x128xf32>
    %mul3A = vector.broadcast %rsqrt3A : vector<2000x1xf32> to vector<2000x128xf32>
    %mul3A_23 = arith.mulf %mul3A, %add3A_22 : vector<2000x128xf32>
    %get3A_24 = arith.constant 0 : index
    %get3A_25 = arith.constant 0 : index
    %get3A_26 = vector.load %arg4[%get3A_24, %get3A_25] : memref<1x128xf32, #tpu.memory_space<vmem>>, vector<1x128xf32>
    %add3A_27 = vector.broadcast %get3A_26 : vector<1x128xf32> to vector<2000x128xf32>
    %add3A_28 = arith.addf %mul3A_23, %add3A_27 : vector<2000x128xf32>
    %swap3A = arith.constant 0 : index
    %swap3A_29 = arith.constant 0 : index
    %swap3A_30 = vector.load %arg5[%swap3A, %swap3A_29] : memref<2000x128xf32, #tpu.memory_space<vmem>>, vector<2000x128xf32>
    tpu.vector_store %arg5[%swap3A, %swap3A_29], %add3A_28 {strides = array<i32>} : memref<2000x128xf32, #tpu.memory_space<vmem>>, vector<2000x128xf32>,
    return
  }
  func.func @transform_0(%arg0: i32) -> (i32, i32, i32) {
    %c0_i32 = arith.constant 0 : i32
    %c0_i32_0 = arith.constant 0 : i32
    %c0_i32_1 = arith.constant 0 : i32
    return %c0_i32, %arg0, %c0_i32_0 : i32, i32, i32
  }
  func.func @transform_1(%arg0: i32) -> (i32, i32) {
    %c0_i32 = arith.constant 0 : i32
    %c0_i32_0 = arith.constant 0 : i32
    return %arg0, %c0_i32 : i32, i32
  }
  func.func @transform_2(%arg0: i32) -> (i32, i32) {
    %c0_i32 = arith.constant 0 : i32
    %c0_i32_0 = arith.constant 0 : i32
    return %arg0, %c0_i32 : i32, i32
  }
  func.func @transform_3(%arg0: i32) -> (i32, i32) {
    %c0_i32 = arith.constant 0 : i32
    %c0_i32_0 = arith.constant 0 : i32
    %c0_i32_1 = arith.constant 0 : i32
    return %c0_i32, %c0_i32_0 : i32, i32
  }
  func.func @transform_4(%arg0: i32) -> (i32, i32) {
    %c0_i32 = arith.constant 0 : i32
    %c0_i32_0 = arith.constant 0 : i32
    return %arg0, %c0_i32 : i32, i32
  }
}

module attributes {stable_mosaic.version = 14 : i64} {
  func.func @_tc1_body(%arg0: i32, %arg1: memref<2000x128xf32, #tpu.memory_space<vmem>>, %arg2: memref<128x128xf32, #tpu.memory_space<vmem>>, %arg3: memref<2000x2xf32, #tpu.memory_space<vmem>>, %arg4: memref<2000x128xf32, #tpu.memory_space<vmem>>) attributes {dimension_semantics = [#tpu.dimension_semantics<arbitrary>], iteration_bounds = array<i64: 5>, scalar_prefetch = 0 : i64, scratch_operands = 0 : i64, tpu.core_type = #tpu.core_type<tc>, window_params = [{transform_indices = @transform_0, window_bounds = array<i64: 2000, 128>}, {pipeline_mode = #tpu.pipeline_mode<synchronous>, transform_indices = @transform_1, window_bounds = array<i64: 128, 128>}, {transform_indices = @transform_2, window_bounds = array<i64: 2000, 2>}, {transform_indices = @transform_3, window_bounds = array<i64: 2000, 128>}]} {
    %get3A = arith.constant 0 : index
    %get3A_0 = arith.constant 0 : index
    %get3A_1 = vector.load %arg1[%get3A, %get3A_0] : memref<2000x128xf32, #tpu.memory_space<vmem>>, vector<2000x128xf32>
    %get3A_2 = arith.constant 0 : index
    %get3A_3 = arith.constant 0 : index
    %get3A_4 = vector.load %arg3[%get3A_2, %get3A_3] : memref<2000x2xf32, #tpu.memory_space<vmem>>, vector<2000x1xf32>
    %get3A_5 = arith.constant 0 : index
    %get3A_6 = arith.constant 1 : index
    %get3A_7 = vector.load %arg3[%get3A_5, %get3A_6] : memref<2000x2xf32, #tpu.memory_space<vmem>>, vector<2000x1xf32>
    %add3A = arith.addf %get3A_4, %get3A_7 : vector<2000x1xf32>
    %add3A_8 = arith.constant 1.000000e+00 : f32
    %add3A_9 = vector.broadcast %add3A_8 : f32 to vector<2000x1xf32>
    %add3A_10 = arith.addf %add3A, %add3A_9 : vector<2000x1xf32>
    %rsqrt3A = math.rsqrt %add3A_10 : vector<2000x1xf32>
    %mul3A = vector.broadcast %rsqrt3A : vector<2000x1xf32> to vector<2000x128xf32>
    %mul3A_11 = arith.mulf %get3A_1, %mul3A : vector<2000x128xf32>
    %get3A_12 = arith.constant 0 : index
    %get3A_13 = arith.constant 0 : index
    %get3A_14 = vector.load %arg2[%get3A_12, %get3A_13] : memref<128x128xf32, #tpu.memory_space<vmem>>, vector<128x128xf32>
    %dot_general3A = arith.constant dense<0.000000e+00> : vector<2000x128xf32>
    %dot_general3A_15 = tpu.matmul %mul3A_11, %get3A_14, %dot_general3A {dimension_numbers = #tpu.dot_dimension_numbers<[1], [0], [0], [1], [0, 0, 1, 1], [], []>, transpose_lhs_hint = false} : vector<2000x128xf32>, vector<128x128xf32>, vector<2000x128xf32> -> vector<2000x128xf32>
    %swap3A = arith.constant 0 : index
    %swap3A_16 = arith.constant 0 : index
    %swap3A_17 = vector.load %arg4[%swap3A, %swap3A_16] : memref<2000x128xf32, #tpu.memory_space<vmem>>, vector<2000x128xf32>
    tpu.vector_store %arg4[%swap3A, %swap3A_16], %dot_general3A_15 {strides = array<i32>} : memref<2000x128xf32, #tpu.memory_space<vmem>>, vector<2000x128xf32>,
    return
  }
  func.func @transform_0(%arg0: i32) -> (i32, i32) {
    %c0_i32 = arith.constant 0 : i32
    %c0_i32_0 = arith.constant 0 : i32
    return %arg0, %c0_i32 : i32, i32
  }
  func.func @transform_1(%arg0: i32) -> (i32, i32) {
    %c0_i32 = arith.constant 0 : i32
    %c0_i32_0 = arith.constant 0 : i32
    %c0_i32_1 = arith.constant 0 : i32
    return %c0_i32, %c0_i32_0 : i32, i32
  }
  func.func @transform_2(%arg0: i32) -> (i32, i32) {
    %c0_i32 = arith.constant 0 : i32
    %c0_i32_0 = arith.constant 0 : i32
    return %arg0, %c0_i32 : i32, i32
  }
  func.func @transform_3(%arg0: i32) -> (i32, i32) {
    %c0_i32 = arith.constant 0 : i32
    %c0_i32_0 = arith.constant 0 : i32
    return %arg0, %c0_i32 : i32, i32
  }
}

module attributes {stable_mosaic.version = 14 : i64} {
  func.func @_tc2_body(%arg0: i32, %arg1: memref<2x2000x128xf32, #tpu.memory_space<vmem>>, %arg2: memref<2000x2xf32, #tpu.memory_space<vmem>>, %arg3: memref<2000x128xf32, #tpu.memory_space<vmem>>, %arg4: memref<128x128xf32, #tpu.memory_space<vmem>>, %arg5: memref<1x128xf32, #tpu.memory_space<vmem>>, %arg6: memref<2000x128xf32, #tpu.memory_space<vmem>>) attributes {dimension_semantics = [#tpu.dimension_semantics<arbitrary>], iteration_bounds = array<i64: 5>, scalar_prefetch = 0 : i64, scratch_operands = 0 : i64, tpu.core_type = #tpu.core_type<tc>, window_params = [{transform_indices = @transform_0, window_bounds = array<i64: 2, 2000, 128>}, {transform_indices = @transform_1, window_bounds = array<i64: 2000, 2>}, {transform_indices = @transform_2, window_bounds = array<i64: 2000, 128>}, {pipeline_mode = #tpu.pipeline_mode<synchronous>, transform_indices = @transform_3, window_bounds = array<i64: 128, 128>}, {pipeline_mode = #tpu.pipeline_mode<synchronous>, transform_indices = @transform_4, window_bounds = array<i64: 1, 128>}, {transform_indices = @transform_5, window_bounds = array<i64: 2000, 128>}]} {
    %get3A = arith.constant 0 : index
    %get3A_0 = arith.constant 0 : index
    %get3A_1 = vector.load %arg2[%get3A, %get3A_0] : memref<2000x2xf32, #tpu.memory_space<vmem>>, vector<2000x1xf32>
    %get3A_2 = arith.constant 0 : index
    %get3A_3 = arith.constant 1 : index
    %get3A_4 = vector.load %arg2[%get3A_2, %get3A_3] : memref<2000x2xf32, #tpu.memory_space<vmem>>, vector<2000x1xf32>
    %add3A = arith.addf %get3A_1, %get3A_4 : vector<2000x1xf32>
    %add3A_5 = arith.constant 1.000000e+00 : f32
    %add3A_6 = vector.broadcast %add3A_5 : f32 to vector<2000x1xf32>
    %add3A_7 = arith.addf %add3A, %add3A_6 : vector<2000x1xf32>
    %rsqrt3A = math.rsqrt %add3A_7 : vector<2000x1xf32>
    %get3A_8 = arith.constant 0 : index
    %get3A_9 = arith.constant 0 : index
    %get3A_10 = arith.constant 0 : index
    %get3A_11 = vector.load %arg1[%get3A_8, %get3A_9, %get3A_10] : memref<2x2000x128xf32, #tpu.memory_space<vmem>>, vector<1x2000x128xf32>
    %get3A_12 = vector.shape_cast %get3A_11 : vector<1x2000x128xf32> to vector<2000x128xf32>
    %get3A_13 = arith.constant 1 : index
    %get3A_14 = arith.constant 0 : index
    %get3A_15 = arith.constant 0 : index
    %get3A_16 = vector.load %arg1[%get3A_13, %get3A_14, %get3A_15] : memref<2x2000x128xf32, #tpu.memory_space<vmem>>, vector<1x2000x128xf32>
    %get3A_17 = vector.shape_cast %get3A_16 : vector<1x2000x128xf32> to vector<2000x128xf32>
    %add3A_18 = arith.addf %get3A_12, %get3A_17 : vector<2000x128xf32>
    %get3A_19 = arith.constant 0 : index
    %get3A_20 = arith.constant 0 : index
    %get3A_21 = vector.load %arg3[%get3A_19, %get3A_20] : memref<2000x128xf32, #tpu.memory_space<vmem>>, vector<2000x128xf32>
    %add3A_22 = arith.addf %add3A_18, %get3A_21 : vector<2000x128xf32>
    %mul3A = vector.broadcast %rsqrt3A : vector<2000x1xf32> to vector<2000x128xf32>
    %mul3A_23 = arith.mulf %mul3A, %add3A_22 : vector<2000x128xf32>
    %get3A_24 = arith.constant 0 : index
    %get3A_25 = arith.constant 0 : index
    %get3A_26 = vector.load %arg5[%get3A_24, %get3A_25] : memref<1x128xf32, #tpu.memory_space<vmem>>, vector<1x128xf32>
    %add3A_27 = vector.broadcast %get3A_26 : vector<1x128xf32> to vector<2000x128xf32>
    %add3A_28 = arith.addf %mul3A_23, %add3A_27 : vector<2000x128xf32>
    %max3A = arith.constant 0.000000e+00 : f32
    %max3A_29 = vector.broadcast %max3A : f32 to vector<2000x128xf32>
    %max3A_30 = arith.maximumf %add3A_28, %max3A_29 : vector<2000x128xf32>
    %mul3A_31 = vector.broadcast %rsqrt3A : vector<2000x1xf32> to vector<2000x128xf32>
    %mul3A_32 = arith.mulf %max3A_30, %mul3A_31 : vector<2000x128xf32>
    %get3A_33 = arith.constant 0 : index
    %get3A_34 = arith.constant 0 : index
    %get3A_35 = vector.load %arg4[%get3A_33, %get3A_34] : memref<128x128xf32, #tpu.memory_space<vmem>>, vector<128x128xf32>
    %dot_general3A = arith.constant dense<0.000000e+00> : vector<2000x128xf32>
    %dot_general3A_36 = tpu.matmul %mul3A_32, %get3A_35, %dot_general3A {dimension_numbers = #tpu.dot_dimension_numbers<[1], [0], [0], [1], [0, 0, 1, 1], [], []>, transpose_lhs_hint = false} : vector<2000x128xf32>, vector<128x128xf32>, vector<2000x128xf32> -> vector<2000x128xf32>
    %swap3A = arith.constant 0 : index
    %swap3A_37 = arith.constant 0 : index
    %swap3A_38 = vector.load %arg6[%swap3A, %swap3A_37] : memref<2000x128xf32, #tpu.memory_space<vmem>>, vector<2000x128xf32>
    tpu.vector_store %arg6[%swap3A, %swap3A_37], %dot_general3A_36 {strides = array<i32>} : memref<2000x128xf32, #tpu.memory_space<vmem>>, vector<2000x128xf32>,
    return
  }
  func.func @transform_0(%arg0: i32) -> (i32, i32, i32) {
    %c0_i32 = arith.constant 0 : i32
    %c0_i32_0 = arith.constant 0 : i32
    %c0_i32_1 = arith.constant 0 : i32
    return %c0_i32, %arg0, %c0_i32_0 : i32, i32, i32
  }
  func.func @transform_1(%arg0: i32) -> (i32, i32) {
    %c0_i32 = arith.constant 0 : i32
    %c0_i32_0 = arith.constant 0 : i32
    return %arg0, %c0_i32 : i32, i32
  }
  func.func @transform_2(%arg0: i32) -> (i32, i32) {
    %c0_i32 = arith.constant 0 : i32
    %c0_i32_0 = arith.constant 0 : i32
    return %arg0, %c0_i32 : i32, i32
  }
  func.func @transform_3(%arg0: i32) -> (i32, i32) {
    %c0_i32 = arith.constant 0 : i32
    %c0_i32_0 = arith.constant 0 : i32
    %c0_i32_1 = arith.constant 0 : i32
    return %c0_i32, %c0_i32_0 : i32, i32
  }
  func.func @transform_4(%arg0: i32) -> (i32, i32) {
    %c0_i32 = arith.constant 0 : i32
    %c0_i32_0 = arith.constant 0 : i32
    %c0_i32_1 = arith.constant 0 : i32
    return %c0_i32, %c0_i32_0 : i32, i32
  }
  func.func @transform_5(%arg0: i32) -> (i32, i32) {
    %c0_i32 = arith.constant 0 : i32
    %c0_i32_0 = arith.constant 0 : i32
    return %arg0, %c0_i32 : i32, i32
  }
}

</mosaic_0001>

<sc_bundles>
// kernel: kernel.11.cloned.1.call-start
scs
__scs_entry_jumppad:
0x0: {  	(pc) =	sbr.rel $0x88, $3  }
0x1: {  	(tag) =	ssettag $0x0;
	lr =	simm.s32 $0x1  }
0x2: {  	[smem:$0x3F9B] =	sst lr;
	_ =	strace $0xD0000000  }
0x3: {  	_ = 	snop  }
0x4: {  	_ = 	snop  }
0x5: {  	_ = 	snop  }
0x6: {  	_ = 	snop  }
0x7: {  	_ = 	snop  }
__scs_overlays_trampoline_lowered:
0x8: {  	[smem:$0x3FAA] =	sst s0  }
0x9: {  	[smem:$0x3FAB] =	sst s1  }
0xa: {  	[smem:$0x3FAC] =	sst s2  }
0xb: {  	[smem:$0x3FAD] =	sst s3  }
0xc: {  	[smem:$0x3FAE] =	sst s4  }
0xd: {  	[smem:$0x3FAF] =	sst s5  }
0xe: {  	[smem:$0x3FB0] =	sst s6  }
0xf: {  	[smem:$0x3FB1] =	sst s7  }
0x10: {  	[smem:$0x3FB2] =	sst s8  }
0x11: {  	[smem:$0x3FB3] =	sst s9;
	s0 =	simm.s32 @!p0 $0x0  }
0x12: {  	s1 =	sld [smem:$0x3F99];
	s0 =	simm.s32 @p0 $0x1  }
0x13: {  	[smem:$0x3FB4] =	sst s0;
	s0 =	simm.s32 @!p1 $0x0  }
0x14: {  	s2 =	sld [smem:$0x3F98];
	s0 =	simm.s32 @p1 $0x1  }
0x15: {  	[smem:$0x3FB5] =	sst s0;
	s0 =	simm.s32 @!p2 $0x0  }
0x16: {  	s3 =	sld [smem:$0x3FDB];
	s0 =	simm.s32 @p2 $0x1  }
0x17: {  	s4 =	simm.s32 $0x1BF5;
	[smem:$0x3FB7] =	sst s0  }
0x18: {  	s0 =	sld [smem:$0x3F9A];
	_ =	swait.ge [sflag:s4], $0x0  }
0x19: {  	s7 =	sld [smem:$0x3F9B]  }
0x1a: {  	s8 =	sadd.s32 $0xFFFFE003, lr  }
0x1b: {  	s9 =	sadd.s32 $0xFFFFFEF7, lr;
	s5 =	simm.s32 $0xFFFFFFFF;
	p2 =	slt.u32 s8, $0xFFFFF086  }
0x1c: {  	p1 =	slt.u32 s9, $0xF7A;
	s5 =	simm.s32 @!p2 $0x0  }
0x1d: {  	s5 =	simm.s32 @p1 $0x1;
	p0 =	seq.s32 s7, s2  }
0x1e: {  	s7 =	smul.u32 @!p0 $0xF7A, s2;
	p2 =	seq.s32 @!p0 s5, $0x0  }
0x1f: {  	s9 =	smul.u32 $0xF7A, s1;
	s8 =	simm.s32 @!p0 $0x1BF5;
	p2 =	por !p2, p0  }
0x20: {  	[sflag:s8] =	ssyncset.s32 @!p0 $0xFFFFF086;
	s6 =	sadd.s32 @!p0 s3, s7;
	s7 =	simm.s32 @!p0 $0x108  }
0x21: {  	s3 =	sadd.s32 s3, s9;
	s6 =	sadd.s32 @!p0 $0x88, s6;
	s7 =	simm.s32 @p2 $0x1082  }
0x22: {  	[simem:s7], [sflag:s8] =	dma.local @!p0 [hbm:s6], $0xF7A  }
0x23: {  	s9 =	sor.u32 $0xD0000000, s2;
	s6 =	simm.s32 $0x108;
	_ =	swait.ge @!p0 [sflag:s8], $0x0  }
0x24: {  	s3 =	sadd.s32 $0x88, s3;
	s6 =	simm.s32 @!p1 $0x1082;
	[sflag:s4] =	ssyncset.s32 $0xFFFFF086  }
0x25: {  	[simem:s6], [sflag:s4] =	dma.local [hbm:s3], $0xF7A  }
0x26: {  	[smem:$0x3F9B] =	sst s1;
	(tag) =	ssettag s2;
	_ =	strace s9  }
0x27: {  	s1 =	sld [smem:$0x3FAB]  }
0x28: {  	s2 =	sld [smem:$0x3FAC]  }
0x29: {  	s4 =	sld [smem:$0x3FAE]  }
0x2a: {  	p0 =	seq.s32 s5, $0x0;
	s5 =	sld [smem:$0x3FAF]  }
0x2b: {  	s6 =	sld [smem:$0x3FB0]  }
0x2c: {  	s7 =	sld [smem:$0x3FB1]  }
0x2d: {  	s3 =	simm.s32 $0x108;
	s8 =	sld [smem:$0x3FB2]  }
0x2e: {  	s3 =	simm.s32 @!p0 $0x1082;
	s9 =	sld [smem:$0x3FB3]  }
0x2f: {  	lr =	sadd.s32 s0, s3;
	s0 =	sld [smem:$0x3FAA]  }
0x30: {  	s3 =	sld [smem:$0x3FAD]  }
0x31: {  	[smem:$0x3FB6] =	sst s10  }
0x32: {  	s10 =	sld [smem:$0x3FB4];
	_ =	sdelay $0x3  }
0x33: {  	p0 =	seq.s32 s10, $0x1;
	s10 =	sld [smem:$0x3FB6];
	_ =	sdelay $0x3  }
0x34: {  	[smem:$0x3FB6] =	sst s10  }
0x35: {  	s10 =	sld [smem:$0x3FB5];
	_ =	sdelay $0x3  }
0x36: {  	p1 =	seq.s32 s10, $0x1;
	s10 =	sld [smem:$0x3FB6];
	_ =	sdelay $0x3  }
0x37: {  	[smem:$0x3FB6] =	sst s10  }
0x38: {  	s10 =	sld [smem:$0x3FB7]  }
0x39: {  	_ = 	snop;
	(pc) =	sbr.ind lr, $3  }
0x3a: {  	_ = 	snop  }
0x3b: {  	_ = 	snop  }
0x3c: {  	p2 =	seq.s32 s10, $0x1;
	s10 =	sld [smem:$0x3FB6]  }
0x3d: {  	_ =	shalt  }
0x3e: {  	_ =	shalt  }
0x3f: {  	_ =	shalt  }
0x40: {  	_ =	shalt  }
0x41: {  	_ =	shalt  }
0x42: {  	_ =	shalt  }
0x43: {  	_ =	shalt  }
0x44: {  	_ =	shalt  }
0x45: {  	_ =	shalt  }
0x46: {  	_ =	shalt  }
0x47: {  	_ =	shalt  }
0x48: {  	_ =	shalt  }
0x49: {  	_ =	shalt  }
0x4a: {  	_ =	shalt  }
0x4b: {  	_ =	shalt  }
0x4c: {  	_ =	shalt  }
0x4d: {  	_ =	shalt  }
0x4e: {  	_ =	shalt  }
0x4f: {  	_ =	shalt  }
0x50: {  	_ =	shalt  }
0x51: {  	_ =	shalt  }
0x52: {  	_ =	shalt  }
0x53: {  	_ =	shalt  }
0x54: {  	_ =	shalt  }
0x55: {  	_ =	shalt  }
0x56: {  	_ =	shalt  }
0x57: {  	_ =	shalt  }
0x58: {  	_ =	shalt  }
0x59: {  	_ =	shalt  }
0x5a: {  	_ =	shalt  }
0x5b: {  	_ =	shalt  }
0x5c: {  	_ =	shalt  }
0x5d: {  	_ =	shalt  }
0x5e: {  	_ =	shalt  }
0x5f: {  	_ =	shalt  }
0x60: {  	_ =	shalt  }
0x61: {  	_ =	shalt  }
0x62: {  	_ =	shalt  }
0x63: {  	_ =	shalt  }
0x64: {  	_ =	shalt  }
0x65: {  	_ =	shalt  }
0x66: {  	_ =	shalt  }
0x67: {  	_ =	shalt  }
0x68: {  	_ =	shalt  }
0x69: {  	_ =	shalt  }
0x6a: {  	_ =	shalt  }
0x6b: {  	_ =	shalt  }
0x6c: {  	_ =	shalt  }
0x6d: {  	_ =	shalt  }
0x6e: {  	_ =	shalt  }
0x6f: {  	_ =	shalt  }
0x70: {  	_ =	shalt  }
0x71: {  	_ =	shalt  }
0x72: {  	_ =	shalt  }
0x73: {  	_ =	shalt  }
0x74: {  	_ =	shalt  }
0x75: {  	_ =	shalt  }
0x76: {  	_ =	shalt  }
0x77: {  	_ =	shalt  }
0x78: {  	_ =	shalt  }
0x79: {  	_ =	shalt  }
0x7a: {  	_ =	shalt  }
0x7b: {  	_ =	shalt  }
0x7c: {  	_ =	shalt  }
0x7d: {  	_ =	shalt  }
0x7e: {  	_ =	shalt  }
0x7f: {  	_ =	shalt  }
0x80: {  	_ =	shalt  }
0x81: {  	_ =	shalt  }
0x82: {  	_ =	shalt  }
0x83: {  	_ =	shalt  }
0x84: {  	_ =	shalt  }
0x85: {  	_ =	shalt  }
0x86: {  	_ =	shalt  }
0x87: {  	_ =	shalt  }
.Lfunc_end0:
.L_simem_size_0:
called_computation.1_lowered:
.L_overlay_start_0:
0x88: {  	s2 =	sld [smem:$0x3FD9]  }
0x89: {  	s3 =	sld [smem:$0x3FFE];
	_ =	sdelay $0x1  }
0x8a: {  	s1 =	srdreg.scid  }
0x8b: {  	s0 =	sand.u32 $0x1, s1  }
0x8c: {  	s17 =	sshll.u32 s0, $0xA;
	s2 =	sadd.s32 s3, s2  }
0x8d: {  	s2 =	sadd.s32 s2, s17  }
0x8e: {  	[smem:$0x3FC2] =	sst s2  }
0x8f: {  	_ = 	snop  }
0x90: {  	s2 =	sld [smem:$0x3FC8];
	(tm) =	ssettm $0x1  }
0x91: {  	s18 =	sld [smem:$0x3FFB];
	_ =	sdelay $0x3  }
0x92: {  	_ =	strace s18  }
0x93: {  	s3 =	sld [smem:$0x3FFC];
	_ =	sdelay $0x3  }
0x94: {  	_ =	strace s3  }
0x95: {  	s3 =	sld [smem:$0x3FFD];
	_ =	sdelay $0x3  }
0x96: {  	_ =	strace s3  }
0x97: {  	_ =	strace $0x8FFFFFFF  }
0x98: {  	s19 =	sld [smem:$0x3FDB];
	_ =	sdelay $0x1  }
0x99: {  	s4 =	simm.s32 $_scs_section_size  }
0x9a: {  	s5 =	simm.s32 $_size__tile_overlayer_lowered;
	s6 =	simm.s32 $_tile_overlayer_lowered  }
0x9b: {  	s22 =	simm.s32 $0x1BFF;
	s21 =	sshll.u32 s6, $0x1;
	s3 =	sadd.s32 s4, s19  }
0x9c: {  	s7 =	simm.s32 $0x0;
	s20 =	sshll.u32 s5, $0x1;
	s5 =	sadd.s32 s21, s3  }
0x9d: {  	[timem:s7], [sflag:s22] =	dma.local [hbm:s5], s20  }
0x9e: {  	_ =	swait.ge [sflag:s22], s20  }
0x9f: {  	s4 =	ssub.s32 $0x0, s20;
	[sflag:s22] =	ssyncset.done $0x0  }
0xa0: {  	[sflag:s22] =	ssyncadd.s32 s4;
	_ =	sdelay $0x1  }
0xa1: {  	s23 =	simm.s32 $0x1B8B  }
0xa2: {  	_ =	swait.ge [sflag:s23], $0x1  }
0xa3: {  	[sflag:s23] =	ssyncset.done $0x0  }
0xa4: {  	s25 =	simm.s32 $0x1B8E;
	s24 =	sld [smem:$0x3FFE];
	[sflag:s23] =	ssyncadd.s32 $0xFFFFFFFF  }
0xa5: {  	s26 =	simm.s32 $execute0_lowered;
	[smem:$0x3FD2] =	sst s25  }
0xa6: {  	s5 =	sshll.u32 s26, $0x1;
	_ =	strace $0x80000049;
	[dreg:$0x1] =	wrdreg $0xFFFFFFFF  }
0xa7: {  	s28 =	simm.s32 $_size_execute0_lowered;
	s3 =	sadd.s32 s3, s5;
	[dreg:$0x0] =	wrdreg $0x0  }
0xa8: {  	s5 =	sshll.u32 s28, $0x1;
	[dreg:$0x2] =	wrdreg s3  }
0xa9: {  	[dreg:$0x3] =	wrdreg s5  }
0xaa: {  	[dreg:$0x4] =	wrdreg $0xC0  }
0xab: {  	_ =	task [dreg:s7], $0x5FFFF  }
0xac: {  	[dreg:$0x1] =	wrdreg $0xFFFFFFFF  }
0xad: {  	[dreg:$0x0] =	wrdreg $0x60  }
0xae: {  	[dreg:$0x2] =	wrdreg s24  }
0xaf: {  	[dreg:$0x3] =	wrdreg s2  }
0xb0: {  	[dreg:$0x4] =	wrdreg $0xA8000  }
0xb1: {  	[dreg:$0x5] =	wrdreg $0x9  }
0xb2: {  	_ =	task.clear_ibuf [dreg:s7], $0x6FFFF;
	_ =	strace $0x90000049  }
0xb3: {  	s29 =	simm.s32 $0x9;
	_ =	strace $0x8000004B  }
0xb4: {  	_ =	swait.ge [sflag:s29], $0x1  }
0xb5: {  	[sflag:s29] =	ssyncadd.s32 $0xFFFFFFFF  }
0xb6: {  	_ =	strace $0x9000004B  }
0xb7: {  	_ =	sfence  }
0xb8: {  	s30 =	sld [smem:$0x0];
	_ =	sdelay $0x2  }
0xb9: {  	s31 =	sshll.u32 s1, $0xD;
	s1 =	sshrl.u32 s1, $0x2  }
0xba: {  	s3 =	sand.u32 $0x4000, s31;
	s1 =	sadd.s32 s1, s30  }
0xbb: {  	s0 =	sor.u32 s3, s0;
	s1 =	sshll.u32 s1, $0x11  }
0xbc: {  	s0 =	sor.u32 s1, s0  }
0xbd: {  	s0 =	sadd.s32 $0x8F2B, s0  }
0xbe: {  	[sflag:s0] =	ssyncadd.remote.s32 $0x1  }
0xbf: {  	_ =	sfence.sel $0xFFFF  }
0xc0: {  	[dreg:$0x0] =	wrdreg $0xFFFFFFFF;
	(pc) =	sbr.abs _section_cstart, $3  }
0xc1: {  	[dreg:$0x1] =	wrdreg $0xFFFFFFFF  }
0xc2: {  	_ =	task.clear_ibuf [dreg:s7], $0x2FFFF;
	_ =	strace $0x9FFFFFFF  }
0xc3: {  	(tm) =	ssettm $0x7FFFFFFF  }
tec
execute0_lowered:
.L_overlay_start_1:
0x0: {  	(tag) =	ssettag $0x1  }
0x1: {  	s1 =	rddreg [dreg:$0x0]  }
0x2: {  	s0 =	srdreg.scid;
	s14 =	rddreg [dreg:$0x1]  }
0x3: {  	s29 =	stileid.u32;
	s2 =	rddreg [dreg:$0x2];
	s3 =	simm.s32 $0x0  }
0x4: {  	s12 =	simm.s32 $0x0;
	s19 =	simm.s32 $0x2800;
	s20 =	simm.s32 $0x3  }
0x5: {  	s21 =	simm.s32 $0x80;
	s22 =	simm.s32 $0x100;
	s23 =	simm.s32 $0x6800  }
0x6: {  	s24 =	simm.s32 $0x1;
	s25 =	simm.s32 $0x2;
	s6 =	smul.u32 $0x14000, s29  }
0x7: {  	s26 =	simm.s32 $0x0;
	s5 =	sand.u32 $0x1, s0;
	s7 =	smul.u32 $0x50000, s29  }
0x8: {  	[smem:$0x7FF] =	sst s3;
	s4 =	smul.u32 $0x140000, s5;
	s30 =	ssub.s32 $0x2, s5  }
0x9: {  	_ =	strace $0x8000004A;
	s5 =	sshll.u32 s5, $0x4;
	s8 =	sshrl.u32 s30, $0x1  }
0xa: {  	s7 =	sshrl.u32 s7, $0x2;
	s9 =	sor.u32 s29, s5;
	s4 =	sadd.s32 s6, s4  }
0xb: {  	s17 =	ssub.s32 s30, s8;
	s5 =	sadd.s32 s7, s2;
	s11 =	smul.u32 $0xA00, s9  }
0xc: {  	p0 =	seq.s32 s9, $0x1F;
	s8 =	simm.s32 $0x14;
	s13 =	smul.u32 $0x5000, s9  }
0xd: {  	s6 =	sshrl.u32 s4, $0x3;
	s4 =	sadd.s32 $0x2600, s1;
	s7 =	sadd.s32 $0x8000, s5  }
0xe: {  	s9 =	sadd.s32 $0xC000, s5;
	s10 =	sadd.s32 $0x10000, s5;
	s8 =	simm.s32 @!p0 $0x28  }
.Ltmp0:
0xf: {  	s12 =	simm.s32 @!p0 $0x28;
	s17 =	smax.u32 s17, $0x1;
	(pc) =	sbr.rel .LBB2_1-.Ltmp0, $4  }
0x10: {  	s1 =	sadd.s32 s6, s1;
	s6 =	sadd.s32 $0x4000, s5;
	s11 =	sadd.s32 s14, s11  }
0x11: {  	s15 =	sshrl.u32 s13, $0x3;
	s13 =	sadd.s32 $0x13600, s14;
	s18 =	sshrl.u32 s12, $0x1  }
0x12: {  	s15 =	sadd.s32 s14, s15;
	s14 =	sshrl.u32 s8, $0x1;
	s31 =	smax.u32 s18, $0x1  }
0x13: {  	v0 =	vimm.f32 $0.0e+00;
	s16 =	sadd.s32 $0x2A600, s1;
	s15 =	sadd.s32 $0x500, s15;
	s18 =	sshll.u32 s31, $0x1  }
.LBB2_8:
0x14: {  	[sflag:s20] =	ssyncadd.s32 $0xFFFFC000;
	s0 =	simm.s32 @!p2 $0x80  }
0x15: {  	[tilespmem:s31], [sflag:$0x2] =	stream.indirect.gather @!p2 [hbm4b:s4+s0], $0x80, s30, s0, $0xb8;
	[tilespmem:$0x1E800] =	vst v63  }
.LBB2_9:
0x16: {  	s0 =	stileid.u32;
	s26 =	sadd.s32 $0x1, s26  }
0x17: {  	[bflag:$0x0] =	sbarrier.arrive $0xFFFF;
	s0 =	sshll.u32 s0, $0x6;
	p1 =	sne.s32 s26, s17  }
.Ltmp1:
0x18: {  	s1 =	sshrl.u32 s5, $0x3;
	s0 =	sor.u32 $0x1C03, s0;
	(pc) =	sbr.rel @!p1 .LBB2_10-.Ltmp1, $4  }
0x19: {  	[hbm:s16], [sflag:s0] =	dma.local [spmem:s1], $0x2800  }
0x1a: {  	_ =	swait.ge [sflag:s20], $0x2800  }
0x1b: {  	[sflag:s20] =	ssyncset.done $0x0  }
0x1c: {  	[sflag:s20] =	ssyncadd.s32 $0xFFFFD800  }
.LBB2_1:
0x1d: {  	s28 =	simm.s32 $0x0;
	s29 =	simm.s32 $0x200  }
.LBB2_2:
0x1e: {  	p1 =	sne.s32 s29, $0xFE00;
	[tilespmem:s28+$0x2870] =	vst v0  }
0x1f: {  	[tilespmem:s28+$0x2800] =	vst v0  }
0x20: {  	[tilespmem:s28+$0x2810] =	vst v0  }
.Ltmp2:
0x21: {  	[tilespmem:s28+$0x2820] =	vst v0;
	(pc) =	sbr.rel @p1 .LBB2_2-.Ltmp2, $4  }
0x22: {  	[tilespmem:s28+$0x2830] =	vst v0  }
0x23: {  	[tilespmem:s28+$0x2840] =	vst v0  }
0x24: {  	[tilespmem:s28+$0x2850] =	vst v0  }
0x25: {  	[tilespmem:s28+$0x2860] =	vst v0;
	s28 =	sshra.s32 s29, $0x2;
	s29 =	sadd.s32 $0x200, s29  }
0x26: {  	[tilespmem:s28+$0x2870] =	vst v0  }
0x27: {  	[tilespmem:s28+$0x2800] =	vst v0  }
0x28: {  	[tilespmem:s28+$0x2810] =	vst v0  }
0x29: {  	[tilespmem:s28+$0x2820] =	vst v0  }
0x2a: {  	[tilespmem:s28+$0x2830] =	vst v0  }
0x2b: {  	[tilespmem:s28+$0x2840] =	vst v0  }
0x2c: {  	[tilespmem:s28+$0x2850] =	vst v0  }
0x2d: {  	[tilespmem:s28+$0x2860] =	vst v0  }
0x2e: {  	[spmem:s5] =	stream.linear.scatter [tilespmem:s19], [sflag:$0x3], $0x4000, $0x38;
	[tilespmem:$0x1E800] =	vst v63  }
0x2f: {  	_ =	swait.ge [sflag:s20], $0x4000  }
0x30: {  	[sflag:s20] =	ssyncset.done $0x0  }
0x31: {  	[sflag:s20] =	ssyncadd.s32 $0xFFFFC000  }
0x32: {  	[spmem:s6] =	stream.linear.scatter [tilespmem:s19], [sflag:$0x3], $0x4000, $0x38;
	[tilespmem:$0x1E800] =	vst v63  }
0x33: {  	_ =	swait.ge [sflag:s20], $0x4000  }
0x34: {  	[sflag:s20] =	ssyncset.done $0x0  }
0x35: {  	[sflag:s20] =	ssyncadd.s32 $0xFFFFC000  }
0x36: {  	[spmem:s7] =	stream.linear.scatter [tilespmem:s19], [sflag:$0x3], $0x4000, $0x38;
	[tilespmem:$0x1E800] =	vst v63  }
0x37: {  	_ =	swait.ge [sflag:s20], $0x4000  }
0x38: {  	[sflag:s20] =	ssyncset.done $0x0  }
0x39: {  	[sflag:s20] =	ssyncadd.s32 $0xFFFFC000  }
0x3a: {  	[spmem:s9] =	stream.linear.scatter [tilespmem:s19], [sflag:$0x3], $0x4000, $0x38;
	[tilespmem:$0x1E800] =	vst v63  }
0x3b: {  	_ =	swait.ge [sflag:s20], $0x4000  }
0x3c: {  	[sflag:s20] =	ssyncset.done $0x0  }
0x3d: {  	[sflag:s20] =	ssyncadd.s32 $0xFFFFC000  }
0x3e: {  	[spmem:s10] =	stream.linear.scatter [tilespmem:s19], [sflag:$0x3], $0x4000, $0x38;
	[tilespmem:$0x1E800] =	vst v63  }
0x3f: {  	_ =	swait.ge [sflag:s20], $0x4000  }
0x40: {  	[sflag:s20] =	ssyncset.done $0x0  }
0x41: {  	[sflag:s20] =	ssyncadd.s32 $0xFFFFC000  }
0x42: {  	s1 =	simm.s32 @p0 $0x0;
	[bflag:$0x0] =	sbarrier.arrive $0xFFFF  }
0x43: {  	[tilespmem:s1], [sflag:$0x3] =	stream.linear.gather @p0 [hbm4b:s13+s1], $0x1400, $0x38;
	[tilespmem:$0x1E800] =	vst v63  }
0x44: {  	s1 =	simm.s32 @p0 $0x3  }
0x45: {  	_ =	swait.ge @p0 [sflag:s1], $0x1400  }
0x46: {  	[sflag:s1] =	ssyncset.done @p0 $0x0  }
0x47: {  	[sflag:s1] =	ssyncadd.s32 @p0 $0xFFFFEC00;
	s1 =	simm.s32 @!p0 $0x0  }
0x48: {  	[tilespmem:s1], [sflag:$0x3] =	stream.linear.gather @!p0 [hbm4b:s11+s1], $0x2800, $0x38;
	[tilespmem:$0x1E800] =	vst v63  }
0x49: {  	s1 =	simm.s32 @!p0 $0x3  }
0x4a: {  	_ =	swait.ge @!p0 [sflag:s1], $0x2800  }
0x4b: {  	[sflag:s1] =	ssyncset.done @!p0 $0x0  }
0x4c: {  	s0 =	simm.s32 $0x0;
	[sflag:s1] =	ssyncadd.s32 @!p0 $0xFFFFD800  }
0x4d: {  	[tilespmem:s19], [sflag:$0x1] =	stream.indirect.gather [hbm4b:s4+s21], $0x80, s0, s21, $0xb8;
	[tilespmem:$0x1E800] =	vst v63  }
0x4e: {  	_ = 	snop  }
0x4f: {  	[tilespmem:s23], [sflag:$0x2] =	stream.indirect.gather [hbm4b:s4+s21], $0x80, s22, s21, $0xb8;
	[tilespmem:$0x1E800] =	vst v63  }
0x50: {  	_ =	swait.ge [sflag:s24], $0x4000  }
0x51: {  	[sflag:s24] =	ssyncset.done $0x0  }
0x52: {  	s0 =	simm.s32 $0x80;
	[sflag:s24] =	ssyncadd.s32 $0xFFFFC000  }
0x53: {  	[spmem:s2] =	stream.indirect.scatter.add.f32 [tilespmem:s19], [sflag:$0x3], $0x80, s0, s21, $0xb8;
	[tilespmem:$0x1E800] =	vst v63  }
0x54: {  	p1 =	sle.u32 s8, $0x2;
	_ =	swait.ge [sflag:s20], $0x4000  }
0x55: {  	s28 =	simm.s32 @!p1 $0x80;
	[sflag:s20] =	ssyncset.done $0x0  }
0x56: {  	s29 =	simm.s32 @!p1 $0x2800;
	s1 =	simm.s32 @!p1 $0x200;
	[sflag:s20] =	ssyncadd.s32 $0xFFFFC000  }
0x57: {  	[tilespmem:s29], [sflag:$0x1] =	stream.indirect.gather @!p1 [hbm4b:s4+s28], $0x80, s1, s28, $0xb8;
	[tilespmem:$0x1E800] =	vst v63  }
0x58: {  	s28 =	sadd.s32 $0xFFFFFFFF, s14  }
0x59: {  	_ =	swait.ge [sflag:s25], $0x4000;
	p1 =	sne.s32 s28, $0x0  }
.Ltmp3:
0x5a: {  	[sflag:s25] =	ssyncset.done $0x0;
	(pc) =	sbr.rel @!p1 .LBB2_5-.Ltmp3, $4  }
0x5b: {  	s3 =	simm.s32 $0x180;
	p2 =	sle.u32 s8, $0x3;
	[sflag:s25] =	ssyncadd.s32 $0xFFFFC000  }
0x5c: {  	[spmem:s2] =	stream.indirect.scatter.add.f32 [tilespmem:s23], [sflag:$0x3], $0x80, s3, s21, $0xb8;
	[tilespmem:$0x1E800] =	vst v63  }
0x5d: {  	s30 =	simm.s32 $0x380;
	s31 =	simm.s32 @!p2 $0x300;
	_ =	swait.ge [sflag:s20], $0x4000  }
0x5e: {  	s29 =	simm.s32 $0x4;
	s1 =	simm.s32 @!p2 $0x6800;
	[sflag:s20] =	ssyncset.done $0x0  }
.LBB2_4:
0x5f: {  	s28 =	sadd.s32 $0xFFFFFFFF, s28;
	[sflag:s20] =	ssyncadd.s32 $0xFFFFC000;
	s3 =	simm.s32 @!p2 $0x80  }
0x60: {  	[tilespmem:s1], [sflag:$0x2] =	stream.indirect.gather @!p2 [hbm4b:s4+s3], $0x80, s31, s3, $0xb8;
	[tilespmem:$0x1E800] =	vst v63  }
0x61: {  	p1 =	sne.s32 s28, $0x0;
	s1 =	smov.u32 s30;
	_ =	swait.ge [sflag:s24], $0x4000  }
0x62: {  	s3 =	sadd.s32 $0xFFFFFF00, s30;
	[sflag:s24] =	ssyncset.done $0x0  }
0x63: {  	[sflag:s24] =	ssyncadd.s32 $0xFFFFC000  }
0x64: {  	[spmem:s2] =	stream.indirect.scatter.add.f32 [tilespmem:s19], [sflag:$0x3], $0x80, s3, s21, $0xb8;
	[tilespmem:$0x1E800] =	vst v63  }
0x65: {  	p2 =	sge.u32 s29, s8;
	_ =	swait.ge [sflag:s20], $0x4000  }
0x66: {  	s31 =	simm.s32 @!p2 $0x80;
	s3 =	sadd.s32 @!p2 $0x80, s30;
	[sflag:s20] =	ssyncset.done $0x0  }
0x67: {  	s0 =	simm.s32 @!p2 $0x2800;
	[sflag:s20] =	ssyncadd.s32 $0xFFFFC000  }
0x68: {  	[tilespmem:s0], [sflag:$0x1] =	stream.indirect.gather @!p2 [hbm4b:s4+s31], $0x80, s3, s31, $0xb8;
	[tilespmem:$0x1E800] =	vst v63  }
0x69: {  	_ =	swait.ge [sflag:s25], $0x4000  }
.Ltmp4:
0x6a: {  	[sflag:s25] =	ssyncset.done $0x0;
	(pc) =	sbr.rel @p1 .LBB2_4-.Ltmp4, $4  }
0x6b: {  	s0 =	sadd.s32 $0x1, s29;
	s29 =	sadd.s32 $0x2, s29;
	[sflag:s25] =	ssyncadd.s32 $0xFFFFC000  }
0x6c: {  	[spmem:s2] =	stream.indirect.scatter.add.f32 [tilespmem:s23], [sflag:$0x3], $0x80, s30, s21, $0xb8;
	[tilespmem:$0x1E800] =	vst v63  }
0x6d: {  	p2 =	sge.u32 s0, s8;
	s30 =	sadd.s32 $0x200, s30;
	_ =	swait.ge [sflag:s20], $0x4000  }
0x6e: {  	s31 =	sadd.s32 @!p2 $0x180, s1;
	s1 =	simm.s32 @!p2 $0x6800;
	[sflag:s20] =	ssyncset.done $0x0  }
.LBB2_5:
.Ltmp5:
0x6f: {  	(pc) =	sbr.rel @p0 .LBB2_9-.Ltmp5, $3  }
0x70: {  	_ =	sdelay $0x1  }
0x71: {  	[sflag:s20] =	ssyncadd.s32 $0xFFFFC000;
	s0 =	simm.s32 @!p2 $0x80  }
0x72: {  	[tilespmem:s1], [sflag:$0x2] =	stream.indirect.gather @!p2 [hbm4b:s4+s0], $0x80, s31, s0, $0xb8;
	[tilespmem:$0x1E800] =	vst v63  }
0x73: {  	s0 =	simm.s32 $0x0  }
0x74: {  	[tilespmem:s0], [sflag:$0x3] =	stream.linear.gather [hbm4b:s15+s0], $0x2800, $0x38;
	[tilespmem:$0x1E800] =	vst v63  }
0x75: {  	_ =	swait.ge [sflag:s20], $0x2800  }
0x76: {  	[sflag:s20] =	ssyncset.done $0x0  }
0x77: {  	[sflag:s20] =	ssyncadd.s32 $0xFFFFD800  }
0x78: {  	[tilespmem:s19], [sflag:$0x1] =	stream.indirect.gather [hbm4b:s4+s21], $0x80, s0, s21, $0xb8;
	[tilespmem:$0x1E800] =	vst v63  }
0x79: {  	_ = 	snop  }
0x7a: {  	[tilespmem:s23], [sflag:$0x2] =	stream.indirect.gather [hbm4b:s4+s21], $0x80, s22, s21, $0xb8;
	[tilespmem:$0x1E800] =	vst v63  }
0x7b: {  	_ =	swait.ge [sflag:s24], $0x4000  }
0x7c: {  	[sflag:s24] =	ssyncset.done $0x0  }
0x7d: {  	s1 =	simm.s32 $0x80;
	[sflag:s24] =	ssyncadd.s32 $0xFFFFC000  }
0x7e: {  	[spmem:s2] =	stream.indirect.scatter.add.f32 [tilespmem:s19], [sflag:$0x3], $0x80, s1, s21, $0xb8;
	[tilespmem:$0x1E800] =	vst v63  }
0x7f: {  	p1 =	sle.u32 s12, $0x2;
	_ =	swait.ge [sflag:s20], $0x4000  }
0x80: {  	s3 =	simm.s32 @!p1 $0x2800;
	[sflag:s20] =	ssyncset.done $0x0  }
0x81: {  	s0 =	simm.s32 @!p1 $0x200;
	s1 =	simm.s32 @!p1 $0x80;
	[sflag:s20] =	ssyncadd.s32 $0xFFFFC000  }
0x82: {  	[tilespmem:s3], [sflag:$0x1] =	stream.indirect.gather @!p1 [hbm4b:s4+s1], $0x80, s0, s1, $0xb8;
	[tilespmem:$0x1E800] =	vst v63  }
0x83: {  	p1 =	sne.s32 s18, $0x2;
	_ =	swait.ge [sflag:s25], $0x4000  }
.Ltmp6:
0x84: {  	[sflag:s25] =	ssyncset.done $0x0;
	(pc) =	sbr.rel @!p1 .LBB2_8-.Ltmp6, $4  }
0x85: {  	s28 =	simm.s32 $0x2;
	s3 =	simm.s32 $0x180;
	[sflag:s25] =	ssyncadd.s32 $0xFFFFC000  }
0x86: {  	[spmem:s2] =	stream.indirect.scatter.add.f32 [tilespmem:s23], [sflag:$0x3], $0x80, s3, s21, $0xb8;
	[tilespmem:$0x1E800] =	vst v63  }
0x87: {  	p2 =	sle.u32 s12, $0x3;
	s29 =	simm.s32 $0x380;
	_ =	swait.ge [sflag:s20], $0x4000  }
0x88: {  	s30 =	simm.s32 @!p2 $0x300;
	s31 =	simm.s32 @!p2 $0x6800;
	[sflag:s20] =	ssyncset.done $0x0  }
.LBB2_7:
0x89: {  	[sflag:s20] =	ssyncadd.s32 $0xFFFFC000;
	s0 =	simm.s32 @!p2 $0x80  }
0x8a: {  	s1 =	smov.u32 s28;
	s28 =	sadd.s32 $0x2, s28;
	s3 =	smov.u32 s29  }
0x8b: {  	[tilespmem:s31], [sflag:$0x2] =	stream.indirect.gather @!p2 [hbm4b:s4+s0], $0x80, s30, s0, $0xb8;
	[tilespmem:$0x1E800] =	vst v63  }
0x8c: {  	p1 =	sne.s32 s18, s28;
	_ =	swait.ge [sflag:s24], $0x4000  }
0x8d: {  	s0 =	sadd.s32 $0xFFFFFF00, s29;
	[sflag:s24] =	ssyncset.done $0x0  }
0x8e: {  	[sflag:s24] =	ssyncadd.s32 $0xFFFFC000  }
0x8f: {  	[spmem:s2] =	stream.indirect.scatter.add.f32 [tilespmem:s19], [sflag:$0x3], $0x80, s0, s21, $0xb8;
	[tilespmem:$0x1E800] =	vst v63  }
0x90: {  	p2 =	sge.u32 s28, s12;
	_ =	swait.ge [sflag:s20], $0x4000  }
0x91: {  	s30 =	simm.s32 @!p2 $0x80;
	s0 =	sadd.s32 @!p2 $0x80, s29;
	[sflag:s20] =	ssyncset.done $0x0  }
0x92: {  	s31 =	simm.s32 @!p2 $0x2800;
	[sflag:s20] =	ssyncadd.s32 $0xFFFFC000  }
0x93: {  	[tilespmem:s31], [sflag:$0x1] =	stream.indirect.gather @!p2 [hbm4b:s4+s30], $0x80, s0, s30, $0xb8;
	[tilespmem:$0x1E800] =	vst v63  }
0x94: {  	_ =	swait.ge [sflag:s25], $0x4000  }
.Ltmp7:
0x95: {  	[sflag:s25] =	ssyncset.done $0x0;
	(pc) =	sbr.rel @p1 .LBB2_7-.Ltmp7, $4  }
0x96: {  	s0 =	sadd.s32 $0x3, s1;
	[sflag:s25] =	ssyncadd.s32 $0xFFFFC000  }
0x97: {  	[spmem:s2] =	stream.indirect.scatter.add.f32 [tilespmem:s23], [sflag:$0x3], $0x80, s29, s21, $0xb8;
	[tilespmem:$0x1E800] =	vst v63  }
0x98: {  	p2 =	sge.u32 s0, s12;
	s29 =	sadd.s32 $0x200, s29;
	_ =	swait.ge [sflag:s20], $0x4000  }
0x99: {  	s30 =	sadd.s32 @!p2 $0x180, s3;
	s31 =	simm.s32 @!p2 $0x6800;
	[sflag:s20] =	ssyncset.done $0x0  }
.Ltmp8:
0x9a: {  	_ = 	snop;
	(pc) =	sbr.rel .LBB2_8-.Ltmp8, $1  }
0x9b: {  	_ =	sdelay $0x3  }
.LBB2_10:
0x9c: {  	_ =	sfence.sel $0x180000  }
0x9d: {  	[bflag:$0x0] =	sbarrier.arrive $0xFFFF  }
0x9e: {  	_ =	strace $0x9000004A  }
0x9f: {  	s0 =	stileid.u32;
	[bflag:$0x2] =	sbarrier.arrive $0xFFFF  }
0xa0: {  	p0 =	sne.s32 s0, $0x0;
	s0 =	rddreg [dreg:$0x3]  }
0xa1: {  	s0 =	sadd.s32 @!p0 $0x100000, s0  }
0xa2: {  	[sflag:s0] =	ssyncadd.tile.s32 @!p0 $0x1;
	_ =	shalt  }
.Lfunc_end2:
_tile_overlayer_lowered:
.L_overlay_start_2:
0xa3: {  	(tag) =	ssettag $0x2  }
0xa4: {  	s0 =	rddreg [dreg:$0x0];
	s2 =	stileid.u32  }
0xa5: {  	s1 =	rddreg [dreg:$0x1];
	p0 =	sne.s32 s2, $0x0  }
0xa6: {  	s3 =	rddreg [dreg:$0x2];
	[bflag:$0x3] =	sbarrier.arrive $0xFFFF;
	s2 =	simm.s32 @!p0 $0x1C03  }
0xa7: {  	[timem:s3], [sflag:s2] =	dma.local @!p0 [hbm:s0], s1  }
0xa8: {  	s0 =	simm.s32 @!p0 $0x3  }
0xa9: {  	_ =	swait.ge @!p0 [sflag:s0], s1  }
0xaa: {  	s1 =	ssub.s32 @!p0 $0x0, s1;
	[sflag:s0] =	ssyncset.done @!p0 $0x0  }
0xab: {  	[sflag:s0] =	ssyncadd.s32 @!p0 s1  }
0xac: {  	[bflag:$0x3] =	sbarrier.arrive $0xFFFF  }
0xad: {  	_ =	shalt  }

// kernel: kernel.14.cloned.1.call-start
scs
__scs_entry_jumppad:
0x0: {  	(pc) =	sbr.rel $0x88, $3  }
0x1: {  	(tag) =	ssettag $0x0;
	lr =	simm.s32 $0x1  }
0x2: {  	[smem:$0x3F9B] =	sst lr;
	_ =	strace $0xD0000000  }
0x3: {  	_ = 	snop  }
0x4: {  	_ = 	snop  }
0x5: {  	_ = 	snop  }
0x6: {  	_ = 	snop  }
0x7: {  	_ = 	snop  }
__scs_overlays_trampoline_lowered:
0x8: {  	[smem:$0x3FAA] =	sst s0  }
0x9: {  	[smem:$0x3FAB] =	sst s1  }
0xa: {  	[smem:$0x3FAC] =	sst s2  }
0xb: {  	[smem:$0x3FAD] =	sst s3  }
0xc: {  	[smem:$0x3FAE] =	sst s4  }
0xd: {  	[smem:$0x3FAF] =	sst s5  }
0xe: {  	[smem:$0x3FB0] =	sst s6  }
0xf: {  	[smem:$0x3FB1] =	sst s7  }
0x10: {  	[smem:$0x3FB2] =	sst s8  }
0x11: {  	[smem:$0x3FB3] =	sst s9;
	s0 =	simm.s32 @!p0 $0x0  }
0x12: {  	s1 =	sld [smem:$0x3F99];
	s0 =	simm.s32 @p0 $0x1  }
0x13: {  	[smem:$0x3FB4] =	sst s0;
	s0 =	simm.s32 @!p1 $0x0  }
0x14: {  	s2 =	sld [smem:$0x3F98];
	s0 =	simm.s32 @p1 $0x1  }
0x15: {  	[smem:$0x3FB5] =	sst s0;
	s0 =	simm.s32 @!p2 $0x0  }
0x16: {  	s3 =	sld [smem:$0x3FDB];
	s0 =	simm.s32 @p2 $0x1  }
0x17: {  	s4 =	simm.s32 $0x1BF5;
	[smem:$0x3FB7] =	sst s0  }
0x18: {  	s0 =	sld [smem:$0x3F9A];
	_ =	swait.ge [sflag:s4], $0x0  }
0x19: {  	s7 =	sld [smem:$0x3F9B]  }
0x1a: {  	s8 =	sadd.s32 $0xFFFFE003, lr  }
0x1b: {  	s9 =	sadd.s32 $0xFFFFFEF7, lr;
	s5 =	simm.s32 $0xFFFFFFFF;
	p2 =	slt.u32 s8, $0xFFFFF086  }
0x1c: {  	p1 =	slt.u32 s9, $0xF7A;
	s5 =	simm.s32 @!p2 $0x0  }
0x1d: {  	s5 =	simm.s32 @p1 $0x1;
	p0 =	seq.s32 s7, s2  }
0x1e: {  	s7 =	smul.u32 @!p0 $0xF7A, s2;
	p2 =	seq.s32 @!p0 s5, $0x0  }
0x1f: {  	s9 =	smul.u32 $0xF7A, s1;
	s8 =	simm.s32 @!p0 $0x1BF5;
	p2 =	por !p2, p0  }
0x20: {  	[sflag:s8] =	ssyncset.s32 @!p0 $0xFFFFF086;
	s6 =	sadd.s32 @!p0 s3, s7;
	s7 =	simm.s32 @!p0 $0x108  }
0x21: {  	s3 =	sadd.s32 s3, s9;
	s6 =	sadd.s32 @!p0 $0x88, s6;
	s7 =	simm.s32 @p2 $0x1082  }
0x22: {  	[simem:s7], [sflag:s8] =	dma.local @!p0 [hbm:s6], $0xF7A  }
0x23: {  	s9 =	sor.u32 $0xD0000000, s2;
	s6 =	simm.s32 $0x108;
	_ =	swait.ge @!p0 [sflag:s8], $0x0  }
0x24: {  	s3 =	sadd.s32 $0x88, s3;
	s6 =	simm.s32 @!p1 $0x1082;
	[sflag:s4] =	ssyncset.s32 $0xFFFFF086  }
0x25: {  	[simem:s6], [sflag:s4] =	dma.local [hbm:s3], $0xF7A  }
0x26: {  	[smem:$0x3F9B] =	sst s1;
	(tag) =	ssettag s2;
	_ =	strace s9  }
0x27: {  	s1 =	sld [smem:$0x3FAB]  }
0x28: {  	s2 =	sld [smem:$0x3FAC]  }
0x29: {  	s4 =	sld [smem:$0x3FAE]  }
0x2a: {  	p0 =	seq.s32 s5, $0x0;
	s5 =	sld [smem:$0x3FAF]  }
0x2b: {  	s6 =	sld [smem:$0x3FB0]  }
0x2c: {  	s7 =	sld [smem:$0x3FB1]  }
0x2d: {  	s3 =	simm.s32 $0x108;
	s8 =	sld [smem:$0x3FB2]  }
0x2e: {  	s3 =	simm.s32 @!p0 $0x1082;
	s9 =	sld [smem:$0x3FB3]  }
0x2f: {  	lr =	sadd.s32 s0, s3;
	s0 =	sld [smem:$0x3FAA]  }
0x30: {  	s3 =	sld [smem:$0x3FAD]  }
0x31: {  	[smem:$0x3FB6] =	sst s10  }
0x32: {  	s10 =	sld [smem:$0x3FB4];
	_ =	sdelay $0x3  }
0x33: {  	p0 =	seq.s32 s10, $0x1;
	s10 =	sld [smem:$0x3FB6];
	_ =	sdelay $0x3  }
0x34: {  	[smem:$0x3FB6] =	sst s10  }
0x35: {  	s10 =	sld [smem:$0x3FB5];
	_ =	sdelay $0x3  }
0x36: {  	p1 =	seq.s32 s10, $0x1;
	s10 =	sld [smem:$0x3FB6];
	_ =	sdelay $0x3  }
0x37: {  	[smem:$0x3FB6] =	sst s10  }
0x38: {  	s10 =	sld [smem:$0x3FB7]  }
0x39: {  	_ = 	snop;
	(pc) =	sbr.ind lr, $3  }
0x3a: {  	_ = 	snop  }
0x3b: {  	_ = 	snop  }
0x3c: {  	p2 =	seq.s32 s10, $0x1;
	s10 =	sld [smem:$0x3FB6]  }
0x3d: {  	_ =	shalt  }
0x3e: {  	_ =	shalt  }
0x3f: {  	_ =	shalt  }
0x40: {  	_ =	shalt  }
0x41: {  	_ =	shalt  }
0x42: {  	_ =	shalt  }
0x43: {  	_ =	shalt  }
0x44: {  	_ =	shalt  }
0x45: {  	_ =	shalt  }
0x46: {  	_ =	shalt  }
0x47: {  	_ =	shalt  }
0x48: {  	_ =	shalt  }
0x49: {  	_ =	shalt  }
0x4a: {  	_ =	shalt  }
0x4b: {  	_ =	shalt  }
0x4c: {  	_ =	shalt  }
0x4d: {  	_ =	shalt  }
0x4e: {  	_ =	shalt  }
0x4f: {  	_ =	shalt  }
0x50: {  	_ =	shalt  }
0x51: {  	_ =	shalt  }
0x52: {  	_ =	shalt  }
0x53: {  	_ =	shalt  }
0x54: {  	_ =	shalt  }
0x55: {  	_ =	shalt  }
0x56: {  	_ =	shalt  }
0x57: {  	_ =	shalt  }
0x58: {  	_ =	shalt  }
0x59: {  	_ =	shalt  }
0x5a: {  	_ =	shalt  }
0x5b: {  	_ =	shalt  }
0x5c: {  	_ =	shalt  }
0x5d: {  	_ =	shalt  }
0x5e: {  	_ =	shalt  }
0x5f: {  	_ =	shalt  }
0x60: {  	_ =	shalt  }
0x61: {  	_ =	shalt  }
0x62: {  	_ =	shalt  }
0x63: {  	_ =	shalt  }
0x64: {  	_ =	shalt  }
0x65: {  	_ =	shalt  }
0x66: {  	_ =	shalt  }
0x67: {  	_ =	shalt  }
0x68: {  	_ =	shalt  }
0x69: {  	_ =	shalt  }
0x6a: {  	_ =	shalt  }
0x6b: {  	_ =	shalt  }
0x6c: {  	_ =	shalt  }
0x6d: {  	_ =	shalt  }
0x6e: {  	_ =	shalt  }
0x6f: {  	_ =	shalt  }
0x70: {  	_ =	shalt  }
0x71: {  	_ =	shalt  }
0x72: {  	_ =	shalt  }
0x73: {  	_ =	shalt  }
0x74: {  	_ =	shalt  }
0x75: {  	_ =	shalt  }
0x76: {  	_ =	shalt  }
0x77: {  	_ =	shalt  }
0x78: {  	_ =	shalt  }
0x79: {  	_ =	shalt  }
0x7a: {  	_ =	shalt  }
0x7b: {  	_ =	shalt  }
0x7c: {  	_ =	shalt  }
0x7d: {  	_ =	shalt  }
0x7e: {  	_ =	shalt  }
0x7f: {  	_ =	shalt  }
0x80: {  	_ =	shalt  }
0x81: {  	_ =	shalt  }
0x82: {  	_ =	shalt  }
0x83: {  	_ =	shalt  }
0x84: {  	_ =	shalt  }
0x85: {  	_ =	shalt  }
0x86: {  	_ =	shalt  }
0x87: {  	_ =	shalt  }
.Lfunc_end0:
.L_simem_size_0:
called_computation.2_lowered:
.L_overlay_start_0:
0x88: {  	s2 =	sld [smem:$0x3FD9]  }
0x89: {  	s3 =	sld [smem:$0x3FFE];
	_ =	sdelay $0x1  }
0x8a: {  	s1 =	srdreg.scid  }
0x8b: {  	s0 =	sand.u32 $0x1, s1  }
0x8c: {  	s17 =	sshll.u32 s0, $0xA;
	s2 =	sadd.s32 s3, s2  }
0x8d: {  	s2 =	sadd.s32 s2, s17  }
0x8e: {  	[smem:$0x3FC2] =	sst s2  }
0x8f: {  	_ = 	snop  }
0x90: {  	s2 =	sld [smem:$0x3FC8];
	(tm) =	ssettm $0x1  }
0x91: {  	s18 =	sld [smem:$0x3FFB];
	_ =	sdelay $0x3  }
0x92: {  	_ =	strace s18  }
0x93: {  	s3 =	sld [smem:$0x3FFC];
	_ =	sdelay $0x3  }
0x94: {  	_ =	strace s3  }
0x95: {  	s3 =	sld [smem:$0x3FFD];
	_ =	sdelay $0x3  }
0x96: {  	_ =	strace s3  }
0x97: {  	_ =	strace $0x8FFFFFFF  }
0x98: {  	s19 =	sld [smem:$0x3FDB];
	_ =	sdelay $0x1  }
0x99: {  	s4 =	simm.s32 $_scs_section_size  }
0x9a: {  	s5 =	simm.s32 $_size__tile_overlayer_lowered;
	s6 =	simm.s32 $_tile_overlayer_lowered  }
0x9b: {  	s22 =	simm.s32 $0x1BFF;
	s21 =	sshll.u32 s6, $0x1;
	s3 =	sadd.s32 s4, s19  }
0x9c: {  	s7 =	simm.s32 $0x0;
	s20 =	sshll.u32 s5, $0x1;
	s5 =	sadd.s32 s21, s3  }
0x9d: {  	[timem:s7], [sflag:s22] =	dma.local [hbm:s5], s20  }
0x9e: {  	_ =	swait.ge [sflag:s22], s20  }
0x9f: {  	s4 =	ssub.s32 $0x0, s20;
	[sflag:s22] =	ssyncset.done $0x0  }
0xa0: {  	[sflag:s22] =	ssyncadd.s32 s4;
	_ =	sdelay $0x1  }
0xa1: {  	s23 =	simm.s32 $0x1B8B  }
0xa2: {  	_ =	swait.ge [sflag:s23], $0x1  }
0xa3: {  	[sflag:s23] =	ssyncset.done $0x0  }
0xa4: {  	s25 =	simm.s32 $0x1B8E;
	s24 =	sld [smem:$0x3FFE];
	[sflag:s23] =	ssyncadd.s32 $0xFFFFFFFF  }
0xa5: {  	s26 =	simm.s32 $execute0_lowered;
	[smem:$0x3FD2] =	sst s25  }
0xa6: {  	s5 =	sshll.u32 s26, $0x1;
	_ =	strace $0x8000004C;
	[dreg:$0x1] =	wrdreg $0xFFFFFFFF  }
0xa7: {  	s28 =	simm.s32 $_size_execute0_lowered;
	s3 =	sadd.s32 s3, s5;
	[dreg:$0x0] =	wrdreg $0x0  }
0xa8: {  	s5 =	sshll.u32 s28, $0x1;
	[dreg:$0x2] =	wrdreg s3  }
0xa9: {  	[dreg:$0x3] =	wrdreg s5  }
0xaa: {  	[dreg:$0x4] =	wrdreg $0xC0  }
0xab: {  	_ =	task [dreg:s7], $0x5FFFF  }
0xac: {  	[dreg:$0x1] =	wrdreg $0xFFFFFFFF  }
0xad: {  	[dreg:$0x0] =	wrdreg $0x60  }
0xae: {  	[dreg:$0x2] =	wrdreg s24  }
0xaf: {  	[dreg:$0x3] =	wrdreg s2  }
0xb0: {  	[dreg:$0x4] =	wrdreg $0xA8000  }
0xb1: {  	[dreg:$0x5] =	wrdreg $0x9  }
0xb2: {  	_ =	task.clear_ibuf [dreg:s7], $0x6FFFF;
	_ =	strace $0x9000004C  }
0xb3: {  	s29 =	simm.s32 $0x9;
	_ =	strace $0x8000004E  }
0xb4: {  	_ =	swait.ge [sflag:s29], $0x1  }
0xb5: {  	[sflag:s29] =	ssyncadd.s32 $0xFFFFFFFF  }
0xb6: {  	_ =	strace $0x9000004E  }
0xb7: {  	_ =	sfence  }
0xb8: {  	s30 =	sld [smem:$0x0];
	_ =	sdelay $0x2  }
0xb9: {  	s31 =	sshll.u32 s1, $0xD;
	s1 =	sshrl.u32 s1, $0x2  }
0xba: {  	s3 =	sand.u32 $0x4000, s31;
	s1 =	sadd.s32 s1, s30  }
0xbb: {  	s0 =	sor.u32 s3, s0;
	s1 =	sshll.u32 s1, $0x11  }
0xbc: {  	s0 =	sor.u32 s1, s0  }
0xbd: {  	s0 =	sadd.s32 $0x8F2B, s0  }
0xbe: {  	[sflag:s0] =	ssyncadd.remote.s32 $0x1  }
0xbf: {  	_ =	sfence.sel $0xFFFF  }
0xc0: {  	[dreg:$0x0] =	wrdreg $0xFFFFFFFF;
	(pc) =	sbr.abs _section_cstart, $3  }
0xc1: {  	[dreg:$0x1] =	wrdreg $0xFFFFFFFF  }
0xc2: {  	_ =	task.clear_ibuf [dreg:s7], $0x2FFFF;
	_ =	strace $0x9FFFFFFF  }
0xc3: {  	(tm) =	ssettm $0x7FFFFFFF  }
tec
execute0_lowered:
.L_overlay_start_1:
0x0: {  	(tag) =	ssettag $0x1  }
0x1: {  	s1 =	rddreg [dreg:$0x0]  }
0x2: {  	s0 =	srdreg.scid;
	s14 =	rddreg [dreg:$0x1]  }
0x3: {  	s29 =	stileid.u32;
	s2 =	rddreg [dreg:$0x2];
	s3 =	simm.s32 $0x0  }
0x4: {  	s12 =	simm.s32 $0x0;
	s19 =	simm.s32 $0x2800;
	s20 =	simm.s32 $0x3  }
0x5: {  	s21 =	simm.s32 $0x80;
	s22 =	simm.s32 $0x100;
	s23 =	simm.s32 $0x6800  }
0x6: {  	s24 =	simm.s32 $0x1;
	s25 =	simm.s32 $0x2;
	s6 =	smul.u32 $0x14000, s29  }
0x7: {  	s26 =	simm.s32 $0x0;
	s5 =	sand.u32 $0x1, s0;
	s7 =	smul.u32 $0x50000, s29  }
0x8: {  	[smem:$0x7FF] =	sst s3;
	s4 =	smul.u32 $0x140000, s5;
	s30 =	ssub.s32 $0x2, s5  }
0x9: {  	_ =	strace $0x8000004D;
	s5 =	sshll.u32 s5, $0x4;
	s8 =	sshrl.u32 s30, $0x1  }
0xa: {  	s7 =	sshrl.u32 s7, $0x2;
	s9 =	sor.u32 s29, s5;
	s4 =	sadd.s32 s6, s4  }
0xb: {  	s17 =	ssub.s32 s30, s8;
	s5 =	sadd.s32 s7, s2;
	s11 =	smul.u32 $0xA00, s9  }
0xc: {  	p0 =	seq.s32 s9, $0x1F;
	s8 =	simm.s32 $0x14;
	s13 =	smul.u32 $0x5000, s9  }
0xd: {  	s6 =	sshrl.u32 s4, $0x3;
	s4 =	sadd.s32 $0x2600, s1;
	s7 =	sadd.s32 $0x8000, s5  }
0xe: {  	s9 =	sadd.s32 $0xC000, s5;
	s10 =	sadd.s32 $0x10000, s5;
	s8 =	simm.s32 @!p0 $0x28  }
.Ltmp0:
0xf: {  	s12 =	simm.s32 @!p0 $0x28;
	s17 =	smax.u32 s17, $0x1;
	(pc) =	sbr.rel .LBB2_1-.Ltmp0, $4  }
0x10: {  	s1 =	sadd.s32 s6, s1;
	s6 =	sadd.s32 $0x4000, s5;
	s11 =	sadd.s32 s14, s11  }
0x11: {  	s15 =	sshrl.u32 s13, $0x3;
	s13 =	sadd.s32 $0x13600, s14;
	s18 =	sshrl.u32 s12, $0x1  }
0x12: {  	s15 =	sadd.s32 s14, s15;
	s14 =	sshrl.u32 s8, $0x1;
	s31 =	smax.u32 s18, $0x1  }
0x13: {  	v0 =	vimm.f32 $0.0e+00;
	s16 =	sadd.s32 $0x2A600, s1;
	s15 =	sadd.s32 $0x500, s15;
	s18 =	sshll.u32 s31, $0x1  }
.LBB2_8:
0x14: {  	[sflag:s20] =	ssyncadd.s32 $0xFFFFC000;
	s0 =	simm.s32 @!p2 $0x80  }
0x15: {  	[tilespmem:s31], [sflag:$0x2] =	stream.indirect.gather @!p2 [hbm4b:s4+s0], $0x80, s30, s0, $0xb8;
	[tilespmem:$0x1E800] =	vst v63  }
.LBB2_9:
0x16: {  	s0 =	stileid.u32;
	s26 =	sadd.s32 $0x1, s26  }
0x17: {  	[bflag:$0x0] =	sbarrier.arrive $0xFFFF;
	s0 =	sshll.u32 s0, $0x6;
	p1 =	sne.s32 s26, s17  }
.Ltmp1:
0x18: {  	s1 =	sshrl.u32 s5, $0x3;
	s0 =	sor.u32 $0x1C03, s0;
	(pc) =	sbr.rel @!p1 .LBB2_10-.Ltmp1, $4  }
0x19: {  	[hbm:s16], [sflag:s0] =	dma.local [spmem:s1], $0x2800  }
0x1a: {  	_ =	swait.ge [sflag:s20], $0x2800  }
0x1b: {  	[sflag:s20] =	ssyncset.done $0x0  }
0x1c: {  	[sflag:s20] =	ssyncadd.s32 $0xFFFFD800  }
.LBB2_1:
0x1d: {  	s28 =	simm.s32 $0x0;
	s29 =	simm.s32 $0x200  }
.LBB2_2:
0x1e: {  	p1 =	sne.s32 s29, $0xFE00;
	[tilespmem:s28+$0x2870] =	vst v0  }
0x1f: {  	[tilespmem:s28+$0x2800] =	vst v0  }
0x20: {  	[tilespmem:s28+$0x2810] =	vst v0  }
.Ltmp2:
0x21: {  	[tilespmem:s28+$0x2820] =	vst v0;
	(pc) =	sbr.rel @p1 .LBB2_2-.Ltmp2, $4  }
0x22: {  	[tilespmem:s28+$0x2830] =	vst v0  }
0x23: {  	[tilespmem:s28+$0x2840] =	vst v0  }
0x24: {  	[tilespmem:s28+$0x2850] =	vst v0  }
0x25: {  	[tilespmem:s28+$0x2860] =	vst v0;
	s28 =	sshra.s32 s29, $0x2;
	s29 =	sadd.s32 $0x200, s29  }
0x26: {  	[tilespmem:s28+$0x2870] =	vst v0  }
0x27: {  	[tilespmem:s28+$0x2800] =	vst v0  }
0x28: {  	[tilespmem:s28+$0x2810] =	vst v0  }
0x29: {  	[tilespmem:s28+$0x2820] =	vst v0  }
0x2a: {  	[tilespmem:s28+$0x2830] =	vst v0  }
0x2b: {  	[tilespmem:s28+$0x2840] =	vst v0  }
0x2c: {  	[tilespmem:s28+$0x2850] =	vst v0  }
0x2d: {  	[tilespmem:s28+$0x2860] =	vst v0  }
0x2e: {  	[spmem:s5] =	stream.linear.scatter [tilespmem:s19], [sflag:$0x3], $0x4000, $0x38;
	[tilespmem:$0x1E800] =	vst v63  }
0x2f: {  	_ =	swait.ge [sflag:s20], $0x4000  }
0x30: {  	[sflag:s20] =	ssyncset.done $0x0  }
0x31: {  	[sflag:s20] =	ssyncadd.s32 $0xFFFFC000  }
0x32: {  	[spmem:s6] =	stream.linear.scatter [tilespmem:s19], [sflag:$0x3], $0x4000, $0x38;
	[tilespmem:$0x1E800] =	vst v63  }
0x33: {  	_ =	swait.ge [sflag:s20], $0x4000  }
0x34: {  	[sflag:s20] =	ssyncset.done $0x0  }
0x35: {  	[sflag:s20] =	ssyncadd.s32 $0xFFFFC000  }
0x36: {  	[spmem:s7] =	stream.linear.scatter [tilespmem:s19], [sflag:$0x3], $0x4000, $0x38;
	[tilespmem:$0x1E800] =	vst v63  }
0x37: {  	_ =	swait.ge [sflag:s20], $0x4000  }
0x38: {  	[sflag:s20] =	ssyncset.done $0x0  }
0x39: {  	[sflag:s20] =	ssyncadd.s32 $0xFFFFC000  }
0x3a: {  	[spmem:s9] =	stream.linear.scatter [tilespmem:s19], [sflag:$0x3], $0x4000, $0x38;
	[tilespmem:$0x1E800] =	vst v63  }
0x3b: {  	_ =	swait.ge [sflag:s20], $0x4000  }
0x3c: {  	[sflag:s20] =	ssyncset.done $0x0  }
0x3d: {  	[sflag:s20] =	ssyncadd.s32 $0xFFFFC000  }
0x3e: {  	[spmem:s10] =	stream.linear.scatter [tilespmem:s19], [sflag:$0x3], $0x4000, $0x38;
	[tilespmem:$0x1E800] =	vst v63  }
0x3f: {  	_ =	swait.ge [sflag:s20], $0x4000  }
0x40: {  	[sflag:s20] =	ssyncset.done $0x0  }
0x41: {  	[sflag:s20] =	ssyncadd.s32 $0xFFFFC000  }
0x42: {  	s1 =	simm.s32 @p0 $0x0;
	[bflag:$0x0] =	sbarrier.arrive $0xFFFF  }
0x43: {  	[tilespmem:s1], [sflag:$0x3] =	stream.linear.gather @p0 [hbm4b:s13+s1], $0x1400, $0x38;
	[tilespmem:$0x1E800] =	vst v63  }
0x44: {  	s1 =	simm.s32 @p0 $0x3  }
0x45: {  	_ =	swait.ge @p0 [sflag:s1], $0x1400  }
0x46: {  	[sflag:s1] =	ssyncset.done @p0 $0x0  }
0x47: {  	[sflag:s1] =	ssyncadd.s32 @p0 $0xFFFFEC00;
	s1 =	simm.s32 @!p0 $0x0  }
0x48: {  	[tilespmem:s1], [sflag:$0x3] =	stream.linear.gather @!p0 [hbm4b:s11+s1], $0x2800, $0x38;
	[tilespmem:$0x1E800] =	vst v63  }
0x49: {  	s1 =	simm.s32 @!p0 $0x3  }
0x4a: {  	_ =	swait.ge @!p0 [sflag:s1], $0x2800  }
0x4b: {  	[sflag:s1] =	ssyncset.done @!p0 $0x0  }
0x4c: {  	s0 =	simm.s32 $0x0;
	[sflag:s1] =	ssyncadd.s32 @!p0 $0xFFFFD800  }
0x4d: {  	[tilespmem:s19], [sflag:$0x1] =	stream.indirect.gather [hbm4b:s4+s21], $0x80, s0, s21, $0xb8;
	[tilespmem:$0x1E800] =	vst v63  }
0x4e: {  	_ = 	snop  }
0x4f: {  	[tilespmem:s23], [sflag:$0x2] =	stream.indirect.gather [hbm4b:s4+s21], $0x80, s22, s21, $0xb8;
	[tilespmem:$0x1E800] =	vst v63  }
0x50: {  	_ =	swait.ge [sflag:s24], $0x4000  }
0x51: {  	[sflag:s24] =	ssyncset.done $0x0  }
0x52: {  	s0 =	simm.s32 $0x80;
	[sflag:s24] =	ssyncadd.s32 $0xFFFFC000  }
0x53: {  	[spmem:s2] =	stream.indirect.scatter.add.f32 [tilespmem:s19], [sflag:$0x3], $0x80, s0, s21, $0xb8;
	[tilespmem:$0x1E800] =	vst v63  }
0x54: {  	p1 =	sle.u32 s8, $0x2;
	_ =	swait.ge [sflag:s20], $0x4000  }
0x55: {  	s28 =	simm.s32 @!p1 $0x80;
	[sflag:s20] =	ssyncset.done $0x0  }
0x56: {  	s29 =	simm.s32 @!p1 $0x2800;
	s1 =	simm.s32 @!p1 $0x200;
	[sflag:s20] =	ssyncadd.s32 $0xFFFFC000  }
0x57: {  	[tilespmem:s29], [sflag:$0x1] =	stream.indirect.gather @!p1 [hbm4b:s4+s28], $0x80, s1, s28, $0xb8;
	[tilespmem:$0x1E800] =	vst v63  }
0x58: {  	s28 =	sadd.s32 $0xFFFFFFFF, s14  }
0x59: {  	_ =	swait.ge [sflag:s25], $0x4000;
	p1 =	sne.s32 s28, $0x0  }
.Ltmp3:
0x5a: {  	[sflag:s25] =	ssyncset.done $0x0;
	(pc) =	sbr.rel @!p1 .LBB2_5-.Ltmp3, $4  }
0x5b: {  	s3 =	simm.s32 $0x180;
	p2 =	sle.u32 s8, $0x3;
	[sflag:s25] =	ssyncadd.s32 $0xFFFFC000  }
0x5c: {  	[spmem:s2] =	stream.indirect.scatter.add.f32 [tilespmem:s23], [sflag:$0x3], $0x80, s3, s21, $0xb8;
	[tilespmem:$0x1E800] =	vst v63  }
0x5d: {  	s30 =	simm.s32 $0x380;
	s31 =	simm.s32 @!p2 $0x300;
	_ =	swait.ge [sflag:s20], $0x4000  }
0x5e: {  	s29 =	simm.s32 $0x4;
	s1 =	simm.s32 @!p2 $0x6800;
	[sflag:s20] =	ssyncset.done $0x0  }
.LBB2_4:
0x5f: {  	s28 =	sadd.s32 $0xFFFFFFFF, s28;
	[sflag:s20] =	ssyncadd.s32 $0xFFFFC000;
	s3 =	simm.s32 @!p2 $0x80  }
0x60: {  	[tilespmem:s1], [sflag:$0x2] =	stream.indirect.gather @!p2 [hbm4b:s4+s3], $0x80, s31, s3, $0xb8;
	[tilespmem:$0x1E800] =	vst v63  }
0x61: {  	p1 =	sne.s32 s28, $0x0;
	s1 =	smov.u32 s30;
	_ =	swait.ge [sflag:s24], $0x4000  }
0x62: {  	s3 =	sadd.s32 $0xFFFFFF00, s30;
	[sflag:s24] =	ssyncset.done $0x0  }
0x63: {  	[sflag:s24] =	ssyncadd.s32 $0xFFFFC000  }
0x64: {  	[spmem:s2] =	stream.indirect.scatter.add.f32 [tilespmem:s19], [sflag:$0x3], $0x80, s3, s21, $0xb8;
	[tilespmem:$0x1E800] =	vst v63  }
0x65: {  	p2 =	sge.u32 s29, s8;
	_ =	swait.ge [sflag:s20], $0x4000  }
0x66: {  	s31 =	simm.s32 @!p2 $0x80;
	s3 =	sadd.s32 @!p2 $0x80, s30;
	[sflag:s20] =	ssyncset.done $0x0  }
0x67: {  	s0 =	simm.s32 @!p2 $0x2800;
	[sflag:s20] =	ssyncadd.s32 $0xFFFFC000  }
0x68: {  	[tilespmem:s0], [sflag:$0x1] =	stream.indirect.gather @!p2 [hbm4b:s4+s31], $0x80, s3, s31, $0xb8;
	[tilespmem:$0x1E800] =	vst v63  }
0x69: {  	_ =	swait.ge [sflag:s25], $0x4000  }
.Ltmp4:
0x6a: {  	[sflag:s25] =	ssyncset.done $0x0;
	(pc) =	sbr.rel @p1 .LBB2_4-.Ltmp4, $4  }
0x6b: {  	s0 =	sadd.s32 $0x1, s29;
	s29 =	sadd.s32 $0x2, s29;
	[sflag:s25] =	ssyncadd.s32 $0xFFFFC000  }
0x6c: {  	[spmem:s2] =	stream.indirect.scatter.add.f32 [tilespmem:s23], [sflag:$0x3], $0x80, s30, s21, $0xb8;
	[tilespmem:$0x1E800] =	vst v63  }
0x6d: {  	p2 =	sge.u32 s0, s8;
	s30 =	sadd.s32 $0x200, s30;
	_ =	swait.ge [sflag:s20], $0x4000  }
0x6e: {  	s31 =	sadd.s32 @!p2 $0x180, s1;
	s1 =	simm.s32 @!p2 $0x6800;
	[sflag:s20] =	ssyncset.done $0x0  }
.LBB2_5:
.Ltmp5:
0x6f: {  	(pc) =	sbr.rel @p0 .LBB2_9-.Ltmp5, $3  }
0x70: {  	_ =	sdelay $0x1  }
0x71: {  	[sflag:s20] =	ssyncadd.s32 $0xFFFFC000;
	s0 =	simm.s32 @!p2 $0x80  }
0x72: {  	[tilespmem:s1], [sflag:$0x2] =	stream.indirect.gather @!p2 [hbm4b:s4+s0], $0x80, s31, s0, $0xb8;
	[tilespmem:$0x1E800] =	vst v63  }
0x73: {  	s0 =	simm.s32 $0x0  }
0x74: {  	[tilespmem:s0], [sflag:$0x3] =	stream.linear.gather [hbm4b:s15+s0], $0x2800, $0x38;
	[tilespmem:$0x1E800] =	vst v63  }
0x75: {  	_ =	swait.ge [sflag:s20], $0x2800  }
0x76: {  	[sflag:s20] =	ssyncset.done $0x0  }
0x77: {  	[sflag:s20] =	ssyncadd.s32 $0xFFFFD800  }
0x78: {  	[tilespmem:s19], [sflag:$0x1] =	stream.indirect.gather [hbm4b:s4+s21], $0x80, s0, s21, $0xb8;
	[tilespmem:$0x1E800] =	vst v63  }
0x79: {  	_ = 	snop  }
0x7a: {  	[tilespmem:s23], [sflag:$0x2] =	stream.indirect.gather [hbm4b:s4+s21], $0x80, s22, s21, $0xb8;
	[tilespmem:$0x1E800] =	vst v63  }
0x7b: {  	_ =	swait.ge [sflag:s24], $0x4000  }
0x7c: {  	[sflag:s24] =	ssyncset.done $0x0  }
0x7d: {  	s1 =	simm.s32 $0x80;
	[sflag:s24] =	ssyncadd.s32 $0xFFFFC000  }
0x7e: {  	[spmem:s2] =	stream.indirect.scatter.add.f32 [tilespmem:s19], [sflag:$0x3], $0x80, s1, s21, $0xb8;
	[tilespmem:$0x1E800] =	vst v63  }
0x7f: {  	p1 =	sle.u32 s12, $0x2;
	_ =	swait.ge [sflag:s20], $0x4000  }
0x80: {  	s3 =	simm.s32 @!p1 $0x2800;
	[sflag:s20] =	ssyncset.done $0x0  }
0x81: {  	s0 =	simm.s32 @!p1 $0x200;
	s1 =	simm.s32 @!p1 $0x80;
	[sflag:s20] =	ssyncadd.s32 $0xFFFFC000  }
0x82: {  	[tilespmem:s3], [sflag:$0x1] =	stream.indirect.gather @!p1 [hbm4b:s4+s1], $0x80, s0, s1, $0xb8;
	[tilespmem:$0x1E800] =	vst v63  }
0x83: {  	p1 =	sne.s32 s18, $0x2;
	_ =	swait.ge [sflag:s25], $0x4000  }
.Ltmp6:
0x84: {  	[sflag:s25] =	ssyncset.done $0x0;
	(pc) =	sbr.rel @!p1 .LBB2_8-.Ltmp6, $4  }
0x85: {  	s28 =	simm.s32 $0x2;
	s3 =	simm.s32 $0x180;
	[sflag:s25] =	ssyncadd.s32 $0xFFFFC000  }
0x86: {  	[spmem:s2] =	stream.indirect.scatter.add.f32 [tilespmem:s23], [sflag:$0x3], $0x80, s3, s21, $0xb8;
	[tilespmem:$0x1E800] =	vst v63  }
0x87: {  	p2 =	sle.u32 s12, $0x3;
	s29 =	simm.s32 $0x380;
	_ =	swait.ge [sflag:s20], $0x4000  }
0x88: {  	s30 =	simm.s32 @!p2 $0x300;
	s31 =	simm.s32 @!p2 $0x6800;
	[sflag:s20] =	ssyncset.done $0x0  }
.LBB2_7:
0x89: {  	[sflag:s20] =	ssyncadd.s32 $0xFFFFC000;
	s0 =	simm.s32 @!p2 $0x80  }
0x8a: {  	s1 =	smov.u32 s28;
	s28 =	sadd.s32 $0x2, s28;
	s3 =	smov.u32 s29  }
0x8b: {  	[tilespmem:s31], [sflag:$0x2] =	stream.indirect.gather @!p2 [hbm4b:s4+s0], $0x80, s30, s0, $0xb8;
	[tilespmem:$0x1E800] =	vst v63  }
0x8c: {  	p1 =	sne.s32 s18, s28;
	_ =	swait.ge [sflag:s24], $0x4000  }
0x8d: {  	s0 =	sadd.s32 $0xFFFFFF00, s29;
	[sflag:s24] =	ssyncset.done $0x0  }
0x8e: {  	[sflag:s24] =	ssyncadd.s32 $0xFFFFC000  }
0x8f: {  	[spmem:s2] =	stream.indirect.scatter.add.f32 [tilespmem:s19], [sflag:$0x3], $0x80, s0, s21, $0xb8;
	[tilespmem:$0x1E800] =	vst v63  }
0x90: {  	p2 =	sge.u32 s28, s12;
	_ =	swait.ge [sflag:s20], $0x4000  }
0x91: {  	s30 =	simm.s32 @!p2 $0x80;
	s0 =	sadd.s32 @!p2 $0x80, s29;
	[sflag:s20] =	ssyncset.done $0x0  }
0x92: {  	s31 =	simm.s32 @!p2 $0x2800;
	[sflag:s20] =	ssyncadd.s32 $0xFFFFC000  }
0x93: {  	[tilespmem:s31], [sflag:$0x1] =	stream.indirect.gather @!p2 [hbm4b:s4+s30], $0x80, s0, s30, $0xb8;
	[tilespmem:$0x1E800] =	vst v63  }
0x94: {  	_ =	swait.ge [sflag:s25], $0x4000  }
.Ltmp7:
0x95: {  	[sflag:s25] =	ssyncset.done $0x0;
	(pc) =	sbr.rel @p1 .LBB2_7-.Ltmp7, $4  }
0x96: {  	s0 =	sadd.s32 $0x3, s1;
	[sflag:s25] =	ssyncadd.s32 $0xFFFFC000  }
0x97: {  	[spmem:s2] =	stream.indirect.scatter.add.f32 [tilespmem:s23], [sflag:$0x3], $0x80, s29, s21, $0xb8;
	[tilespmem:$0x1E800] =	vst v63  }
0x98: {  	p2 =	sge.u32 s0, s12;
	s29 =	sadd.s32 $0x200, s29;
	_ =	swait.ge [sflag:s20], $0x4000  }
0x99: {  	s30 =	sadd.s32 @!p2 $0x180, s3;
	s31 =	simm.s32 @!p2 $0x6800;
	[sflag:s20] =	ssyncset.done $0x0  }
.Ltmp8:
0x9a: {  	_ = 	snop;
	(pc) =	sbr.rel .LBB2_8-.Ltmp8, $1  }
0x9b: {  	_ =	sdelay $0x3  }
.LBB2_10:
0x9c: {  	_ =	sfence.sel $0x180000  }
0x9d: {  	[bflag:$0x0] =	sbarrier.arrive $0xFFFF  }
0x9e: {  	_ =	strace $0x9000004D  }
0x9f: {  	s0 =	stileid.u32;
	[bflag:$0x2] =	sbarrier.arrive $0xFFFF  }
0xa0: {  	p0 =	sne.s32 s0, $0x0;
	s0 =	rddreg [dreg:$0x3]  }
0xa1: {  	s0 =	sadd.s32 @!p0 $0x100000, s0  }
0xa2: {  	[sflag:s0] =	ssyncadd.tile.s32 @!p0 $0x1;
	_ =	shalt  }
.Lfunc_end2:
_tile_overlayer_lowered:
.L_overlay_start_2:
0xa3: {  	(tag) =	ssettag $0x2  }
0xa4: {  	s0 =	rddreg [dreg:$0x0];
	s2 =	stileid.u32  }
0xa5: {  	s1 =	rddreg [dreg:$0x1];
	p0 =	sne.s32 s2, $0x0  }
0xa6: {  	s3 =	rddreg [dreg:$0x2];
	[bflag:$0x3] =	sbarrier.arrive $0xFFFF;
	s2 =	simm.s32 @!p0 $0x1C03  }
0xa7: {  	[timem:s3], [sflag:s2] =	dma.local @!p0 [hbm:s0], s1  }
0xa8: {  	s0 =	simm.s32 @!p0 $0x3  }
0xa9: {  	_ =	swait.ge @!p0 [sflag:s0], s1  }
0xaa: {  	s1 =	ssub.s32 @!p0 $0x0, s1;
	[sflag:s0] =	ssyncset.done @!p0 $0x0  }
0xab: {  	[sflag:s0] =	ssyncadd.s32 @!p0 s1  }
0xac: {  	[bflag:$0x3] =	sbarrier.arrive $0xFFFF  }
0xad: {  	_ =	shalt  }

// kernel: kernel.8.cloned.1.call-start
scs
__scs_entry_jumppad:
0x0: {  	(pc) =	sbr.rel $0x88, $3  }
0x1: {  	(tag) =	ssettag $0x0;
	lr =	simm.s32 $0x1  }
0x2: {  	[smem:$0x3F9B] =	sst lr;
	_ =	strace $0xD0000000  }
0x3: {  	_ = 	snop  }
0x4: {  	_ = 	snop  }
0x5: {  	_ = 	snop  }
0x6: {  	_ = 	snop  }
0x7: {  	_ = 	snop  }
__scs_overlays_trampoline_lowered:
0x8: {  	[smem:$0x3FAA] =	sst s0  }
0x9: {  	[smem:$0x3FAB] =	sst s1  }
0xa: {  	[smem:$0x3FAC] =	sst s2  }
0xb: {  	[smem:$0x3FAD] =	sst s3  }
0xc: {  	[smem:$0x3FAE] =	sst s4  }
0xd: {  	[smem:$0x3FAF] =	sst s5  }
0xe: {  	[smem:$0x3FB0] =	sst s6  }
0xf: {  	[smem:$0x3FB1] =	sst s7  }
0x10: {  	[smem:$0x3FB2] =	sst s8  }
0x11: {  	[smem:$0x3FB3] =	sst s9;
	s0 =	simm.s32 @!p0 $0x0  }
0x12: {  	s1 =	sld [smem:$0x3F99];
	s0 =	simm.s32 @p0 $0x1  }
0x13: {  	[smem:$0x3FB4] =	sst s0;
	s0 =	simm.s32 @!p1 $0x0  }
0x14: {  	s2 =	sld [smem:$0x3F98];
	s0 =	simm.s32 @p1 $0x1  }
0x15: {  	[smem:$0x3FB5] =	sst s0;
	s0 =	simm.s32 @!p2 $0x0  }
0x16: {  	s3 =	sld [smem:$0x3FDB];
	s0 =	simm.s32 @p2 $0x1  }
0x17: {  	s4 =	simm.s32 $0x1BF5;
	[smem:$0x3FB7] =	sst s0  }
0x18: {  	s0 =	sld [smem:$0x3F9A];
	_ =	swait.ge [sflag:s4], $0x0  }
0x19: {  	s7 =	sld [smem:$0x3F9B]  }
0x1a: {  	s8 =	sadd.s32 $0xFFFFE003, lr  }
0x1b: {  	s9 =	sadd.s32 $0xFFFFFEF7, lr;
	s5 =	simm.s32 $0xFFFFFFFF;
	p2 =	slt.u32 s8, $0xFFFFF086  }
0x1c: {  	p1 =	slt.u32 s9, $0xF7A;
	s5 =	simm.s32 @!p2 $0x0  }
0x1d: {  	s5 =	simm.s32 @p1 $0x1;
	p0 =	seq.s32 s7, s2  }
0x1e: {  	s7 =	smul.u32 @!p0 $0xF7A, s2;
	p2 =	seq.s32 @!p0 s5, $0x0  }
0x1f: {  	s9 =	smul.u32 $0xF7A, s1;
	s8 =	simm.s32 @!p0 $0x1BF5;
	p2 =	por !p2, p0  }
0x20: {  	[sflag:s8] =	ssyncset.s32 @!p0 $0xFFFFF086;
	s6 =	sadd.s32 @!p0 s3, s7;
	s7 =	simm.s32 @!p0 $0x108  }
0x21: {  	s3 =	sadd.s32 s3, s9;
	s6 =	sadd.s32 @!p0 $0x88, s6;
	s7 =	simm.s32 @p2 $0x1082  }
0x22: {  	[simem:s7], [sflag:s8] =	dma.local @!p0 [hbm:s6], $0xF7A  }
0x23: {  	s9 =	sor.u32 $0xD0000000, s2;
	s6 =	simm.s32 $0x108;
	_ =	swait.ge @!p0 [sflag:s8], $0x0  }
0x24: {  	s3 =	sadd.s32 $0x88, s3;
	s6 =	simm.s32 @!p1 $0x1082;
	[sflag:s4] =	ssyncset.s32 $0xFFFFF086  }
0x25: {  	[simem:s6], [sflag:s4] =	dma.local [hbm:s3], $0xF7A  }
0x26: {  	[smem:$0x3F9B] =	sst s1;
	(tag) =	ssettag s2;
	_ =	strace s9  }
0x27: {  	s1 =	sld [smem:$0x3FAB]  }
0x28: {  	s2 =	sld [smem:$0x3FAC]  }
0x29: {  	s4 =	sld [smem:$0x3FAE]  }
0x2a: {  	p0 =	seq.s32 s5, $0x0;
	s5 =	sld [smem:$0x3FAF]  }
0x2b: {  	s6 =	sld [smem:$0x3FB0]  }
0x2c: {  	s7 =	sld [smem:$0x3FB1]  }
0x2d: {  	s3 =	simm.s32 $0x108;
	s8 =	sld [smem:$0x3FB2]  }
0x2e: {  	s3 =	simm.s32 @!p0 $0x1082;
	s9 =	sld [smem:$0x3FB3]  }
0x2f: {  	lr =	sadd.s32 s0, s3;
	s0 =	sld [smem:$0x3FAA]  }
0x30: {  	s3 =	sld [smem:$0x3FAD]  }
0x31: {  	[smem:$0x3FB6] =	sst s10  }
0x32: {  	s10 =	sld [smem:$0x3FB4];
	_ =	sdelay $0x3  }
0x33: {  	p0 =	seq.s32 s10, $0x1;
	s10 =	sld [smem:$0x3FB6];
	_ =	sdelay $0x3  }
0x34: {  	[smem:$0x3FB6] =	sst s10  }
0x35: {  	s10 =	sld [smem:$0x3FB5];
	_ =	sdelay $0x3  }
0x36: {  	p1 =	seq.s32 s10, $0x1;
	s10 =	sld [smem:$0x3FB6];
	_ =	sdelay $0x3  }
0x37: {  	[smem:$0x3FB6] =	sst s10  }
0x38: {  	s10 =	sld [smem:$0x3FB7]  }
0x39: {  	_ = 	snop;
	(pc) =	sbr.ind lr, $3  }
0x3a: {  	_ = 	snop  }
0x3b: {  	_ = 	snop  }
0x3c: {  	p2 =	seq.s32 s10, $0x1;
	s10 =	sld [smem:$0x3FB6]  }
0x3d: {  	_ =	shalt  }
0x3e: {  	_ =	shalt  }
0x3f: {  	_ =	shalt  }
0x40: {  	_ =	shalt  }
0x41: {  	_ =	shalt  }
0x42: {  	_ =	shalt  }
0x43: {  	_ =	shalt  }
0x44: {  	_ =	shalt  }
0x45: {  	_ =	shalt  }
0x46: {  	_ =	shalt  }
0x47: {  	_ =	shalt  }
0x48: {  	_ =	shalt  }
0x49: {  	_ =	shalt  }
0x4a: {  	_ =	shalt  }
0x4b: {  	_ =	shalt  }
0x4c: {  	_ =	shalt  }
0x4d: {  	_ =	shalt  }
0x4e: {  	_ =	shalt  }
0x4f: {  	_ =	shalt  }
0x50: {  	_ =	shalt  }
0x51: {  	_ =	shalt  }
0x52: {  	_ =	shalt  }
0x53: {  	_ =	shalt  }
0x54: {  	_ =	shalt  }
0x55: {  	_ =	shalt  }
0x56: {  	_ =	shalt  }
0x57: {  	_ =	shalt  }
0x58: {  	_ =	shalt  }
0x59: {  	_ =	shalt  }
0x5a: {  	_ =	shalt  }
0x5b: {  	_ =	shalt  }
0x5c: {  	_ =	shalt  }
0x5d: {  	_ =	shalt  }
0x5e: {  	_ =	shalt  }
0x5f: {  	_ =	shalt  }
0x60: {  	_ =	shalt  }
0x61: {  	_ =	shalt  }
0x62: {  	_ =	shalt  }
0x63: {  	_ =	shalt  }
0x64: {  	_ =	shalt  }
0x65: {  	_ =	shalt  }
0x66: {  	_ =	shalt  }
0x67: {  	_ =	shalt  }
0x68: {  	_ =	shalt  }
0x69: {  	_ =	shalt  }
0x6a: {  	_ =	shalt  }
0x6b: {  	_ =	shalt  }
0x6c: {  	_ =	shalt  }
0x6d: {  	_ =	shalt  }
0x6e: {  	_ =	shalt  }
0x6f: {  	_ =	shalt  }
0x70: {  	_ =	shalt  }
0x71: {  	_ =	shalt  }
0x72: {  	_ =	shalt  }
0x73: {  	_ =	shalt  }
0x74: {  	_ =	shalt  }
0x75: {  	_ =	shalt  }
0x76: {  	_ =	shalt  }
0x77: {  	_ =	shalt  }
0x78: {  	_ =	shalt  }
0x79: {  	_ =	shalt  }
0x7a: {  	_ =	shalt  }
0x7b: {  	_ =	shalt  }
0x7c: {  	_ =	shalt  }
0x7d: {  	_ =	shalt  }
0x7e: {  	_ =	shalt  }
0x7f: {  	_ =	shalt  }
0x80: {  	_ =	shalt  }
0x81: {  	_ =	shalt  }
0x82: {  	_ =	shalt  }
0x83: {  	_ =	shalt  }
0x84: {  	_ =	shalt  }
0x85: {  	_ =	shalt  }
0x86: {  	_ =	shalt  }
0x87: {  	_ =	shalt  }
.Lfunc_end0:
.L_simem_size_0:
called_computation_lowered:
.L_overlay_start_0:
0x88: {  	s2 =	sld [smem:$0x3FD9]  }
0x89: {  	s3 =	sld [smem:$0x3FFE];
	_ =	sdelay $0x1  }
0x8a: {  	s1 =	srdreg.scid  }
0x8b: {  	s0 =	sand.u32 $0x1, s1  }
0x8c: {  	s18 =	sshll.u32 s0, $0xA;
	s2 =	sadd.s32 s3, s2  }
0x8d: {  	s2 =	sadd.s32 s2, s18  }
0x8e: {  	[smem:$0x3FC2] =	sst s2  }
0x8f: {  	_ = 	snop  }
0x90: {  	s2 =	sld [smem:$0x3FC8]  }
0x91: {  	s19 =	sld [smem:$0x3FD0];
	(tm) =	ssettm $0x1  }
0x92: {  	s4 =	sld [smem:$0x3FFB];
	_ =	sdelay $0x3  }
0x93: {  	_ =	strace s4  }
0x94: {  	s4 =	sld [smem:$0x3FFC];
	_ =	sdelay $0x3  }
0x95: {  	_ =	strace s4  }
0x96: {  	s4 =	sld [smem:$0x3FFD];
	_ =	sdelay $0x3  }
0x97: {  	_ =	strace s4  }
0x98: {  	_ =	strace $0x8FFFFFFF  }
0x99: {  	s20 =	sld [smem:$0x3FDB];
	_ =	sdelay $0x1  }
0x9a: {  	s5 =	simm.s32 $_scs_section_size  }
0x9b: {  	s6 =	simm.s32 $_size__tile_overlayer_lowered;
	s7 =	simm.s32 $_tile_overlayer_lowered  }
0x9c: {  	s23 =	simm.s32 $0x1BFF;
	s22 =	sshll.u32 s7, $0x1;
	s4 =	sadd.s32 s5, s20  }
0x9d: {  	s8 =	simm.s32 $0x0;
	s21 =	sshll.u32 s6, $0x1;
	s6 =	sadd.s32 s22, s4  }
0x9e: {  	[timem:s8], [sflag:s23] =	dma.local [hbm:s6], s21  }
0x9f: {  	_ =	swait.ge [sflag:s23], s21  }
0xa0: {  	s5 =	ssub.s32 $0x0, s21;
	[sflag:s23] =	ssyncset.done $0x0  }
0xa1: {  	[sflag:s23] =	ssyncadd.s32 s5;
	_ =	sdelay $0x1  }
0xa2: {  	s24 =	simm.s32 $0x1B8B  }
0xa3: {  	_ =	swait.ge [sflag:s24], $0x1  }
0xa4: {  	[sflag:s24] =	ssyncset.done $0x0  }
0xa5: {  	s25 =	simm.s32 $0x1B8E;
	[sflag:s24] =	ssyncadd.s32 $0xFFFFFFFF  }
0xa6: {  	s26 =	simm.s32 $execute0_lowered;
	[smem:$0x3FD2] =	sst s25  }
0xa7: {  	s5 =	sshll.u32 s26, $0x1;
	_ =	strace $0x80000046;
	[dreg:$0x1] =	wrdreg $0xFFFFFFFF  }
0xa8: {  	s28 =	simm.s32 $_size_execute0_lowered;
	s4 =	sadd.s32 s4, s5;
	[dreg:$0x0] =	wrdreg $0x0  }
0xa9: {  	s5 =	sshll.u32 s28, $0x1;
	[dreg:$0x2] =	wrdreg s4  }
0xaa: {  	[dreg:$0x3] =	wrdreg s5  }
0xab: {  	[dreg:$0x4] =	wrdreg $0xC0  }
0xac: {  	_ =	task [dreg:s8], $0x5FFFF  }
0xad: {  	[dreg:$0x1] =	wrdreg $0xFFFFFFFF  }
0xae: {  	[dreg:$0x0] =	wrdreg $0x60  }
0xaf: {  	[dreg:$0x2] =	wrdreg s2  }
0xb0: {  	[dreg:$0x3] =	wrdreg s19  }
0xb1: {  	[dreg:$0x4] =	wrdreg $0x51000  }
0xb2: {  	[dreg:$0x5] =	wrdreg $0x9  }
0xb3: {  	_ =	task.clear_ibuf [dreg:s8], $0x6FFFF;
	_ =	strace $0x90000046  }
0xb4: {  	s29 =	simm.s32 $0x9;
	_ =	strace $0x80000048  }
0xb5: {  	_ =	swait.ge [sflag:s29], $0x1  }
0xb6: {  	[sflag:s29] =	ssyncadd.s32 $0xFFFFFFFF  }
0xb7: {  	_ =	strace $0x90000048  }
0xb8: {  	_ =	sfence  }
0xb9: {  	s30 =	sld [smem:$0x0];
	_ =	sdelay $0x2  }
0xba: {  	s31 =	sshll.u32 s1, $0xD;
	s1 =	sshrl.u32 s1, $0x2  }
0xbb: {  	s3 =	sand.u32 $0x4000, s31;
	s1 =	sadd.s32 s1, s30  }
0xbc: {  	s0 =	sor.u32 s3, s0;
	s1 =	sshll.u32 s1, $0x11  }
0xbd: {  	s0 =	sor.u32 s1, s0  }
0xbe: {  	s0 =	sadd.s32 $0x8F2B, s0  }
0xbf: {  	[sflag:s0] =	ssyncadd.remote.s32 $0x1  }
0xc0: {  	_ =	sfence.sel $0xFFFF  }
0xc1: {  	[dreg:$0x0] =	wrdreg $0xFFFFFFFF;
	(pc) =	sbr.abs _section_cstart, $3  }
0xc2: {  	[dreg:$0x1] =	wrdreg $0xFFFFFFFF  }
0xc3: {  	_ =	task.clear_ibuf [dreg:s8], $0x2FFFF;
	_ =	strace $0x9FFFFFFF  }
0xc4: {  	(tm) =	ssettm $0x7FFFFFFF  }
0xc5: {  	_ =	shalt  }
tec
execute0_lowered:
.L_overlay_start_1:
0x0: {  	(tag) =	ssettag $0x1  }
0x1: {  	s11 =	rddreg [dreg:$0x0]  }
0x2: {  	s12 =	rddreg [dreg:$0x1]  }
0x3: {  	s2 =	rddreg [dreg:$0x2]  }
0x4: {  	s0 =	rddreg [dreg:$0x3];
	s4 =	srdreg.scid  }
0x5: {  	s1 =	stileid.u32;
	s3 =	simm.s32 $0x0;
	s8 =	simm.s32 $0x14  }
0x6: {  	s16 =	simm.s32 $0x80;
	s17 =	simm.s32 $0x5080;
	s18 =	simm.s32 $0x1  }
0x7: {  	s21 =	simm.s32 $0x20;
	s22 =	simm.s32 $0x10;
	s30 =	smul.u32 $0xA00, s1  }
0x8: {  	s9 =	sand.u32 $0x1, s4;
	[smem:$0x7FF] =	sst s3;
	s14 =	smul.u32 $0x500, s1  }
0x9: {  	s19 =	sshll.u32 s1, $0x6;
	s5 =	ssub.s32 $0x2, s9;
	_ =	strace $0x80000047  }
0xa: {  	s31 =	sshll.u32 s9, $0x4;
	s15 =	sshll.u32 s9, $0x7;
	s19 =	sor.u32 $0x1C02, s19  }
0xb: {  	s6 =	sshrl.u32 s5, $0x1;
	s4 =	sshrl.u32 s30, $0x2;
	s10 =	sor.u32 s1, s31  }
0xc: {  	s14 =	sor.u32 s15, s14;
	s15 =	simm.s32 $0x2;
	s13 =	ssub.s32 s5, s6  }
0xd: {  	s4 =	sadd.s32 s4, s2;
	p0 =	seq.s32 s10, $0x1F;
	s10 =	smul.u32 $0xA00, s10  }
0xe: {  	s14 =	sshrl.u32 s14, $0x3;
	s5 =	sadd.s32 $0x80, s4;
	s6 =	sadd.s32 $0x100, s4  }
0xf: {  	s7 =	sadd.s32 $0x180, s4;
	s9 =	sadd.s32 $0x200, s4;
	s8 =	simm.s32 @!p0 $0x50  }
0x10: {  	s12 =	sadd.s32 s12, s14;
	s13 =	smax.u32 s13, $0x1;
	s14 =	simm.s32 $0x5000  }
0x11: {  	v0 =	vimm.f32 $0.0e+00;
	v1 =	vimm.f32 $1.000000000e+00;
	s20 =	sshrl.u32 s4, $0x3;
	s10 =	sadd.s32 s11, s10;
	s11 =	sadd.s32 $0x13600, s11  }
.LBB2_1:
0x12: {  	[tilespmem:$0x5000] =	vst v0  }
0x13: {  	[tilespmem:$0x5080] =	vst v1  }
0x14: {  	[tilespmem:$0x5010] =	vst v0  }
0x15: {  	[tilespmem:$0x5090] =	vst v1  }
0x16: {  	[tilespmem:$0x5020] =	vst v0  }
0x17: {  	[tilespmem:$0x50A0] =	vst v1  }
0x18: {  	[tilespmem:$0x5030] =	vst v0  }
0x19: {  	[tilespmem:$0x50B0] =	vst v1  }
0x1a: {  	[tilespmem:$0x5040] =	vst v0  }
0x1b: {  	[tilespmem:$0x50C0] =	vst v1  }
0x1c: {  	[tilespmem:$0x5050] =	vst v0  }
0x1d: {  	[tilespmem:$0x50D0] =	vst v1  }
0x1e: {  	[tilespmem:$0x5060] =	vst v0  }
0x1f: {  	[tilespmem:$0x50E0] =	vst v1  }
0x20: {  	[tilespmem:$0x5070] =	vst v0  }
0x21: {  	[tilespmem:$0x50F0] =	vst v1  }
0x22: {  	[spmem:s4] =	stream.linear.scatter [tilespmem:s14], [sflag:$0x2], $0x80, $0x38;
	[tilespmem:$0x5380] =	vst v63  }
0x23: {  	_ =	swait.ge [sflag:s15], $0x80  }
0x24: {  	[sflag:s15] =	ssyncset.done $0x0  }
0x25: {  	[sflag:s15] =	ssyncadd.s32 $0xFFFFFF80  }
0x26: {  	[spmem:s5] =	stream.linear.scatter [tilespmem:s14], [sflag:$0x2], $0x80, $0x38;
	[tilespmem:$0x5380] =	vst v63  }
0x27: {  	_ =	swait.ge [sflag:s15], $0x80  }
0x28: {  	[sflag:s15] =	ssyncset.done $0x0  }
0x29: {  	[sflag:s15] =	ssyncadd.s32 $0xFFFFFF80  }
0x2a: {  	[spmem:s6] =	stream.linear.scatter [tilespmem:s14], [sflag:$0x2], $0x80, $0x38;
	[tilespmem:$0x5380] =	vst v63  }
0x2b: {  	_ =	swait.ge [sflag:s15], $0x80  }
0x2c: {  	[sflag:s15] =	ssyncset.done $0x0  }
0x2d: {  	[sflag:s15] =	ssyncadd.s32 $0xFFFFFF80  }
0x2e: {  	[spmem:s7] =	stream.linear.scatter [tilespmem:s14], [sflag:$0x2], $0x80, $0x38;
	[tilespmem:$0x5380] =	vst v63  }
0x2f: {  	_ =	swait.ge [sflag:s15], $0x80  }
0x30: {  	[sflag:s15] =	ssyncset.done $0x0  }
0x31: {  	[sflag:s15] =	ssyncadd.s32 $0xFFFFFF80  }
0x32: {  	[spmem:s9] =	stream.linear.scatter [tilespmem:s14], [sflag:$0x2], $0x80, $0x38;
	[tilespmem:$0x5380] =	vst v63  }
0x33: {  	_ =	swait.ge [sflag:s15], $0x80  }
0x34: {  	[sflag:s15] =	ssyncset.done $0x0  }
0x35: {  	[sflag:s15] =	ssyncadd.s32 $0xFFFFFF80  }
0x36: {  	s23 =	simm.s32 @p0 $0x0;
	[bflag:$0x0] =	sbarrier.arrive $0xFFFF  }
0x37: {  	[tilespmem:s23], [sflag:$0x2] =	stream.linear.gather @p0 [hbm4b:s11+s23], $0x1400, $0x38;
	[tilespmem:$0x5380] =	vst v63  }
0x38: {  	s23 =	simm.s32 @p0 $0x2  }
0x39: {  	_ =	swait.ge @p0 [sflag:s23], $0x1400  }
0x3a: {  	[sflag:s23] =	ssyncset.done @p0 $0x0  }
0x3b: {  	p1 =	sne.s32 s8, $0x1;
	[sflag:s23] =	ssyncadd.s32 @p0 $0xFFFFEC00;
	s23 =	simm.s32 @!p0 $0x0  }
0x3c: {  	[tilespmem:s23], [sflag:$0x2] =	stream.linear.gather @!p0 [hbm4b:s10+s23], $0x5000, $0x38;
	[tilespmem:$0x5380] =	vst v63  }
.Ltmp0:
0x3d: {  	s23 =	simm.s32 @!p0 $0x2;
	(pc) =	sbr.rel @!p1 .LBB2_3-.Ltmp0, $4  }
0x3e: {  	_ =	swait.ge @!p0 [sflag:s23], $0x5000  }
0x3f: {  	[sflag:s23] =	ssyncset.done @!p0 $0x0  }
0x40: {  	s24 =	simm.s32 $0x80;
	[sflag:s23] =	ssyncadd.s32 @!p0 $0xFFFFB000;
	s23 =	sadd.s32 $0xFFFFFFFF, s8  }
0x41: {  	[spmem:s2] =	stream.indirect.scatter.add.f32 [tilespmem:s17], [sflag:$0x1], $0x1, s16, s16, $0xb8;
	[tilespmem:$0x5380] =	vst v63  }
.LBB2_2:
0x42: {  	p2 =	sne.s32 s23, $0x1  }
.Ltmp1:
0x43: {  	_ = 	snop;
	(pc) =	sbr.rel @p2 .LBB2_2-.Ltmp1, $3  }
0x44: {  	_ = 	snop  }
0x45: {  	s23 =	sadd.s32 $0xFFFFFFFF, s23;
	s24 =	sadd.s32 $0x100, s24;
	_ =	sdelay $0x1  }
0x46: {  	[spmem:s2] =	stream.indirect.scatter.add.f32 [tilespmem:s17], [sflag:$0x1], $0x1, s24, s16, $0xb8;
	[tilespmem:$0x5380] =	vst v63  }
.LBB2_3:
.Ltmp2:
0x47: {  	(pc) =	sbr.rel @!p1 .LBB2_5-.Ltmp2, $3  }
0x48: {  	_ =	sdelay $0x1  }
0x49: {  	_ =	swait.ge [sflag:s18], $0x80  }
0x4a: {  	s23 =	sadd.s32 $0xFFFFFFFF, s8;
	[sflag:s18] =	ssyncset.done $0x0  }
.LBB2_4:
0x4b: {  	p1 =	sne.s32 s23, $0x1;
	s23 =	sadd.s32 $0xFFFFFFFF, s23;
	[sflag:s18] =	ssyncadd.s32 $0xFFFFFF80  }
.Ltmp3:
0x4c: {  	(pc) =	sbr.rel @p1 .LBB2_4-.Ltmp3, $3  }
0x4d: {  	_ =	sdelay $0x1  }
0x4e: {  	_ =	swait.ge [sflag:s18], $0x80  }
0x4f: {  	[sflag:s18] =	ssyncset.done $0x0  }
.LBB2_5:
0x50: {  	s3 =	sadd.s32 $0x1, s3  }
0x51: {  	[sflag:s18] =	ssyncadd.s32 $0xFFFFFF80;
	p1 =	sne.s32 s3, s13  }
.Ltmp4:
0x52: {  	[bflag:$0x0] =	sbarrier.arrive $0xFFFF;
	(pc) =	sbr.rel @p1 .LBB2_1-.Ltmp4, $4  }
0x53: {  	[hbm:s12@s21], [sflag:s19] =	dma.strided [spmem:s20@s22], $0x50, s18, $0x10   }
0x54: {  	_ =	swait.ge [sflag:s15], $0x50  }
0x55: {  	[sflag:s15] =	ssyncset.done $0x0  }
0x56: {  	[sflag:s15] =	ssyncadd.s32 $0xFFFFFFB0  }
0x57: {  	_ =	sfence.sel $0x180000  }
0x58: {  	[bflag:$0x0] =	sbarrier.arrive $0xFFFF  }
0x59: {  	p0 =	sne.s32 s1, $0x0;
	_ =	strace $0x90000047  }
0x5a: {  	s0 =	sadd.s32 @!p0 $0x100000, s0;
	[bflag:$0x2] =	sbarrier.arrive $0xFFFF  }
0x5b: {  	[sflag:s0] =	ssyncadd.tile.s32 @!p0 $0x1;
	_ =	shalt  }
.Lfunc_end2:
_tile_overlayer_lowered:
.L_overlay_start_2:
0x5c: {  	(tag) =	ssettag $0x2  }
0x5d: {  	s0 =	rddreg [dreg:$0x0];
	s2 =	stileid.u32  }
0x5e: {  	s1 =	rddreg [dreg:$0x1];
	p0 =	sne.s32 s2, $0x0  }
0x5f: {  	s3 =	rddreg [dreg:$0x2];
	[bflag:$0x3] =	sbarrier.arrive $0xFFFF;
	s2 =	simm.s32 @!p0 $0x1C02  }
0x60: {  	[timem:s3], [sflag:s2] =	dma.local @!p0 [hbm:s0], s1  }
0x61: {  	s0 =	simm.s32 @!p0 $0x2  }
0x62: {  	_ =	swait.ge @!p0 [sflag:s0], s1  }
0x63: {  	s1 =	ssub.s32 @!p0 $0x0, s1;
	[sflag:s0] =	ssyncset.done @!p0 $0x0  }
0x64: {  	[sflag:s0] =	ssyncadd.s32 @!p0 s1  }
0x65: {  	[bflag:$0x3] =	sbarrier.arrive $0xFFFF  }
0x66: {  	_ =	shalt  }

</sc_bundles>
